<compile_context>
chip_gen: v7x
topology: tpu7x:2x2x1
jax: 0.10.2.dev20260603
libtpu: 0.0.44.dev20260713+nightly
codegen_flags: <defaults>
</compile_context>

<pallas_src>
import jax
import jax.numpy as jnp
import numpy as np
from jax import lax
from jax.experimental import pallas as pl
from jax.experimental.pallas import tpu as pltpu
from jax.experimental.pallas import tpu_sc as plsc

N = 10000
E = 320000
IN_FEATS = 128
H = 8
F = 16
D = H * F

NC = 2
NS = 16
NW = NC * NS
EPW = E // NW
C = 40
NCHUNK = EPW // C
RB = 3
NITER = NCHUNK // RB
NTAIL = NCHUNK % RB

_BLK = 400
_NBLK = N // _BLK


def _prep_body(x_ref, wt_ref, al_ref, ar_ref, s2_ref, ft_ref, ell_ref, err_ref):
    ft = jnp.dot(x_ref[...], wt_ref[...], preferred_element_type=jnp.float32)
    ft_ref[...] = ft
    ell_ref[...] = jnp.dot(ft * al_ref[...], s2_ref[...],
                           preferred_element_type=jnp.float32)
    err_ref[...] = jnp.dot(ft * ar_ref[...], s2_ref[...],
                           preferred_element_type=jnp.float32)


def _edge_body(ft_hbm, ell_hbm, err_hbm, src_hbm, dst_hbm, zrow_hbm, zsum_hbm,
               outp_hbm, outs_hbm,
               rst_sh, esum_sh, srcv, dstv, ftb, elb, erb,
               g0, g1, g2, s0, s1, s2):
    gsems = (g0, g1, g2)
    ssems = (s0, s1, s2)
    c = lax.axis_index("c")
    s = lax.axis_index("s")
    wid = s * NC + c

    rbase = s * (N // NS)
    pltpu.sync_copy(zrow_hbm.at[pl.ds(rbase, N // NS)],
                    rst_sh.at[pl.ds(rbase, N // NS)])
    pltpu.sync_copy(zsum_hbm.at[pl.ds(rbase, N // NS)],
                    esum_sh.at[pl.ds(rbase, N // NS)])

    pltpu.sync_copy(src_hbm.at[wid], srcv)
    pltpu.sync_copy(dst_hbm.at[wid], dstv)

    plsc.subcore_barrier()

    def start_gathers(k, b):
        pltpu.async_copy(ft_hbm.at[srcv.at[k]], ftb.at[b], gsems[b])
        pltpu.async_copy(ell_hbm.at[srcv.at[k]], elb.at[b], gsems[b])
        pltpu.async_copy(err_hbm.at[dstv.at[k]], erb.at[b], gsems[b])

    def drain_gathers(k, b):
        pltpu.make_async_copy(ft_hbm.at[srcv.at[k]], ftb.at[b], gsems[b]).wait()
        pltpu.make_async_copy(ell_hbm.at[srcv.at[k]], elb.at[b], gsems[b]).wait()
        pltpu.make_async_copy(err_hbm.at[dstv.at[k]], erb.at[b], gsems[b]).wait()

    def start_scatters(k, b):
        pltpu.async_copy(ftb.at[b], rst_sh.at[dstv.at[k]], ssems[b], add=True)
        pltpu.async_copy(elb.at[b], esum_sh.at[dstv.at[k]], ssems[b], add=True)

    def drain_scatters(k, b):
        pltpu.make_async_copy(ftb.at[b], rst_sh.at[dstv.at[k]], ssems[b]).wait()
        pltpu.make_async_copy(elb.at[b], esum_sh.at[dstv.at[k]], ssems[b]).wait()

    def compute(b):
        @plsc.parallel_loop(0, C, unroll=4)
        def _(j):
            e16 = elb[b, j, :] + erb[b, j, :]
            e16 = jnp.where(e16 >= 0.0, e16, 0.2 * e16)
            w = jnp.exp(e16)
            elb[b, j, :] = w
            for h in range(H):
                ftb[b, j, pl.ds(h * F, F)] = ftb[b, j, pl.ds(h * F, F)] * w[h]

    for b in range(RB - 1):
        start_gathers(b, b)

    def outer(g, carry):
        base = g * RB
        for b in range(RB):
            k = base + b
            kn = k + RB - 1
            bn = (b + RB - 1) % RB

            @pl.when(kn < NCHUNK)
            def _(kn=kn, bn=bn):
                @pl.when(kn >= RB)
                def _():
                    drain_scatters(kn - RB, bn)

                start_gathers(kn, bn)

            drain_gathers(k, b)
            compute(b)
            start_scatters(k, b)
        return carry

    lax.fori_loop(0, NITER, outer, 0)

    for t in range(NCHUNK - NTAIL, NCHUNK):
        b = t % RB
        drain_gathers(t, b)
        compute(b)
        start_scatters(t, b)

    for t in range(NCHUNK - RB, NCHUNK):
        drain_scatters(t, t % RB)

    plsc.subcore_barrier()

    pltpu.sync_copy(rst_sh.at[pl.ds(rbase, N // NS)],
                    outp_hbm.at[pl.ds(c * N + rbase, N // NS)])
    pltpu.sync_copy(esum_sh.at[pl.ds(rbase, N // NS)],
                    outs_hbm.at[pl.ds(c * N + rbase, N // NS)])


def _combine_body(p_ref, s_ref, b16_ref, out_ref):
    ps = p_ref[0] + p_ref[1]
    ss = s_ref[0] + s_ref[1]
    inv = jnp.where(ss > 0.0, 1.0 / ss, 0.0)
    expand = jnp.dot(inv, b16_ref[...], preferred_element_type=jnp.float32)
    out_ref[...] = ps * expand


_ZCACHE = []


def _zero_tables():
    if not _ZCACHE:
        _ZCACHE.append((jnp.zeros((N, D), jnp.float32),
                        jnp.zeros((N, F), jnp.float32)))
    return _ZCACHE[0]


@jax.jit
def _gat(x, src, dst, wt, al, ar, zrow, zsum):
    s2 = np.zeros((D, F), dtype=np.float32)
    for h in range(H):
        s2[h * F:(h + 1) * F, h] = 1.0
    b16 = np.zeros((F, D), dtype=np.float32)
    for h in range(H):
        b16[h, h * F:(h + 1) * F] = 1.0
    s2 = jnp.asarray(s2)
    b16 = jnp.asarray(b16)

    ft, ell, err = pl.pallas_call(
        _prep_body,
        grid=(_NBLK,),
        in_specs=[
            pl.BlockSpec((_BLK, IN_FEATS), lambda i: (i, 0)),
            pl.BlockSpec((IN_FEATS, D), lambda i: (0, 0)),
            pl.BlockSpec((1, D), lambda i: (0, 0)),
            pl.BlockSpec((1, D), lambda i: (0, 0)),
            pl.BlockSpec((D, F), lambda i: (0, 0)),
        ],
        out_specs=[
            pl.BlockSpec((_BLK, D), lambda i: (i, 0)),
            pl.BlockSpec((_BLK, F), lambda i: (i, 0)),
            pl.BlockSpec((_BLK, F), lambda i: (i, 0)),
        ],
        out_shape=[
            jax.ShapeDtypeStruct((N, D), jnp.float32),
            jax.ShapeDtypeStruct((N, F), jnp.float32),
            jax.ShapeDtypeStruct((N, F), jnp.float32),
        ],
    )(x, wt, al, ar, s2)

    edge_kernel = pl.kernel(
        _edge_body,
        out_type=[
            jax.ShapeDtypeStruct((NC * N, D), jnp.float32),
            jax.ShapeDtypeStruct((NC * N, F), jnp.float32),
        ],
        mesh=plsc.VectorSubcoreMesh(core_axis_name="c", subcore_axis_name="s"),
        compiler_params=pltpu.CompilerParams(use_tc_tiling_on_sc=False),
        scratch_types=[
            pltpu.VMEM_SHARED((N, D), jnp.float32),
            pltpu.VMEM_SHARED((N, F), jnp.float32),
            pltpu.VMEM((NCHUNK, C), jnp.int32),
            pltpu.VMEM((NCHUNK, C), jnp.int32),
            pltpu.VMEM((RB, C, D), jnp.float32),
            pltpu.VMEM((RB, C, F), jnp.float32),
            pltpu.VMEM((RB, C, F), jnp.float32),
            pltpu.SemaphoreType.DMA,
            pltpu.SemaphoreType.DMA,
            pltpu.SemaphoreType.DMA,
            pltpu.SemaphoreType.DMA,
            pltpu.SemaphoreType.DMA,
            pltpu.SemaphoreType.DMA,
        ],
    )
    outp, outs = edge_kernel(ft, ell, err, src, dst, zrow, zsum)

    outp = outp.reshape(NC, N, D)
    outs = outs.reshape(NC, N, F)

    out = pl.pallas_call(
        _combine_body,
        grid=(_NBLK,),
        in_specs=[
            pl.BlockSpec((NC, _BLK, D), lambda i: (0, i, 0)),
            pl.BlockSpec((NC, _BLK, F), lambda i: (0, i, 0)),
            pl.BlockSpec((F, D), lambda i: (0, 0)),
        ],
        out_specs=pl.BlockSpec((_BLK, D), lambda i: (i, 0)),
        out_shape=jax.ShapeDtypeStruct((N, D), jnp.float32),
    )(outp, outs, b16)

    return out.reshape(N, H, F)


def kernel(x, edge_index, W, attn_l, attn_r):
    src = edge_index[0].astype(jnp.int32).reshape(NW, NCHUNK, C)
    dst = edge_index[1].astype(jnp.int32).reshape(NW, NCHUNK, C)
    wt = W.T
    al = attn_l.reshape(1, D)
    ar = attn_r.reshape(1, D)
    zrow, zsum = _zero_tables()
    return _gat(x, src, dst, wt, al, ar, zrow, zsum)

# --- scband reference (transcript-rebuilt; emitter-appended) ---
"""Pipeline reference for scband-gatlayer-35562329210947 (READ-ONLY COPY).

The authoritative reference and input builder live on the scoring server;
editing this copy changes nothing except your own understanding.
"""

import jax, jax.numpy as jnp
import numpy as np

N = 10000
E = 320000
IN_FEATS = 128
H = 8
F = 16

def setup_inputs(seed: int = 0) -> dict:
    key = jax.random.key(seed)
    k1, k2, k3, k4, k5 = jax.random.split(key, 5)
    x = jax.random.normal(k1, (N, IN_FEATS), dtype=jnp.float32)
    edge_index = jax.random.randint(k2, (2, E), 0, N)
    gain = np.sqrt(2.0)  # calculate_gain('relu')
    # fc weight: torch Linear weight shape [out, in] = [H*F, IN_FEATS], xavier_normal
    std_w = gain * np.sqrt(2.0 / (IN_FEATS + H * F))
    W = jax.random.normal(k3, (H * F, IN_FEATS), dtype=jnp.float32) * std_w
    # attn params shape (1, H, F), xavier_normal with fan_in=F (last dim), fan_out=H (dim -2)
    std_a = gain * np.sqrt(2.0 / (H + F))
    attn_l = jax.random.normal(k4, (1, H, F), dtype=jnp.float32) * std_a
    attn_r = jax.random.normal(k5, (1, H, F), dtype=jnp.float32) * std_a
    return {"x": x, "edge_index": edge_index, "W": W, "attn_l": attn_l, "attn_r": attn_r}

def reference(x, edge_index, W, attn_l, attn_r):
    n = x.shape[0]
    ft = (x @ W.T).reshape(n, H, F)                 # fc + view(-1, H, F)
    el = (ft * attn_l).sum(axis=-1)                 # [N, H]
    er = (ft * attn_r).sum(axis=-1)                 # [N, H]
    src = edge_index[0]
    dst = edge_index[1]
    # u_add_v: el[src] + er[dst], then leaky_relu(0.2)
    e = el[src] + er[dst]                           # [E, H]
    e = jnp.where(e >= 0, e, 0.2 * e)
    # edge softmax over incoming edges of dst nodes
    smax = jax.ops.segment_max(e, dst, num_segments=n)   # copy_e + max
    e = jnp.exp(e - smax[dst])                            # e_sub_v + exp
    esum = jax.ops.segment_sum(e, dst, num_segments=n)   # copy_e + sum
    a = e / esum[dst]                                     # e_div_v
    # u_mul_e + sum aggregation
    m = ft[src] * a[:, :, None]                     # [E, H, F]
    rst = jax.ops.segment_sum(m, dst, num_segments=n)    # [N, H, F]
    return rst

if __name__ == "__main__":
    import jax
    _d = setup_inputs()
    print(jax.jit(kernel)(*tuple(_d.values())))

</pallas_src>

<mosaic_0001>
#map = affine_map<(d0, d1) -> (0, 0)>
#map1 = affine_map<(d0, d1) -> (0, 0, 0)>
module attributes {stable_mosaic.version = 14 : i64} {
  func.func @_edge_body(%arg0: i32, %arg1: i32, %arg2: memref<10000x128xf32, #tpu.memory_space<hbm>>, %arg3: memref<10000x16xf32, #tpu.memory_space<hbm>>, %arg4: memref<10000x16xf32, #tpu.memory_space<hbm>>, %arg5: memref<32x250x40xi32, #tpu.memory_space<hbm>>, %arg6: memref<32x250x40xi32, #tpu.memory_space<hbm>>, %arg7: memref<10000x128xf32, #tpu.memory_space<hbm>>, %arg8: memref<10000x16xf32, #tpu.memory_space<hbm>>, %arg9: memref<20000x128xf32, #tpu.memory_space<hbm>>, %arg10: memref<20000x16xf32, #tpu.memory_space<hbm>>, %arg11: memref<10000x128xf32, #tpu.memory_space<vmem_shared>>, %arg12: memref<10000x16xf32, #tpu.memory_space<vmem_shared>>, %arg13: memref<250x40xi32, #tpu.memory_space<vmem>>, %arg14: memref<250x40xi32, #tpu.memory_space<vmem>>, %arg15: memref<3x40x128xf32, #tpu.memory_space<vmem>>, %arg16: memref<3x40x16xf32, #tpu.memory_space<vmem>>, %arg17: memref<3x40x16xf32, #tpu.memory_space<vmem>>, %arg18: memref<!tpu.dma_semaphore, #tpu.memory_space<semaphore_mem>>, %arg19: memref<!tpu.dma_semaphore, #tpu.memory_space<semaphore_mem>>, %arg20: memref<!tpu.dma_semaphore, #tpu.memory_space<semaphore_mem>>, %arg21: memref<!tpu.dma_semaphore, #tpu.memory_space<semaphore_mem>>, %arg22: memref<!tpu.dma_semaphore, #tpu.memory_space<semaphore_mem>>, %arg23: memref<!tpu.dma_semaphore, #tpu.memory_space<semaphore_mem>>) attributes {dimension_semantics = [#tpu.dimension_semantics<core_parallel>, #tpu.dimension_semantics<subcore_parallel>], iteration_bounds = array<i64: 2, 16>, scalar_prefetch = 0 : i64, scratch_operands = 13 : i64, tpu.core_type = #tpu.core_type<sc_vector_subcore>, window_params = [{transform_indices = #map}, {transform_indices = #map}, {transform_indices = #map}, {transform_indices = #map1}, {transform_indices = #map1}, {transform_indices = #map}, {transform_indices = #map}, {transform_indices = #map}, {transform_indices = #map}]} {
    %mul3A = arith.constant 2 : i32
    %mul3A_0 = arith.muli %arg1, %mul3A : i32
    %add3A = arith.addi %mul3A_0, %arg0 : i32
    %mul3A_1 = arith.constant 625 : i32
    %mul3A_2 = arith.muli %arg1, %mul3A_1 : i32
    "tpu.region"() ({
      %run_scoped3A = tpu.sem_alloc : memref<!tpu.dma_semaphore, #tpu.memory_space<semaphore_mem>>
      %dma_start3A_219 = arith.constant 0 : i32
      %dma_start3A_220 = tpu.memref_slice %arg11[%mul3A_2, %dma_start3A_219] : memref<10000x128xf32, #tpu.memory_space<vmem_shared>> -> memref<625x128xf32, #tpu.memory_space<vmem_shared>>
      %dma_start3A_221 = arith.constant 0 : i32
      %dma_start3A_222 = tpu.memref_slice %arg7[%mul3A_2, %dma_start3A_221] : memref<10000x128xf32, #tpu.memory_space<hbm>> -> memref<625x128xf32, #tpu.memory_space<hbm>>
      tpu.enqueue_dma source(%dma_start3A_222 : memref<625x128xf32, #tpu.memory_space<hbm>>) target(%dma_start3A_220 : memref<625x128xf32, #tpu.memory_space<vmem_shared>>) target_semaphore(%run_scoped3A : memref<!tpu.dma_semaphore, #tpu.memory_space<semaphore_mem>>)
      %dma_wait3A_223 = arith.constant 0 : i32
      %dma_wait3A_224 = tpu.memref_slice %arg11[%mul3A_2, %dma_wait3A_223] : memref<10000x128xf32, #tpu.memory_space<vmem_shared>> -> memref<625x128xf32, #tpu.memory_space<vmem_shared>>
      %dma_wait3A_225 = arith.constant 0 : i32
      %dma_wait3A_226 = tpu.memref_slice %arg7[%mul3A_2, %dma_wait3A_225] : memref<10000x128xf32, #tpu.memory_space<hbm>> -> memref<625x128xf32, #tpu.memory_space<hbm>>
      tpu.wait_dma2 semaphore(%run_scoped3A : memref<!tpu.dma_semaphore, #tpu.memory_space<semaphore_mem>>) src(%dma_wait3A_226 : memref<625x128xf32, #tpu.memory_space<hbm>>) dst(%dma_wait3A_224 : memref<625x128xf32, #tpu.memory_space<vmem_shared>>)
      tpu.yield
    }) : () -> ()
    "tpu.region"() ({
      %run_scoped3A = tpu.sem_alloc : memref<!tpu.dma_semaphore, #tpu.memory_space<semaphore_mem>>
      %dma_start3A_219 = arith.constant 0 : i32
      %dma_start3A_220 = tpu.memref_slice %arg12[%mul3A_2, %dma_start3A_219] : memref<10000x16xf32, #tpu.memory_space<vmem_shared>> -> memref<625x16xf32, #tpu.memory_space<vmem_shared>>
      %dma_start3A_221 = arith.constant 0 : i32
      %dma_start3A_222 = tpu.memref_slice %arg8[%mul3A_2, %dma_start3A_221] : memref<10000x16xf32, #tpu.memory_space<hbm>> -> memref<625x16xf32, #tpu.memory_space<hbm>>
      tpu.enqueue_dma source(%dma_start3A_222 : memref<625x16xf32, #tpu.memory_space<hbm>>) target(%dma_start3A_220 : memref<625x16xf32, #tpu.memory_space<vmem_shared>>) target_semaphore(%run_scoped3A : memref<!tpu.dma_semaphore, #tpu.memory_space<semaphore_mem>>)
      %dma_wait3A_223 = arith.constant 0 : i32
      %dma_wait3A_224 = tpu.memref_slice %arg12[%mul3A_2, %dma_wait3A_223] : memref<10000x16xf32, #tpu.memory_space<vmem_shared>> -> memref<625x16xf32, #tpu.memory_space<vmem_shared>>
      %dma_wait3A_225 = arith.constant 0 : i32
      %dma_wait3A_226 = tpu.memref_slice %arg8[%mul3A_2, %dma_wait3A_225] : memref<10000x16xf32, #tpu.memory_space<hbm>> -> memref<625x16xf32, #tpu.memory_space<hbm>>
      tpu.wait_dma2 semaphore(%run_scoped3A : memref<!tpu.dma_semaphore, #tpu.memory_space<semaphore_mem>>) src(%dma_wait3A_226 : memref<625x16xf32, #tpu.memory_space<hbm>>) dst(%dma_wait3A_224 : memref<625x16xf32, #tpu.memory_space<vmem_shared>>)
      tpu.yield
    }) : () -> ()
    "tpu.region"() ({
      %run_scoped3A = tpu.sem_alloc : memref<!tpu.dma_semaphore, #tpu.memory_space<semaphore_mem>>
      %dma_start3A_219 = arith.constant 0 : i32
      %dma_start3A_220 = arith.constant 0 : i32
      %dma_start3A_221 = tpu.memref_slice %arg5[%add3A, %dma_start3A_219, %dma_start3A_220] : memref<32x250x40xi32, #tpu.memory_space<hbm>> -> memref<1x250x40xi32, #tpu.memory_space<hbm>>
      %dma_start3A_222 = tpu.memref_squeeze %dma_start3A_221 : memref<1x250x40xi32, #tpu.memory_space<hbm>> -> memref<250x40xi32, #tpu.memory_space<hbm>>
      %dma_start3A_223 = arith.constant 0 : i32
      %dma_start3A_224 = arith.constant 0 : i32
      %dma_start3A_225 = tpu.memref_slice %arg5[%add3A, %dma_start3A_223, %dma_start3A_224] : memref<32x250x40xi32, #tpu.memory_space<hbm>> -> memref<1x250x40xi32, #tpu.memory_space<hbm>>
      %dma_start3A_226 = tpu.memref_squeeze %dma_start3A_225 : memref<1x250x40xi32, #tpu.memory_space<hbm>> -> memref<250x40xi32, #tpu.memory_space<hbm>>
      tpu.enqueue_dma source(%dma_start3A_226 : memref<250x40xi32, #tpu.memory_space<hbm>>) target(%arg13 : memref<250x40xi32, #tpu.memory_space<vmem>>) target_semaphore(%run_scoped3A : memref<!tpu.dma_semaphore, #tpu.memory_space<semaphore_mem>>)
      %dma_wait3A_227 = arith.constant 0 : i32
      %dma_wait3A_228 = arith.constant 0 : i32
      %dma_wait3A_229 = tpu.memref_slice %arg5[%add3A, %dma_wait3A_227, %dma_wait3A_228] : memref<32x250x40xi32, #tpu.memory_space<hbm>> -> memref<1x250x40xi32, #tpu.memory_space<hbm>>
      %dma_wait3A_230 = tpu.memref_squeeze %dma_wait3A_229 : memref<1x250x40xi32, #tpu.memory_space<hbm>> -> memref<250x40xi32, #tpu.memory_space<hbm>>
      %dma_wait3A_231 = arith.constant 0 : i32
      %dma_wait3A_232 = arith.constant 0 : i32
      %dma_wait3A_233 = tpu.memref_slice %arg5[%add3A, %dma_wait3A_231, %dma_wait3A_232] : memref<32x250x40xi32, #tpu.memory_space<hbm>> -> memref<1x250x40xi32, #tpu.memory_space<hbm>>
      %dma_wait3A_234 = tpu.memref_squeeze %dma_wait3A_233 : memref<1x250x40xi32, #tpu.memory_space<hbm>> -> memref<250x40xi32, #tpu.memory_space<hbm>>
      tpu.wait_dma2 semaphore(%run_scoped3A : memref<!tpu.dma_semaphore, #tpu.memory_space<semaphore_mem>>) src(%dma_wait3A_234 : memref<250x40xi32, #tpu.memory_space<hbm>>) dst(%arg13 : memref<250x40xi32, #tpu.memory_space<vmem>>)
      tpu.yield
    }) : () -> ()
    "tpu.region"() ({
      %run_scoped3A = tpu.sem_alloc : memref<!tpu.dma_semaphore, #tpu.memory_space<semaphore_mem>>
      %dma_start3A_219 = arith.constant 0 : i32
      %dma_start3A_220 = arith.constant 0 : i32
      %dma_start3A_221 = tpu.memref_slice %arg6[%add3A, %dma_start3A_219, %dma_start3A_220] : memref<32x250x40xi32, #tpu.memory_space<hbm>> -> memref<1x250x40xi32, #tpu.memory_space<hbm>>
      %dma_start3A_222 = tpu.memref_squeeze %dma_start3A_221 : memref<1x250x40xi32, #tpu.memory_space<hbm>> -> memref<250x40xi32, #tpu.memory_space<hbm>>
      %dma_start3A_223 = arith.constant 0 : i32
      %dma_start3A_224 = arith.constant 0 : i32
      %dma_start3A_225 = tpu.memref_slice %arg6[%add3A, %dma_start3A_223, %dma_start3A_224] : memref<32x250x40xi32, #tpu.memory_space<hbm>> -> memref<1x250x40xi32, #tpu.memory_space<hbm>>
      %dma_start3A_226 = tpu.memref_squeeze %dma_start3A_225 : memref<1x250x40xi32, #tpu.memory_space<hbm>> -> memref<250x40xi32, #tpu.memory_space<hbm>>
      tpu.enqueue_dma source(%dma_start3A_226 : memref<250x40xi32, #tpu.memory_space<hbm>>) target(%arg14 : memref<250x40xi32, #tpu.memory_space<vmem>>) target_semaphore(%run_scoped3A : memref<!tpu.dma_semaphore, #tpu.memory_space<semaphore_mem>>)
      %dma_wait3A_227 = arith.constant 0 : i32
      %dma_wait3A_228 = arith.constant 0 : i32
      %dma_wait3A_229 = tpu.memref_slice %arg6[%add3A, %dma_wait3A_227, %dma_wait3A_228] : memref<32x250x40xi32, #tpu.memory_space<hbm>> -> memref<1x250x40xi32, #tpu.memory_space<hbm>>
      %dma_wait3A_230 = tpu.memref_squeeze %dma_wait3A_229 : memref<1x250x40xi32, #tpu.memory_space<hbm>> -> memref<250x40xi32, #tpu.memory_space<hbm>>
      %dma_wait3A_231 = arith.constant 0 : i32
      %dma_wait3A_232 = arith.constant 0 : i32
      %dma_wait3A_233 = tpu.memref_slice %arg6[%add3A, %dma_wait3A_231, %dma_wait3A_232] : memref<32x250x40xi32, #tpu.memory_space<hbm>> -> memref<1x250x40xi32, #tpu.memory_space<hbm>>
      %dma_wait3A_234 = tpu.memref_squeeze %dma_wait3A_233 : memref<1x250x40xi32, #tpu.memory_space<hbm>> -> memref<250x40xi32, #tpu.memory_space<hbm>>
      tpu.wait_dma2 semaphore(%run_scoped3A : memref<!tpu.dma_semaphore, #tpu.memory_space<semaphore_mem>>) src(%dma_wait3A_234 : memref<250x40xi32, #tpu.memory_space<hbm>>) dst(%arg14 : memref<250x40xi32, #tpu.memory_space<vmem>>)
      tpu.yield
    }) : () -> ()
    %barrier3A = arith.constant 0 : index
    tpu.barrier barrier_id(%barrier3A)
    %dma_start3A = arith.constant 0 : i32
    %dma_start3A_3 = arith.constant 0 : i32
    %dma_start3A_4 = arith.constant 0 : i32
    %dma_start3A_5 = arith.constant 0 : i32
    %dma_start3A_6 = tpu.memref_slice %arg15[%dma_start3A_3, %dma_start3A_4, %dma_start3A_5] : memref<3x40x128xf32, #tpu.memory_space<vmem>> -> memref<1x40x128xf32, #tpu.memory_space<vmem>>
    %dma_start3A_7 = tpu.memref_squeeze %dma_start3A_6 : memref<1x40x128xf32, #tpu.memory_space<vmem>> -> memref<40x128xf32, #tpu.memory_space<vmem>>
    %dma_start3A_8 = arith.constant 0 : i32
    %dma_start3A_9 = tpu.memref_slice %arg13[%dma_start3A, %dma_start3A_8] : memref<250x40xi32, #tpu.memory_space<vmem>> -> memref<1x40xi32, #tpu.memory_space<vmem>>
    %dma_start3A_10 = tpu.memref_squeeze %dma_start3A_9 : memref<1x40xi32, #tpu.memory_space<vmem>> -> memref<40xi32, #tpu.memory_space<vmem>>
    %dma_start3A_11 = arith.constant 0 : i32
    %dma_start3A_12 = arith.constant 0 : i32
    %dma_start3A_13 = tpu.memref_slice %arg2[%dma_start3A_11, %dma_start3A_12] : memref<10000x128xf32, #tpu.memory_space<hbm>> -> memref<10000x128xf32, #tpu.memory_space<hbm>>
    tpu.enqueue_indirect_dma source(%dma_start3A_13 : memref<10000x128xf32, #tpu.memory_space<hbm>>) target(%dma_start3A_7 : memref<40x128xf32, #tpu.memory_space<vmem>>) offsets(%dma_start3A_10 : memref<40xi32, #tpu.memory_space<vmem>>) semaphore(%arg18 : memref<!tpu.dma_semaphore, #tpu.memory_space<semaphore_mem>>)
    %dma_start3A_14 = arith.constant 0 : i32
    %dma_start3A_15 = arith.constant 0 : i32
    %dma_start3A_16 = arith.constant 0 : i32
    %dma_start3A_17 = arith.constant 0 : i32
    %dma_start3A_18 = tpu.memref_slice %arg16[%dma_start3A_15, %dma_start3A_16, %dma_start3A_17] : memref<3x40x16xf32, #tpu.memory_space<vmem>> -> memref<1x40x16xf32, #tpu.memory_space<vmem>>
    %dma_start3A_19 = tpu.memref_squeeze %dma_start3A_18 : memref<1x40x16xf32, #tpu.memory_space<vmem>> -> memref<40x16xf32, #tpu.memory_space<vmem>>
    %dma_start3A_20 = arith.constant 0 : i32
    %dma_start3A_21 = tpu.memref_slice %arg13[%dma_start3A_14, %dma_start3A_20] : memref<250x40xi32, #tpu.memory_space<vmem>> -> memref<1x40xi32, #tpu.memory_space<vmem>>
    %dma_start3A_22 = tpu.memref_squeeze %dma_start3A_21 : memref<1x40xi32, #tpu.memory_space<vmem>> -> memref<40xi32, #tpu.memory_space<vmem>>
    %dma_start3A_23 = arith.constant 0 : i32
    %dma_start3A_24 = arith.constant 0 : i32
    %dma_start3A_25 = tpu.memref_slice %arg3[%dma_start3A_23, %dma_start3A_24] : memref<10000x16xf32, #tpu.memory_space<hbm>> -> memref<10000x16xf32, #tpu.memory_space<hbm>>
    tpu.enqueue_indirect_dma source(%dma_start3A_25 : memref<10000x16xf32, #tpu.memory_space<hbm>>) target(%dma_start3A_19 : memref<40x16xf32, #tpu.memory_space<vmem>>) offsets(%dma_start3A_22 : memref<40xi32, #tpu.memory_space<vmem>>) semaphore(%arg18 : memref<!tpu.dma_semaphore, #tpu.memory_space<semaphore_mem>>)
    %dma_start3A_26 = arith.constant 0 : i32
    %dma_start3A_27 = arith.constant 0 : i32
    %dma_start3A_28 = arith.constant 0 : i32
    %dma_start3A_29 = arith.constant 0 : i32
    %dma_start3A_30 = tpu.memref_slice %arg17[%dma_start3A_27, %dma_start3A_28, %dma_start3A_29] : memref<3x40x16xf32, #tpu.memory_space<vmem>> -> memref<1x40x16xf32, #tpu.memory_space<vmem>>
    %dma_start3A_31 = tpu.memref_squeeze %dma_start3A_30 : memref<1x40x16xf32, #tpu.memory_space<vmem>> -> memref<40x16xf32, #tpu.memory_space<vmem>>
    %dma_start3A_32 = arith.constant 0 : i32
    %dma_start3A_33 = tpu.memref_slice %arg14[%dma_start3A_26, %dma_start3A_32] : memref<250x40xi32, #tpu.memory_space<vmem>> -> memref<1x40xi32, #tpu.memory_space<vmem>>
    %dma_start3A_34 = tpu.memref_squeeze %dma_start3A_33 : memref<1x40xi32, #tpu.memory_space<vmem>> -> memref<40xi32, #tpu.memory_space<vmem>>
    %dma_start3A_35 = arith.constant 0 : i32
    %dma_start3A_36 = arith.constant 0 : i32
    %dma_start3A_37 = tpu.memref_slice %arg4[%dma_start3A_35, %dma_start3A_36] : memref<10000x16xf32, #tpu.memory_space<hbm>> -> memref<10000x16xf32, #tpu.memory_space<hbm>>
    tpu.enqueue_indirect_dma source(%dma_start3A_37 : memref<10000x16xf32, #tpu.memory_space<hbm>>) target(%dma_start3A_31 : memref<40x16xf32, #tpu.memory_space<vmem>>) offsets(%dma_start3A_34 : memref<40xi32, #tpu.memory_space<vmem>>) semaphore(%arg18 : memref<!tpu.dma_semaphore, #tpu.memory_space<semaphore_mem>>)
    %dma_start3A_38 = arith.constant 1 : i32
    %dma_start3A_39 = arith.constant 1 : i32
    %dma_start3A_40 = arith.constant 0 : i32
    %dma_start3A_41 = arith.constant 0 : i32
    %dma_start3A_42 = tpu.memref_slice %arg15[%dma_start3A_39, %dma_start3A_40, %dma_start3A_41] : memref<3x40x128xf32, #tpu.memory_space<vmem>> -> memref<1x40x128xf32, #tpu.memory_space<vmem>>
    %dma_start3A_43 = tpu.memref_squeeze %dma_start3A_42 : memref<1x40x128xf32, #tpu.memory_space<vmem>> -> memref<40x128xf32, #tpu.memory_space<vmem>>
    %dma_start3A_44 = arith.constant 0 : i32
    %dma_start3A_45 = tpu.memref_slice %arg13[%dma_start3A_38, %dma_start3A_44] : memref<250x40xi32, #tpu.memory_space<vmem>> -> memref<1x40xi32, #tpu.memory_space<vmem>>
    %dma_start3A_46 = tpu.memref_squeeze %dma_start3A_45 : memref<1x40xi32, #tpu.memory_space<vmem>> -> memref<40xi32, #tpu.memory_space<vmem>>
    %dma_start3A_47 = arith.constant 0 : i32
    %dma_start3A_48 = arith.constant 0 : i32
    %dma_start3A_49 = tpu.memref_slice %arg2[%dma_start3A_47, %dma_start3A_48] : memref<10000x128xf32, #tpu.memory_space<hbm>> -> memref<10000x128xf32, #tpu.memory_space<hbm>>
    tpu.enqueue_indirect_dma source(%dma_start3A_49 : memref<10000x128xf32, #tpu.memory_space<hbm>>) target(%dma_start3A_43 : memref<40x128xf32, #tpu.memory_space<vmem>>) offsets(%dma_start3A_46 : memref<40xi32, #tpu.memory_space<vmem>>) semaphore(%arg19 : memref<!tpu.dma_semaphore, #tpu.memory_space<semaphore_mem>>)
    %dma_start3A_50 = arith.constant 1 : i32
    %dma_start3A_51 = arith.constant 1 : i32
    %dma_start3A_52 = arith.constant 0 : i32
    %dma_start3A_53 = arith.constant 0 : i32
    %dma_start3A_54 = tpu.memref_slice %arg16[%dma_start3A_51, %dma_start3A_52, %dma_start3A_53] : memref<3x40x16xf32, #tpu.memory_space<vmem>> -> memref<1x40x16xf32, #tpu.memory_space<vmem>>
    %dma_start3A_55 = tpu.memref_squeeze %dma_start3A_54 : memref<1x40x16xf32, #tpu.memory_space<vmem>> -> memref<40x16xf32, #tpu.memory_space<vmem>>
    %dma_start3A_56 = arith.constant 0 : i32
    %dma_start3A_57 = tpu.memref_slice %arg13[%dma_start3A_50, %dma_start3A_56] : memref<250x40xi32, #tpu.memory_space<vmem>> -> memref<1x40xi32, #tpu.memory_space<vmem>>
    %dma_start3A_58 = tpu.memref_squeeze %dma_start3A_57 : memref<1x40xi32, #tpu.memory_space<vmem>> -> memref<40xi32, #tpu.memory_space<vmem>>
    %dma_start3A_59 = arith.constant 0 : i32
    %dma_start3A_60 = arith.constant 0 : i32
    %dma_start3A_61 = tpu.memref_slice %arg3[%dma_start3A_59, %dma_start3A_60] : memref<10000x16xf32, #tpu.memory_space<hbm>> -> memref<10000x16xf32, #tpu.memory_space<hbm>>
    tpu.enqueue_indirect_dma source(%dma_start3A_61 : memref<10000x16xf32, #tpu.memory_space<hbm>>) target(%dma_start3A_55 : memref<40x16xf32, #tpu.memory_space<vmem>>) offsets(%dma_start3A_58 : memref<40xi32, #tpu.memory_space<vmem>>) semaphore(%arg19 : memref<!tpu.dma_semaphore, #tpu.memory_space<semaphore_mem>>)
    %dma_start3A_62 = arith.constant 1 : i32
    %dma_start3A_63 = arith.constant 1 : i32
    %dma_start3A_64 = arith.constant 0 : i32
    %dma_start3A_65 = arith.constant 0 : i32
    %dma_start3A_66 = tpu.memref_slice %arg17[%dma_start3A_63, %dma_start3A_64, %dma_start3A_65] : memref<3x40x16xf32, #tpu.memory_space<vmem>> -> memref<1x40x16xf32, #tpu.memory_space<vmem>>
    %dma_start3A_67 = tpu.memref_squeeze %dma_start3A_66 : memref<1x40x16xf32, #tpu.memory_space<vmem>> -> memref<40x16xf32, #tpu.memory_space<vmem>>
    %dma_start3A_68 = arith.constant 0 : i32
    %dma_start3A_69 = tpu.memref_slice %arg14[%dma_start3A_62, %dma_start3A_68] : memref<250x40xi32, #tpu.memory_space<vmem>> -> memref<1x40xi32, #tpu.memory_space<vmem>>
    %dma_start3A_70 = tpu.memref_squeeze %dma_start3A_69 : memref<1x40xi32, #tpu.memory_space<vmem>> -> memref<40xi32, #tpu.memory_space<vmem>>
    %dma_start3A_71 = arith.constant 0 : i32
    %dma_start3A_72 = arith.constant 0 : i32
    %dma_start3A_73 = tpu.memref_slice %arg4[%dma_start3A_71, %dma_start3A_72] : memref<10000x16xf32, #tpu.memory_space<hbm>> -> memref<10000x16xf32, #tpu.memory_space<hbm>>
    tpu.enqueue_indirect_dma source(%dma_start3A_73 : memref<10000x16xf32, #tpu.memory_space<hbm>>) target(%dma_start3A_67 : memref<40x16xf32, #tpu.memory_space<vmem>>) offsets(%dma_start3A_70 : memref<40xi32, #tpu.memory_space<vmem>>) semaphore(%arg19 : memref<!tpu.dma_semaphore, #tpu.memory_space<semaphore_mem>>)
    %scan3A = arith.constant 0 : i32
    %scan3A_74 = arith.constant 0 : i32
    %scan3A_75 = arith.constant 83 : i32
    %scan3A_76 = arith.addi %scan3A_74, %scan3A_75 : i32
    %scan3A_77 = arith.constant 1 : i32
    scf.for %scan3A_219 = %scan3A_74 to %scan3A_76 step %scan3A_77  : i32 {
      %mul3A_220 = arith.constant 3 : i32
      %mul3A_221 = arith.muli %scan3A_219, %mul3A_220 : i32
      %add3A_222 = arith.constant 0 : i32
      %add3A_223 = arith.addi %mul3A_221, %add3A_222 : i32
      %add3A_224 = arith.constant 3 : i32
      %add3A_225 = arith.addi %add3A_223, %add3A_224 : i32
      %sub3A = arith.constant 1 : i32
      %sub3A_226 = arith.subi %add3A_225, %sub3A : i32
      %lt3A = arith.constant 250 : i32
      %lt3A_227 = arith.cmpi slt, %sub3A_226, %lt3A : i32
      %convert_element_type3A = arith.extui %lt3A_227 : i1 to i32
      %cond3A = arith.constant 0 : i32
      %cond3A_228 = arith.cmpi ne, %convert_element_type3A, %cond3A : i32
      scf.if %cond3A_228 {
        %ge3A = arith.constant 3 : i32
        %ge3A_425 = arith.cmpi sge, %sub3A_226, %ge3A : i32
        %convert_element_type3A_426 = arith.extui %ge3A_425 : i1 to i32
        %cond3A_427 = arith.constant 0 : i32
        %cond3A_428 = arith.cmpi ne, %convert_element_type3A_426, %cond3A_427 : i32
        scf.if %cond3A_428 {
          %sub3A_462 = arith.constant 3 : i32
          %sub3A_463 = arith.subi %sub3A_226, %sub3A_462 : i32
          %dma_wait3A_464 = arith.constant 2 : i32
          %dma_wait3A_465 = arith.constant 0 : i32
          %dma_wait3A_466 = arith.constant 0 : i32
          %dma_wait3A_467 = tpu.memref_slice %arg15[%dma_wait3A_464, %dma_wait3A_465, %dma_wait3A_466] : memref<3x40x128xf32, #tpu.memory_space<vmem>> -> memref<1x40x128xf32, #tpu.memory_space<vmem>>
          %dma_wait3A_468 = tpu.memref_squeeze %dma_wait3A_467 : memref<1x40x128xf32, #tpu.memory_space<vmem>> -> memref<40x128xf32, #tpu.memory_space<vmem>>
          %dma_wait3A_469 = arith.constant 0 : i32
          %dma_wait3A_470 = tpu.memref_slice %arg14[%sub3A_463, %dma_wait3A_469] : memref<250x40xi32, #tpu.memory_space<vmem>> -> memref<1x40xi32, #tpu.memory_space<vmem>>
          %dma_wait3A_471 = tpu.memref_squeeze %dma_wait3A_470 : memref<1x40xi32, #tpu.memory_space<vmem>> -> memref<40xi32, #tpu.memory_space<vmem>>
          %dma_wait3A_472 = arith.constant 0 : i32
          %dma_wait3A_473 = arith.constant 0 : i32
          %dma_wait3A_474 = tpu.memref_slice %arg11[%dma_wait3A_472, %dma_wait3A_473] : memref<10000x128xf32, #tpu.memory_space<vmem_shared>> -> memref<10000x128xf32, #tpu.memory_space<vmem_shared>>
          tpu.wait_indirect_dma semaphore(%arg23 : memref<!tpu.dma_semaphore, #tpu.memory_space<semaphore_mem>>) src(%dma_wait3A_468 : memref<40x128xf32, #tpu.memory_space<vmem>>) dst(%dma_wait3A_474 : memref<10000x128xf32, #tpu.memory_space<vmem_shared>>)
          %dma_wait3A_475 = arith.constant 2 : i32
          %dma_wait3A_476 = arith.constant 0 : i32
          %dma_wait3A_477 = arith.constant 0 : i32
          %dma_wait3A_478 = tpu.memref_slice %arg16[%dma_wait3A_475, %dma_wait3A_476, %dma_wait3A_477] : memref<3x40x16xf32, #tpu.memory_space<vmem>> -> memref<1x40x16xf32, #tpu.memory_space<vmem>>
          %dma_wait3A_479 = tpu.memref_squeeze %dma_wait3A_478 : memref<1x40x16xf32, #tpu.memory_space<vmem>> -> memref<40x16xf32, #tpu.memory_space<vmem>>
          %dma_wait3A_480 = arith.constant 0 : i32
          %dma_wait3A_481 = tpu.memref_slice %arg14[%sub3A_463, %dma_wait3A_480] : memref<250x40xi32, #tpu.memory_space<vmem>> -> memref<1x40xi32, #tpu.memory_space<vmem>>
          %dma_wait3A_482 = tpu.memref_squeeze %dma_wait3A_481 : memref<1x40xi32, #tpu.memory_space<vmem>> -> memref<40xi32, #tpu.memory_space<vmem>>
          %dma_wait3A_483 = arith.constant 0 : i32
          %dma_wait3A_484 = arith.constant 0 : i32
          %dma_wait3A_485 = tpu.memref_slice %arg12[%dma_wait3A_483, %dma_wait3A_484] : memref<10000x16xf32, #tpu.memory_space<vmem_shared>> -> memref<10000x16xf32, #tpu.memory_space<vmem_shared>>
          tpu.wait_indirect_dma semaphore(%arg23 : memref<!tpu.dma_semaphore, #tpu.memory_space<semaphore_mem>>) src(%dma_wait3A_479 : memref<40x16xf32, #tpu.memory_space<vmem>>) dst(%dma_wait3A_485 : memref<10000x16xf32, #tpu.memory_space<vmem_shared>>)
        } else {
        }
        %dma_start3A_429 = arith.constant 2 : i32
        %dma_start3A_430 = arith.constant 0 : i32
        %dma_start3A_431 = arith.constant 0 : i32
        %dma_start3A_432 = tpu.memref_slice %arg15[%dma_start3A_429, %dma_start3A_430, %dma_start3A_431] : memref<3x40x128xf32, #tpu.memory_space<vmem>> -> memref<1x40x128xf32, #tpu.memory_space<vmem>>
        %dma_start3A_433 = tpu.memref_squeeze %dma_start3A_432 : memref<1x40x128xf32, #tpu.memory_space<vmem>> -> memref<40x128xf32, #tpu.memory_space<vmem>>
        %dma_start3A_434 = arith.constant 0 : i32
        %dma_start3A_435 = tpu.memref_slice %arg13[%sub3A_226, %dma_start3A_434] : memref<250x40xi32, #tpu.memory_space<vmem>> -> memref<1x40xi32, #tpu.memory_space<vmem>>
        %dma_start3A_436 = tpu.memref_squeeze %dma_start3A_435 : memref<1x40xi32, #tpu.memory_space<vmem>> -> memref<40xi32, #tpu.memory_space<vmem>>
        %dma_start3A_437 = arith.constant 0 : i32
        %dma_start3A_438 = arith.constant 0 : i32
        %dma_start3A_439 = tpu.memref_slice %arg2[%dma_start3A_437, %dma_start3A_438] : memref<10000x128xf32, #tpu.memory_space<hbm>> -> memref<10000x128xf32, #tpu.memory_space<hbm>>
        tpu.enqueue_indirect_dma source(%dma_start3A_439 : memref<10000x128xf32, #tpu.memory_space<hbm>>) target(%dma_start3A_433 : memref<40x128xf32, #tpu.memory_space<vmem>>) offsets(%dma_start3A_436 : memref<40xi32, #tpu.memory_space<vmem>>) semaphore(%arg20 : memref<!tpu.dma_semaphore, #tpu.memory_space<semaphore_mem>>)
        %dma_start3A_440 = arith.constant 2 : i32
        %dma_start3A_441 = arith.constant 0 : i32
        %dma_start3A_442 = arith.constant 0 : i32
        %dma_start3A_443 = tpu.memref_slice %arg16[%dma_start3A_440, %dma_start3A_441, %dma_start3A_442] : memref<3x40x16xf32, #tpu.memory_space<vmem>> -> memref<1x40x16xf32, #tpu.memory_space<vmem>>
        %dma_start3A_444 = tpu.memref_squeeze %dma_start3A_443 : memref<1x40x16xf32, #tpu.memory_space<vmem>> -> memref<40x16xf32, #tpu.memory_space<vmem>>
        %dma_start3A_445 = arith.constant 0 : i32
        %dma_start3A_446 = tpu.memref_slice %arg13[%sub3A_226, %dma_start3A_445] : memref<250x40xi32, #tpu.memory_space<vmem>> -> memref<1x40xi32, #tpu.memory_space<vmem>>
        %dma_start3A_447 = tpu.memref_squeeze %dma_start3A_446 : memref<1x40xi32, #tpu.memory_space<vmem>> -> memref<40xi32, #tpu.memory_space<vmem>>
        %dma_start3A_448 = arith.constant 0 : i32
        %dma_start3A_449 = arith.constant 0 : i32
        %dma_start3A_450 = tpu.memref_slice %arg3[%dma_start3A_448, %dma_start3A_449] : memref<10000x16xf32, #tpu.memory_space<hbm>> -> memref<10000x16xf32, #tpu.memory_space<hbm>>
        tpu.enqueue_indirect_dma source(%dma_start3A_450 : memref<10000x16xf32, #tpu.memory_space<hbm>>) target(%dma_start3A_444 : memref<40x16xf32, #tpu.memory_space<vmem>>) offsets(%dma_start3A_447 : memref<40xi32, #tpu.memory_space<vmem>>) semaphore(%arg20 : memref<!tpu.dma_semaphore, #tpu.memory_space<semaphore_mem>>)
        %dma_start3A_451 = arith.constant 2 : i32
        %dma_start3A_452 = arith.constant 0 : i32
        %dma_start3A_453 = arith.constant 0 : i32
        %dma_start3A_454 = tpu.memref_slice %arg17[%dma_start3A_451, %dma_start3A_452, %dma_start3A_453] : memref<3x40x16xf32, #tpu.memory_space<vmem>> -> memref<1x40x16xf32, #tpu.memory_space<vmem>>
        %dma_start3A_455 = tpu.memref_squeeze %dma_start3A_454 : memref<1x40x16xf32, #tpu.memory_space<vmem>> -> memref<40x16xf32, #tpu.memory_space<vmem>>
        %dma_start3A_456 = arith.constant 0 : i32
        %dma_start3A_457 = tpu.memref_slice %arg14[%sub3A_226, %dma_start3A_456] : memref<250x40xi32, #tpu.memory_space<vmem>> -> memref<1x40xi32, #tpu.memory_space<vmem>>
        %dma_start3A_458 = tpu.memref_squeeze %dma_start3A_457 : memref<1x40xi32, #tpu.memory_space<vmem>> -> memref<40xi32, #tpu.memory_space<vmem>>
        %dma_start3A_459 = arith.constant 0 : i32
        %dma_start3A_460 = arith.constant 0 : i32
        %dma_start3A_461 = tpu.memref_slice %arg4[%dma_start3A_459, %dma_start3A_460] : memref<10000x16xf32, #tpu.memory_space<hbm>> -> memref<10000x16xf32, #tpu.memory_space<hbm>>
        tpu.enqueue_indirect_dma source(%dma_start3A_461 : memref<10000x16xf32, #tpu.memory_space<hbm>>) target(%dma_start3A_455 : memref<40x16xf32, #tpu.memory_space<vmem>>) offsets(%dma_start3A_458 : memref<40xi32, #tpu.memory_space<vmem>>) semaphore(%arg20 : memref<!tpu.dma_semaphore, #tpu.memory_space<semaphore_mem>>)
      } else {
      }
      %dma_wait3A_229 = arith.constant 0 : i32
      %dma_wait3A_230 = arith.constant 0 : i32
      %dma_wait3A_231 = arith.constant 0 : i32
      %dma_wait3A_232 = tpu.memref_slice %arg15[%dma_wait3A_229, %dma_wait3A_230, %dma_wait3A_231] : memref<3x40x128xf32, #tpu.memory_space<vmem>> -> memref<1x40x128xf32, #tpu.memory_space<vmem>>
      %dma_wait3A_233 = tpu.memref_squeeze %dma_wait3A_232 : memref<1x40x128xf32, #tpu.memory_space<vmem>> -> memref<40x128xf32, #tpu.memory_space<vmem>>
      %dma_wait3A_234 = arith.constant 0 : i32
      %dma_wait3A_235 = tpu.memref_slice %arg13[%add3A_223, %dma_wait3A_234] : memref<250x40xi32, #tpu.memory_space<vmem>> -> memref<1x40xi32, #tpu.memory_space<vmem>>
      %dma_wait3A_236 = tpu.memref_squeeze %dma_wait3A_235 : memref<1x40xi32, #tpu.memory_space<vmem>> -> memref<40xi32, #tpu.memory_space<vmem>>
      %dma_wait3A_237 = arith.constant 0 : i32
      %dma_wait3A_238 = arith.constant 0 : i32
      %dma_wait3A_239 = tpu.memref_slice %arg2[%dma_wait3A_237, %dma_wait3A_238] : memref<10000x128xf32, #tpu.memory_space<hbm>> -> memref<10000x128xf32, #tpu.memory_space<hbm>>
      tpu.wait_indirect_dma semaphore(%arg18 : memref<!tpu.dma_semaphore, #tpu.memory_space<semaphore_mem>>) src(%dma_wait3A_239 : memref<10000x128xf32, #tpu.memory_space<hbm>>) dst(%dma_wait3A_233 : memref<40x128xf32, #tpu.memory_space<vmem>>)
      %dma_wait3A_240 = arith.constant 0 : i32
      %dma_wait3A_241 = arith.constant 0 : i32
      %dma_wait3A_242 = arith.constant 0 : i32
      %dma_wait3A_243 = tpu.memref_slice %arg16[%dma_wait3A_240, %dma_wait3A_241, %dma_wait3A_242] : memref<3x40x16xf32, #tpu.memory_space<vmem>> -> memref<1x40x16xf32, #tpu.memory_space<vmem>>
      %dma_wait3A_244 = tpu.memref_squeeze %dma_wait3A_243 : memref<1x40x16xf32, #tpu.memory_space<vmem>> -> memref<40x16xf32, #tpu.memory_space<vmem>>
      %dma_wait3A_245 = arith.constant 0 : i32
      %dma_wait3A_246 = tpu.memref_slice %arg13[%add3A_223, %dma_wait3A_245] : memref<250x40xi32, #tpu.memory_space<vmem>> -> memref<1x40xi32, #tpu.memory_space<vmem>>
      %dma_wait3A_247 = tpu.memref_squeeze %dma_wait3A_246 : memref<1x40xi32, #tpu.memory_space<vmem>> -> memref<40xi32, #tpu.memory_space<vmem>>
      %dma_wait3A_248 = arith.constant 0 : i32
      %dma_wait3A_249 = arith.constant 0 : i32
      %dma_wait3A_250 = tpu.memref_slice %arg3[%dma_wait3A_248, %dma_wait3A_249] : memref<10000x16xf32, #tpu.memory_space<hbm>> -> memref<10000x16xf32, #tpu.memory_space<hbm>>
      tpu.wait_indirect_dma semaphore(%arg18 : memref<!tpu.dma_semaphore, #tpu.memory_space<semaphore_mem>>) src(%dma_wait3A_250 : memref<10000x16xf32, #tpu.memory_space<hbm>>) dst(%dma_wait3A_244 : memref<40x16xf32, #tpu.memory_space<vmem>>)
      %dma_wait3A_251 = arith.constant 0 : i32
      %dma_wait3A_252 = arith.constant 0 : i32
      %dma_wait3A_253 = arith.constant 0 : i32
      %dma_wait3A_254 = tpu.memref_slice %arg17[%dma_wait3A_251, %dma_wait3A_252, %dma_wait3A_253] : memref<3x40x16xf32, #tpu.memory_space<vmem>> -> memref<1x40x16xf32, #tpu.memory_space<vmem>>
      %dma_wait3A_255 = tpu.memref_squeeze %dma_wait3A_254 : memref<1x40x16xf32, #tpu.memory_space<vmem>> -> memref<40x16xf32, #tpu.memory_space<vmem>>
      %dma_wait3A_256 = arith.constant 0 : i32
      %dma_wait3A_257 = tpu.memref_slice %arg14[%add3A_223, %dma_wait3A_256] : memref<250x40xi32, #tpu.memory_space<vmem>> -> memref<1x40xi32, #tpu.memory_space<vmem>>
      %dma_wait3A_258 = tpu.memref_squeeze %dma_wait3A_257 : memref<1x40xi32, #tpu.memory_space<vmem>> -> memref<40xi32, #tpu.memory_space<vmem>>
      %dma_wait3A_259 = arith.constant 0 : i32
      %dma_wait3A_260 = arith.constant 0 : i32
      %dma_wait3A_261 = tpu.memref_slice %arg4[%dma_wait3A_259, %dma_wait3A_260] : memref<10000x16xf32, #tpu.memory_space<hbm>> -> memref<10000x16xf32, #tpu.memory_space<hbm>>
      tpu.wait_indirect_dma semaphore(%arg18 : memref<!tpu.dma_semaphore, #tpu.memory_space<semaphore_mem>>) src(%dma_wait3A_261 : memref<10000x16xf32, #tpu.memory_space<hbm>>) dst(%dma_wait3A_255 : memref<40x16xf32, #tpu.memory_space<vmem>>)
      %parallel_loop3A_262 = arith.constant 0 : i32
      %parallel_loop3A_263 = arith.constant 40 : i32
      %parallel_loop3A_264 = arith.constant 1 : i32
      scf.for %parallel_loop3A_425 = %parallel_loop3A_262 to %parallel_loop3A_263 step %parallel_loop3A_264  : i32 {
        %parallel_loop3A_426 = arith.constant 0 : i32
        %parallel_loop3A_427 = arith.index_cast %parallel_loop3A_426 : i32 to index
        %parallel_loop3A_428 = arith.index_cast %parallel_loop3A_425 : i32 to index
        %parallel_loop3A_429 = arith.constant 0 : index
        %parallel_loop3A_430 = tpu.vector_load %arg16[%parallel_loop3A_427, %parallel_loop3A_428, %parallel_loop3A_429] {strides = array<i32>} : memref<3x40x16xf32, #tpu.memory_space<vmem>>, vector<1x1x16xf32>,
        %parallel_loop3A_431 = vector.shape_cast %parallel_loop3A_430 : vector<1x1x16xf32> to vector<16xf32>
        %parallel_loop3A_432 = arith.constant 0 : i32
        %parallel_loop3A_433 = arith.index_cast %parallel_loop3A_432 : i32 to index
        %parallel_loop3A_434 = arith.index_cast %parallel_loop3A_425 : i32 to index
        %parallel_loop3A_435 = arith.constant 0 : index
        %parallel_loop3A_436 = tpu.vector_load %arg17[%parallel_loop3A_433, %parallel_loop3A_434, %parallel_loop3A_435] {strides = array<i32>} : memref<3x40x16xf32, #tpu.memory_space<vmem>>, vector<1x1x16xf32>,
        %parallel_loop3A_437 = vector.shape_cast %parallel_loop3A_436 : vector<1x1x16xf32> to vector<16xf32>
        %parallel_loop3A_438 = arith.addf %parallel_loop3A_431, %parallel_loop3A_437 : vector<16xf32>
        %parallel_loop3A_439 = arith.constant 0.000000e+00 : f32
        %parallel_loop3A_440 = vector.broadcast %parallel_loop3A_439 : f32 to vector<16xf32>
        %parallel_loop3A_441 = arith.cmpf oge, %parallel_loop3A_438, %parallel_loop3A_440 : vector<16xf32>
        %parallel_loop3A_442 = arith.constant 2.000000e-01 : f32
        %parallel_loop3A_443 = vector.broadcast %parallel_loop3A_442 : f32 to vector<16xf32>
        %parallel_loop3A_444 = arith.mulf %parallel_loop3A_443, %parallel_loop3A_438 : vector<16xf32>
        %parallel_loop3A_445 = arith.select %parallel_loop3A_441, %parallel_loop3A_438, %parallel_loop3A_444 : vector<16xi1>, vector<16xf32>
        %parallel_loop3A_446 = math.exp %parallel_loop3A_445 : vector<16xf32>
        %parallel_loop3A_447 = arith.constant 0 : i32
        %parallel_loop3A_448 = arith.index_cast %parallel_loop3A_447 : i32 to index
        %parallel_loop3A_449 = arith.index_cast %parallel_loop3A_425 : i32 to index
        %parallel_loop3A_450 = arith.constant 0 : index
        %parallel_loop3A_451 = tpu.vector_load %arg16[%parallel_loop3A_448, %parallel_loop3A_449, %parallel_loop3A_450] {strides = array<i32>} : memref<3x40x16xf32, #tpu.memory_space<vmem>>, vector<1x1x16xf32>,
        %parallel_loop3A_452 = vector.shape_cast %parallel_loop3A_451 : vector<1x1x16xf32> to vector<16xf32>
        %parallel_loop3A_453 = vector.shape_cast %parallel_loop3A_446 : vector<16xf32> to vector<1x1x16xf32>
        tpu.vector_store %arg16[%parallel_loop3A_448, %parallel_loop3A_449, %parallel_loop3A_450], %parallel_loop3A_453 {strides = array<i32>} : memref<3x40x16xf32, #tpu.memory_space<vmem>>, vector<1x1x16xf32>,
        %parallel_loop3A_454 = arith.constant 0 : i32
        %parallel_loop3A_455 = arith.index_cast %parallel_loop3A_454 : i32 to index
        %parallel_loop3A_456 = arith.index_cast %parallel_loop3A_425 : i32 to index
        %parallel_loop3A_457 = arith.constant 0 : index
        %parallel_loop3A_458 = tpu.vector_load %arg15[%parallel_loop3A_455, %parallel_loop3A_456, %parallel_loop3A_457] {strides = array<i32>} : memref<3x40x128xf32, #tpu.memory_space<vmem>>, vector<1x1x16xf32>,
        %parallel_loop3A_459 = vector.shape_cast %parallel_loop3A_458 : vector<1x1x16xf32> to vector<16xf32>
        %parallel_loop3A_460 = vector.extract_strided_slice %parallel_loop3A_446 {offsets = [0], sizes = [1], strides = [1]} : vector<16xf32> to vector<1xf32>
        %parallel_loop3A_461 = vector.extract %parallel_loop3A_460[0] : f32 from vector<1xf32>
        %parallel_loop3A_462 = vector.broadcast %parallel_loop3A_461 : f32 to vector<16xf32>
        %parallel_loop3A_463 = arith.mulf %parallel_loop3A_459, %parallel_loop3A_462 : vector<16xf32>
        %parallel_loop3A_464 = arith.constant 0 : i32
        %parallel_loop3A_465 = arith.index_cast %parallel_loop3A_464 : i32 to index
        %parallel_loop3A_466 = arith.index_cast %parallel_loop3A_425 : i32 to index
        %parallel_loop3A_467 = arith.constant 0 : index
        %parallel_loop3A_468 = tpu.vector_load %arg15[%parallel_loop3A_465, %parallel_loop3A_466, %parallel_loop3A_467] {strides = array<i32>} : memref<3x40x128xf32, #tpu.memory_space<vmem>>, vector<1x1x16xf32>,
        %parallel_loop3A_469 = vector.shape_cast %parallel_loop3A_468 : vector<1x1x16xf32> to vector<16xf32>
        %parallel_loop3A_470 = vector.shape_cast %parallel_loop3A_463 : vector<16xf32> to vector<1x1x16xf32>
        tpu.vector_store %arg15[%parallel_loop3A_465, %parallel_loop3A_466, %parallel_loop3A_467], %parallel_loop3A_470 {strides = array<i32>} : memref<3x40x128xf32, #tpu.memory_space<vmem>>, vector<1x1x16xf32>,
        %parallel_loop3A_471 = arith.constant 0 : i32
        %parallel_loop3A_472 = arith.index_cast %parallel_loop3A_471 : i32 to index
        %parallel_loop3A_473 = arith.index_cast %parallel_loop3A_425 : i32 to index
        %parallel_loop3A_474 = arith.constant 16 : index
        %parallel_loop3A_475 = tpu.vector_load %arg15[%parallel_loop3A_472, %parallel_loop3A_473, %parallel_loop3A_474] {strides = array<i32>} : memref<3x40x128xf32, #tpu.memory_space<vmem>>, vector<1x1x16xf32>,
        %parallel_loop3A_476 = vector.shape_cast %parallel_loop3A_475 : vector<1x1x16xf32> to vector<16xf32>
        %parallel_loop3A_477 = vector.extract_strided_slice %parallel_loop3A_446 {offsets = [1], sizes = [1], strides = [1]} : vector<16xf32> to vector<1xf32>
        %parallel_loop3A_478 = vector.extract %parallel_loop3A_477[0] : f32 from vector<1xf32>
        %parallel_loop3A_479 = vector.broadcast %parallel_loop3A_478 : f32 to vector<16xf32>
        %parallel_loop3A_480 = arith.mulf %parallel_loop3A_476, %parallel_loop3A_479 : vector<16xf32>
        %parallel_loop3A_481 = arith.constant 0 : i32
        %parallel_loop3A_482 = arith.index_cast %parallel_loop3A_481 : i32 to index
        %parallel_loop3A_483 = arith.index_cast %parallel_loop3A_425 : i32 to index
        %parallel_loop3A_484 = arith.constant 16 : index
        %parallel_loop3A_485 = tpu.vector_load %arg15[%parallel_loop3A_482, %parallel_loop3A_483, %parallel_loop3A_484] {strides = array<i32>} : memref<3x40x128xf32, #tpu.memory_space<vmem>>, vector<1x1x16xf32>,
        %parallel_loop3A_486 = vector.shape_cast %parallel_loop3A_485 : vector<1x1x16xf32> to vector<16xf32>
        %parallel_loop3A_487 = vector.shape_cast %parallel_loop3A_480 : vector<16xf32> to vector<1x1x16xf32>
        tpu.vector_store %arg15[%parallel_loop3A_482, %parallel_loop3A_483, %parallel_loop3A_484], %parallel_loop3A_487 {strides = array<i32>} : memref<3x40x128xf32, #tpu.memory_space<vmem>>, vector<1x1x16xf32>,
        %parallel_loop3A_488 = arith.constant 0 : i32
        %parallel_loop3A_489 = arith.index_cast %parallel_loop3A_488 : i32 to index
        %parallel_loop3A_490 = arith.index_cast %parallel_loop3A_425 : i32 to index
        %parallel_loop3A_491 = arith.constant 32 : index
        %parallel_loop3A_492 = tpu.vector_load %arg15[%parallel_loop3A_489, %parallel_loop3A_490, %parallel_loop3A_491] {strides = array<i32>} : memref<3x40x128xf32, #tpu.memory_space<vmem>>, vector<1x1x16xf32>,
        %parallel_loop3A_493 = vector.shape_cast %parallel_loop3A_492 : vector<1x1x16xf32> to vector<16xf32>
        %parallel_loop3A_494 = vector.extract_strided_slice %parallel_loop3A_446 {offsets = [2], sizes = [1], strides = [1]} : vector<16xf32> to vector<1xf32>
        %parallel_loop3A_495 = vector.extract %parallel_loop3A_494[0] : f32 from vector<1xf32>
        %parallel_loop3A_496 = vector.broadcast %parallel_loop3A_495 : f32 to vector<16xf32>
        %parallel_loop3A_497 = arith.mulf %parallel_loop3A_493, %parallel_loop3A_496 : vector<16xf32>
        %parallel_loop3A_498 = arith.constant 0 : i32
        %parallel_loop3A_499 = arith.index_cast %parallel_loop3A_498 : i32 to index
        %parallel_loop3A_500 = arith.index_cast %parallel_loop3A_425 : i32 to index
        %parallel_loop3A_501 = arith.constant 32 : index
        %parallel_loop3A_502 = tpu.vector_load %arg15[%parallel_loop3A_499, %parallel_loop3A_500, %parallel_loop3A_501] {strides = array<i32>} : memref<3x40x128xf32, #tpu.memory_space<vmem>>, vector<1x1x16xf32>,
        %parallel_loop3A_503 = vector.shape_cast %parallel_loop3A_502 : vector<1x1x16xf32> to vector<16xf32>
        %parallel_loop3A_504 = vector.shape_cast %parallel_loop3A_497 : vector<16xf32> to vector<1x1x16xf32>
        tpu.vector_store %arg15[%parallel_loop3A_499, %parallel_loop3A_500, %parallel_loop3A_501], %parallel_loop3A_504 {strides = array<i32>} : memref<3x40x128xf32, #tpu.memory_space<vmem>>, vector<1x1x16xf32>,
        %parallel_loop3A_505 = arith.constant 0 : i32
        %parallel_loop3A_506 = arith.index_cast %parallel_loop3A_505 : i32 to index
        %parallel_loop3A_507 = arith.index_cast %parallel_loop3A_425 : i32 to index
        %parallel_loop3A_508 = arith.constant 48 : index
        %parallel_loop3A_509 = tpu.vector_load %arg15[%parallel_loop3A_506, %parallel_loop3A_507, %parallel_loop3A_508] {strides = array<i32>} : memref<3x40x128xf32, #tpu.memory_space<vmem>>, vector<1x1x16xf32>,
        %parallel_loop3A_510 = vector.shape_cast %parallel_loop3A_509 : vector<1x1x16xf32> to vector<16xf32>
        %parallel_loop3A_511 = vector.extract_strided_slice %parallel_loop3A_446 {offsets = [3], sizes = [1], strides = [1]} : vector<16xf32> to vector<1xf32>
        %parallel_loop3A_512 = vector.extract %parallel_loop3A_511[0] : f32 from vector<1xf32>
        %parallel_loop3A_513 = vector.broadcast %parallel_loop3A_512 : f32 to vector<16xf32>
        %parallel_loop3A_514 = arith.mulf %parallel_loop3A_510, %parallel_loop3A_513 : vector<16xf32>
        %parallel_loop3A_515 = arith.constant 0 : i32
        %parallel_loop3A_516 = arith.index_cast %parallel_loop3A_515 : i32 to index
        %parallel_loop3A_517 = arith.index_cast %parallel_loop3A_425 : i32 to index
        %parallel_loop3A_518 = arith.constant 48 : index
        %parallel_loop3A_519 = tpu.vector_load %arg15[%parallel_loop3A_516, %parallel_loop3A_517, %parallel_loop3A_518] {strides = array<i32>} : memref<3x40x128xf32, #tpu.memory_space<vmem>>, vector<1x1x16xf32>,
        %parallel_loop3A_520 = vector.shape_cast %parallel_loop3A_519 : vector<1x1x16xf32> to vector<16xf32>
        %parallel_loop3A_521 = vector.shape_cast %parallel_loop3A_514 : vector<16xf32> to vector<1x1x16xf32>
        tpu.vector_store %arg15[%parallel_loop3A_516, %parallel_loop3A_517, %parallel_loop3A_518], %parallel_loop3A_521 {strides = array<i32>} : memref<3x40x128xf32, #tpu.memory_space<vmem>>, vector<1x1x16xf32>,
        %parallel_loop3A_522 = arith.constant 0 : i32
        %parallel_loop3A_523 = arith.index_cast %parallel_loop3A_522 : i32 to index
        %parallel_loop3A_524 = arith.index_cast %parallel_loop3A_425 : i32 to index
        %parallel_loop3A_525 = arith.constant 64 : index
        %parallel_loop3A_526 = tpu.vector_load %arg15[%parallel_loop3A_523, %parallel_loop3A_524, %parallel_loop3A_525] {strides = array<i32>} : memref<3x40x128xf32, #tpu.memory_space<vmem>>, vector<1x1x16xf32>,
        %parallel_loop3A_527 = vector.shape_cast %parallel_loop3A_526 : vector<1x1x16xf32> to vector<16xf32>
        %parallel_loop3A_528 = vector.extract_strided_slice %parallel_loop3A_446 {offsets = [4], sizes = [1], strides = [1]} : vector<16xf32> to vector<1xf32>
        %parallel_loop3A_529 = vector.extract %parallel_loop3A_528[0] : f32 from vector<1xf32>
        %parallel_loop3A_530 = vector.broadcast %parallel_loop3A_529 : f32 to vector<16xf32>
        %parallel_loop3A_531 = arith.mulf %parallel_loop3A_527, %parallel_loop3A_530 : vector<16xf32>
        %parallel_loop3A_532 = arith.constant 0 : i32
        %parallel_loop3A_533 = arith.index_cast %parallel_loop3A_532 : i32 to index
        %parallel_loop3A_534 = arith.index_cast %parallel_loop3A_425 : i32 to index
        %parallel_loop3A_535 = arith.constant 64 : index
        %parallel_loop3A_536 = tpu.vector_load %arg15[%parallel_loop3A_533, %parallel_loop3A_534, %parallel_loop3A_535] {strides = array<i32>} : memref<3x40x128xf32, #tpu.memory_space<vmem>>, vector<1x1x16xf32>,
        %parallel_loop3A_537 = vector.shape_cast %parallel_loop3A_536 : vector<1x1x16xf32> to vector<16xf32>
        %parallel_loop3A_538 = vector.shape_cast %parallel_loop3A_531 : vector<16xf32> to vector<1x1x16xf32>
        tpu.vector_store %arg15[%parallel_loop3A_533, %parallel_loop3A_534, %parallel_loop3A_535], %parallel_loop3A_538 {strides = array<i32>} : memref<3x40x128xf32, #tpu.memory_space<vmem>>, vector<1x1x16xf32>,
        %parallel_loop3A_539 = arith.constant 0 : i32
        %parallel_loop3A_540 = arith.index_cast %parallel_loop3A_539 : i32 to index
        %parallel_loop3A_541 = arith.index_cast %parallel_loop3A_425 : i32 to index
        %parallel_loop3A_542 = arith.constant 80 : index
        %parallel_loop3A_543 = tpu.vector_load %arg15[%parallel_loop3A_540, %parallel_loop3A_541, %parallel_loop3A_542] {strides = array<i32>} : memref<3x40x128xf32, #tpu.memory_space<vmem>>, vector<1x1x16xf32>,
        %parallel_loop3A_544 = vector.shape_cast %parallel_loop3A_543 : vector<1x1x16xf32> to vector<16xf32>
        %parallel_loop3A_545 = vector.extract_strided_slice %parallel_loop3A_446 {offsets = [5], sizes = [1], strides = [1]} : vector<16xf32> to vector<1xf32>
        %parallel_loop3A_546 = vector.extract %parallel_loop3A_545[0] : f32 from vector<1xf32>
        %parallel_loop3A_547 = vector.broadcast %parallel_loop3A_546 : f32 to vector<16xf32>
        %parallel_loop3A_548 = arith.mulf %parallel_loop3A_544, %parallel_loop3A_547 : vector<16xf32>
        %parallel_loop3A_549 = arith.constant 0 : i32
        %parallel_loop3A_550 = arith.index_cast %parallel_loop3A_549 : i32 to index
        %parallel_loop3A_551 = arith.index_cast %parallel_loop3A_425 : i32 to index
        %parallel_loop3A_552 = arith.constant 80 : index
        %parallel_loop3A_553 = tpu.vector_load %arg15[%parallel_loop3A_550, %parallel_loop3A_551, %parallel_loop3A_552] {strides = array<i32>} : memref<3x40x128xf32, #tpu.memory_space<vmem>>, vector<1x1x16xf32>,
        %parallel_loop3A_554 = vector.shape_cast %parallel_loop3A_553 : vector<1x1x16xf32> to vector<16xf32>
        %parallel_loop3A_555 = vector.shape_cast %parallel_loop3A_548 : vector<16xf32> to vector<1x1x16xf32>
        tpu.vector_store %arg15[%parallel_loop3A_550, %parallel_loop3A_551, %parallel_loop3A_552], %parallel_loop3A_555 {strides = array<i32>} : memref<3x40x128xf32, #tpu.memory_space<vmem>>, vector<1x1x16xf32>,
        %parallel_loop3A_556 = arith.constant 0 : i32
        %parallel_loop3A_557 = arith.index_cast %parallel_loop3A_556 : i32 to index
        %parallel_loop3A_558 = arith.index_cast %parallel_loop3A_425 : i32 to index
        %parallel_loop3A_559 = arith.constant 96 : index
        %parallel_loop3A_560 = tpu.vector_load %arg15[%parallel_loop3A_557, %parallel_loop3A_558, %parallel_loop3A_559] {strides = array<i32>} : memref<3x40x128xf32, #tpu.memory_space<vmem>>, vector<1x1x16xf32>,
        %parallel_loop3A_561 = vector.shape_cast %parallel_loop3A_560 : vector<1x1x16xf32> to vector<16xf32>
        %parallel_loop3A_562 = vector.extract_strided_slice %parallel_loop3A_446 {offsets = [6], sizes = [1], strides = [1]} : vector<16xf32> to vector<1xf32>
        %parallel_loop3A_563 = vector.extract %parallel_loop3A_562[0] : f32 from vector<1xf32>
        %parallel_loop3A_564 = vector.broadcast %parallel_loop3A_563 : f32 to vector<16xf32>
        %parallel_loop3A_565 = arith.mulf %parallel_loop3A_561, %parallel_loop3A_564 : vector<16xf32>
        %parallel_loop3A_566 = arith.constant 0 : i32
        %parallel_loop3A_567 = arith.index_cast %parallel_loop3A_566 : i32 to index
        %parallel_loop3A_568 = arith.index_cast %parallel_loop3A_425 : i32 to index
        %parallel_loop3A_569 = arith.constant 96 : index
        %parallel_loop3A_570 = tpu.vector_load %arg15[%parallel_loop3A_567, %parallel_loop3A_568, %parallel_loop3A_569] {strides = array<i32>} : memref<3x40x128xf32, #tpu.memory_space<vmem>>, vector<1x1x16xf32>,
        %parallel_loop3A_571 = vector.shape_cast %parallel_loop3A_570 : vector<1x1x16xf32> to vector<16xf32>
        %parallel_loop3A_572 = vector.shape_cast %parallel_loop3A_565 : vector<16xf32> to vector<1x1x16xf32>
        tpu.vector_store %arg15[%parallel_loop3A_567, %parallel_loop3A_568, %parallel_loop3A_569], %parallel_loop3A_572 {strides = array<i32>} : memref<3x40x128xf32, #tpu.memory_space<vmem>>, vector<1x1x16xf32>,
        %parallel_loop3A_573 = arith.constant 0 : i32
        %parallel_loop3A_574 = arith.index_cast %parallel_loop3A_573 : i32 to index
        %parallel_loop3A_575 = arith.index_cast %parallel_loop3A_425 : i32 to index
        %parallel_loop3A_576 = arith.constant 112 : index
        %parallel_loop3A_577 = tpu.vector_load %arg15[%parallel_loop3A_574, %parallel_loop3A_575, %parallel_loop3A_576] {strides = array<i32>} : memref<3x40x128xf32, #tpu.memory_space<vmem>>, vector<1x1x16xf32>,
        %parallel_loop3A_578 = vector.shape_cast %parallel_loop3A_577 : vector<1x1x16xf32> to vector<16xf32>
        %parallel_loop3A_579 = vector.extract_strided_slice %parallel_loop3A_446 {offsets = [7], sizes = [1], strides = [1]} : vector<16xf32> to vector<1xf32>
        %parallel_loop3A_580 = vector.extract %parallel_loop3A_579[0] : f32 from vector<1xf32>
        %parallel_loop3A_581 = vector.broadcast %parallel_loop3A_580 : f32 to vector<16xf32>
        %parallel_loop3A_582 = arith.mulf %parallel_loop3A_578, %parallel_loop3A_581 : vector<16xf32>
        %parallel_loop3A_583 = arith.constant 0 : i32
        %parallel_loop3A_584 = arith.index_cast %parallel_loop3A_583 : i32 to index
        %parallel_loop3A_585 = arith.index_cast %parallel_loop3A_425 : i32 to index
        %parallel_loop3A_586 = arith.constant 112 : index
        %parallel_loop3A_587 = tpu.vector_load %arg15[%parallel_loop3A_584, %parallel_loop3A_585, %parallel_loop3A_586] {strides = array<i32>} : memref<3x40x128xf32, #tpu.memory_space<vmem>>, vector<1x1x16xf32>,
        %parallel_loop3A_588 = vector.shape_cast %parallel_loop3A_587 : vector<1x1x16xf32> to vector<16xf32>
        %parallel_loop3A_589 = vector.shape_cast %parallel_loop3A_582 : vector<16xf32> to vector<1x1x16xf32>
        tpu.vector_store %arg15[%parallel_loop3A_584, %parallel_loop3A_585, %parallel_loop3A_586], %parallel_loop3A_589 {strides = array<i32>} : memref<3x40x128xf32, #tpu.memory_space<vmem>>, vector<1x1x16xf32>,
      } {sc.loop_unroll_factor = 4 : i64, sc.parallel_access}
      %dma_start3A_265 = arith.constant 0 : i32
      %dma_start3A_266 = arith.constant 0 : i32
      %dma_start3A_267 = arith.constant 0 : i32
      %dma_start3A_268 = tpu.memref_slice %arg15[%dma_start3A_265, %dma_start3A_266, %dma_start3A_267] : memref<3x40x128xf32, #tpu.memory_space<vmem>> -> memref<1x40x128xf32, #tpu.memory_space<vmem>>
      %dma_start3A_269 = tpu.memref_squeeze %dma_start3A_268 : memref<1x40x128xf32, #tpu.memory_space<vmem>> -> memref<40x128xf32, #tpu.memory_space<vmem>>
      %dma_start3A_270 = arith.constant 0 : i32
      %dma_start3A_271 = tpu.memref_slice %arg14[%add3A_223, %dma_start3A_270] : memref<250x40xi32, #tpu.memory_space<vmem>> -> memref<1x40xi32, #tpu.memory_space<vmem>>
      %dma_start3A_272 = tpu.memref_squeeze %dma_start3A_271 : memref<1x40xi32, #tpu.memory_space<vmem>> -> memref<40xi32, #tpu.memory_space<vmem>>
      %dma_start3A_273 = arith.constant 0 : i32
      %dma_start3A_274 = arith.constant 0 : i32
      %dma_start3A_275 = tpu.memref_slice %arg11[%dma_start3A_273, %dma_start3A_274] : memref<10000x128xf32, #tpu.memory_space<vmem_shared>> -> memref<10000x128xf32, #tpu.memory_space<vmem_shared>>
      tpu.enqueue_indirect_dma source(%dma_start3A_269 : memref<40x128xf32, #tpu.memory_space<vmem>>) target(%dma_start3A_275 : memref<10000x128xf32, #tpu.memory_space<vmem_shared>>) offsets(%dma_start3A_272 : memref<40xi32, #tpu.memory_space<vmem>>) semaphore(%arg21 : memref<!tpu.dma_semaphore, #tpu.memory_space<semaphore_mem>>) {add = true}
      %dma_start3A_276 = arith.constant 0 : i32
      %dma_start3A_277 = arith.constant 0 : i32
      %dma_start3A_278 = arith.constant 0 : i32
      %dma_start3A_279 = tpu.memref_slice %arg16[%dma_start3A_276, %dma_start3A_277, %dma_start3A_278] : memref<3x40x16xf32, #tpu.memory_space<vmem>> -> memref<1x40x16xf32, #tpu.memory_space<vmem>>
      %dma_start3A_280 = tpu.memref_squeeze %dma_start3A_279 : memref<1x40x16xf32, #tpu.memory_space<vmem>> -> memref<40x16xf32, #tpu.memory_space<vmem>>
      %dma_start3A_281 = arith.constant 0 : i32
      %dma_start3A_282 = tpu.memref_slice %arg14[%add3A_223, %dma_start3A_281] : memref<250x40xi32, #tpu.memory_space<vmem>> -> memref<1x40xi32, #tpu.memory_space<vmem>>
      %dma_start3A_283 = tpu.memref_squeeze %dma_start3A_282 : memref<1x40xi32, #tpu.memory_space<vmem>> -> memref<40xi32, #tpu.memory_space<vmem>>
      %dma_start3A_284 = arith.constant 0 : i32
      %dma_start3A_285 = arith.constant 0 : i32
      %dma_start3A_286 = tpu.memref_slice %arg12[%dma_start3A_284, %dma_start3A_285] : memref<10000x16xf32, #tpu.memory_space<vmem_shared>> -> memref<10000x16xf32, #tpu.memory_space<vmem_shared>>
      tpu.enqueue_indirect_dma source(%dma_start3A_280 : memref<40x16xf32, #tpu.memory_space<vmem>>) target(%dma_start3A_286 : memref<10000x16xf32, #tpu.memory_space<vmem_shared>>) offsets(%dma_start3A_283 : memref<40xi32, #tpu.memory_space<vmem>>) semaphore(%arg21 : memref<!tpu.dma_semaphore, #tpu.memory_space<semaphore_mem>>) {add = true}
      %add3A_287 = arith.constant 1 : i32
      %add3A_288 = arith.addi %mul3A_221, %add3A_287 : i32
      %add3A_289 = arith.constant 3 : i32
      %add3A_290 = arith.addi %add3A_288, %add3A_289 : i32
      %sub3A_291 = arith.constant 1 : i32
      %sub3A_292 = arith.subi %add3A_290, %sub3A_291 : i32
      %lt3A_293 = arith.constant 250 : i32
      %lt3A_294 = arith.cmpi slt, %sub3A_292, %lt3A_293 : i32
      %convert_element_type3A_295 = arith.extui %lt3A_294 : i1 to i32
      %cond3A_296 = arith.constant 0 : i32
      %cond3A_297 = arith.cmpi ne, %convert_element_type3A_295, %cond3A_296 : i32
      scf.if %cond3A_297 {
        %ge3A = arith.constant 3 : i32
        %ge3A_425 = arith.cmpi sge, %sub3A_292, %ge3A : i32
        %convert_element_type3A_426 = arith.extui %ge3A_425 : i1 to i32
        %cond3A_427 = arith.constant 0 : i32
        %cond3A_428 = arith.cmpi ne, %convert_element_type3A_426, %cond3A_427 : i32
        scf.if %cond3A_428 {
          %sub3A_462 = arith.constant 3 : i32
          %sub3A_463 = arith.subi %sub3A_292, %sub3A_462 : i32
          %dma_wait3A_464 = arith.constant 0 : i32
          %dma_wait3A_465 = arith.constant 0 : i32
          %dma_wait3A_466 = arith.constant 0 : i32
          %dma_wait3A_467 = tpu.memref_slice %arg15[%dma_wait3A_464, %dma_wait3A_465, %dma_wait3A_466] : memref<3x40x128xf32, #tpu.memory_space<vmem>> -> memref<1x40x128xf32, #tpu.memory_space<vmem>>
          %dma_wait3A_468 = tpu.memref_squeeze %dma_wait3A_467 : memref<1x40x128xf32, #tpu.memory_space<vmem>> -> memref<40x128xf32, #tpu.memory_space<vmem>>
          %dma_wait3A_469 = arith.constant 0 : i32
          %dma_wait3A_470 = tpu.memref_slice %arg14[%sub3A_463, %dma_wait3A_469] : memref<250x40xi32, #tpu.memory_space<vmem>> -> memref<1x40xi32, #tpu.memory_space<vmem>>
          %dma_wait3A_471 = tpu.memref_squeeze %dma_wait3A_470 : memref<1x40xi32, #tpu.memory_space<vmem>> -> memref<40xi32, #tpu.memory_space<vmem>>
          %dma_wait3A_472 = arith.constant 0 : i32
          %dma_wait3A_473 = arith.constant 0 : i32
          %dma_wait3A_474 = tpu.memref_slice %arg11[%dma_wait3A_472, %dma_wait3A_473] : memref<10000x128xf32, #tpu.memory_space<vmem_shared>> -> memref<10000x128xf32, #tpu.memory_space<vmem_shared>>
          tpu.wait_indirect_dma semaphore(%arg21 : memref<!tpu.dma_semaphore, #tpu.memory_space<semaphore_mem>>) src(%dma_wait3A_468 : memref<40x128xf32, #tpu.memory_space<vmem>>) dst(%dma_wait3A_474 : memref<10000x128xf32, #tpu.memory_space<vmem_shared>>)
          %dma_wait3A_475 = arith.constant 0 : i32
          %dma_wait3A_476 = arith.constant 0 : i32
          %dma_wait3A_477 = arith.constant 0 : i32
          %dma_wait3A_478 = tpu.memref_slice %arg16[%dma_wait3A_475, %dma_wait3A_476, %dma_wait3A_477] : memref<3x40x16xf32, #tpu.memory_space<vmem>> -> memref<1x40x16xf32, #tpu.memory_space<vmem>>
          %dma_wait3A_479 = tpu.memref_squeeze %dma_wait3A_478 : memref<1x40x16xf32, #tpu.memory_space<vmem>> -> memref<40x16xf32, #tpu.memory_space<vmem>>
          %dma_wait3A_480 = arith.constant 0 : i32
          %dma_wait3A_481 = tpu.memref_slice %arg14[%sub3A_463, %dma_wait3A_480] : memref<250x40xi32, #tpu.memory_space<vmem>> -> memref<1x40xi32, #tpu.memory_space<vmem>>
          %dma_wait3A_482 = tpu.memref_squeeze %dma_wait3A_481 : memref<1x40xi32, #tpu.memory_space<vmem>> -> memref<40xi32, #tpu.memory_space<vmem>>
          %dma_wait3A_483 = arith.constant 0 : i32
          %dma_wait3A_484 = arith.constant 0 : i32
          %dma_wait3A_485 = tpu.memref_slice %arg12[%dma_wait3A_483, %dma_wait3A_484] : memref<10000x16xf32, #tpu.memory_space<vmem_shared>> -> memref<10000x16xf32, #tpu.memory_space<vmem_shared>>
          tpu.wait_indirect_dma semaphore(%arg21 : memref<!tpu.dma_semaphore, #tpu.memory_space<semaphore_mem>>) src(%dma_wait3A_479 : memref<40x16xf32, #tpu.memory_space<vmem>>) dst(%dma_wait3A_485 : memref<10000x16xf32, #tpu.memory_space<vmem_shared>>)
        } else {
        }
        %dma_start3A_429 = arith.constant 0 : i32
        %dma_start3A_430 = arith.constant 0 : i32
        %dma_start3A_431 = arith.constant 0 : i32
        %dma_start3A_432 = tpu.memref_slice %arg15[%dma_start3A_429, %dma_start3A_430, %dma_start3A_431] : memref<3x40x128xf32, #tpu.memory_space<vmem>> -> memref<1x40x128xf32, #tpu.memory_space<vmem>>
        %dma_start3A_433 = tpu.memref_squeeze %dma_start3A_432 : memref<1x40x128xf32, #tpu.memory_space<vmem>> -> memref<40x128xf32, #tpu.memory_space<vmem>>
        %dma_start3A_434 = arith.constant 0 : i32
        %dma_start3A_435 = tpu.memref_slice %arg13[%sub3A_292, %dma_start3A_434] : memref<250x40xi32, #tpu.memory_space<vmem>> -> memref<1x40xi32, #tpu.memory_space<vmem>>
        %dma_start3A_436 = tpu.memref_squeeze %dma_start3A_435 : memref<1x40xi32, #tpu.memory_space<vmem>> -> memref<40xi32, #tpu.memory_space<vmem>>
        %dma_start3A_437 = arith.constant 0 : i32
        %dma_start3A_438 = arith.constant 0 : i32
        %dma_start3A_439 = tpu.memref_slice %arg2[%dma_start3A_437, %dma_start3A_438] : memref<10000x128xf32, #tpu.memory_space<hbm>> -> memref<10000x128xf32, #tpu.memory_space<hbm>>
        tpu.enqueue_indirect_dma source(%dma_start3A_439 : memref<10000x128xf32, #tpu.memory_space<hbm>>) target(%dma_start3A_433 : memref<40x128xf32, #tpu.memory_space<vmem>>) offsets(%dma_start3A_436 : memref<40xi32, #tpu.memory_space<vmem>>) semaphore(%arg18 : memref<!tpu.dma_semaphore, #tpu.memory_space<semaphore_mem>>)
        %dma_start3A_440 = arith.constant 0 : i32
        %dma_start3A_441 = arith.constant 0 : i32
        %dma_start3A_442 = arith.constant 0 : i32
        %dma_start3A_443 = tpu.memref_slice %arg16[%dma_start3A_440, %dma_start3A_441, %dma_start3A_442] : memref<3x40x16xf32, #tpu.memory_space<vmem>> -> memref<1x40x16xf32, #tpu.memory_space<vmem>>
        %dma_start3A_444 = tpu.memref_squeeze %dma_start3A_443 : memref<1x40x16xf32, #tpu.memory_space<vmem>> -> memref<40x16xf32, #tpu.memory_space<vmem>>
        %dma_start3A_445 = arith.constant 0 : i32
        %dma_start3A_446 = tpu.memref_slice %arg13[%sub3A_292, %dma_start3A_445] : memref<250x40xi32, #tpu.memory_space<vmem>> -> memref<1x40xi32, #tpu.memory_space<vmem>>
        %dma_start3A_447 = tpu.memref_squeeze %dma_start3A_446 : memref<1x40xi32, #tpu.memory_space<vmem>> -> memref<40xi32, #tpu.memory_space<vmem>>
        %dma_start3A_448 = arith.constant 0 : i32
        %dma_start3A_449 = arith.constant 0 : i32
        %dma_start3A_450 = tpu.memref_slice %arg3[%dma_start3A_448, %dma_start3A_449] : memref<10000x16xf32, #tpu.memory_space<hbm>> -> memref<10000x16xf32, #tpu.memory_space<hbm>>
        tpu.enqueue_indirect_dma source(%dma_start3A_450 : memref<10000x16xf32, #tpu.memory_space<hbm>>) target(%dma_start3A_444 : memref<40x16xf32, #tpu.memory_space<vmem>>) offsets(%dma_start3A_447 : memref<40xi32, #tpu.memory_space<vmem>>) semaphore(%arg18 : memref<!tpu.dma_semaphore, #tpu.memory_space<semaphore_mem>>)
        %dma_start3A_451 = arith.constant 0 : i32
        %dma_start3A_452 = arith.constant 0 : i32
        %dma_start3A_453 = arith.constant 0 : i32
        %dma_start3A_454 = tpu.memref_slice %arg17[%dma_start3A_451, %dma_start3A_452, %dma_start3A_453] : memref<3x40x16xf32, #tpu.memory_space<vmem>> -> memref<1x40x16xf32, #tpu.memory_space<vmem>>
        %dma_start3A_455 = tpu.memref_squeeze %dma_start3A_454 : memref<1x40x16xf32, #tpu.memory_space<vmem>> -> memref<40x16xf32, #tpu.memory_space<vmem>>
        %dma_start3A_456 = arith.constant 0 : i32
        %dma_start3A_457 = tpu.memref_slice %arg14[%sub3A_292, %dma_start3A_456] : memref<250x40xi32, #tpu.memory_space<vmem>> -> memref<1x40xi32, #tpu.memory_space<vmem>>
        %dma_start3A_458 = tpu.memref_squeeze %dma_start3A_457 : memref<1x40xi32, #tpu.memory_space<vmem>> -> memref<40xi32, #tpu.memory_space<vmem>>
        %dma_start3A_459 = arith.constant 0 : i32
        %dma_start3A_460 = arith.constant 0 : i32
        %dma_start3A_461 = tpu.memref_slice %arg4[%dma_start3A_459, %dma_start3A_460] : memref<10000x16xf32, #tpu.memory_space<hbm>> -> memref<10000x16xf32, #tpu.memory_space<hbm>>
        tpu.enqueue_indirect_dma source(%dma_start3A_461 : memref<10000x16xf32, #tpu.memory_space<hbm>>) target(%dma_start3A_455 : memref<40x16xf32, #tpu.memory_space<vmem>>) offsets(%dma_start3A_458 : memref<40xi32, #tpu.memory_space<vmem>>) semaphore(%arg18 : memref<!tpu.dma_semaphore, #tpu.memory_space<semaphore_mem>>)
      } else {
      }
      %dma_wait3A_298 = arith.constant 1 : i32
      %dma_wait3A_299 = arith.constant 0 : i32
      %dma_wait3A_300 = arith.constant 0 : i32
      %dma_wait3A_301 = tpu.memref_slice %arg15[%dma_wait3A_298, %dma_wait3A_299, %dma_wait3A_300] : memref<3x40x128xf32, #tpu.memory_space<vmem>> -> memref<1x40x128xf32, #tpu.memory_space<vmem>>
      %dma_wait3A_302 = tpu.memref_squeeze %dma_wait3A_301 : memref<1x40x128xf32, #tpu.memory_space<vmem>> -> memref<40x128xf32, #tpu.memory_space<vmem>>
      %dma_wait3A_303 = arith.constant 0 : i32
      %dma_wait3A_304 = tpu.memref_slice %arg13[%add3A_288, %dma_wait3A_303] : memref<250x40xi32, #tpu.memory_space<vmem>> -> memref<1x40xi32, #tpu.memory_space<vmem>>
      %dma_wait3A_305 = tpu.memref_squeeze %dma_wait3A_304 : memref<1x40xi32, #tpu.memory_space<vmem>> -> memref<40xi32, #tpu.memory_space<vmem>>
      %dma_wait3A_306 = arith.constant 0 : i32
      %dma_wait3A_307 = arith.constant 0 : i32
      %dma_wait3A_308 = tpu.memref_slice %arg2[%dma_wait3A_306, %dma_wait3A_307] : memref<10000x128xf32, #tpu.memory_space<hbm>> -> memref<10000x128xf32, #tpu.memory_space<hbm>>
      tpu.wait_indirect_dma semaphore(%arg19 : memref<!tpu.dma_semaphore, #tpu.memory_space<semaphore_mem>>) src(%dma_wait3A_308 : memref<10000x128xf32, #tpu.memory_space<hbm>>) dst(%dma_wait3A_302 : memref<40x128xf32, #tpu.memory_space<vmem>>)
      %dma_wait3A_309 = arith.constant 1 : i32
      %dma_wait3A_310 = arith.constant 0 : i32
      %dma_wait3A_311 = arith.constant 0 : i32
      %dma_wait3A_312 = tpu.memref_slice %arg16[%dma_wait3A_309, %dma_wait3A_310, %dma_wait3A_311] : memref<3x40x16xf32, #tpu.memory_space<vmem>> -> memref<1x40x16xf32, #tpu.memory_space<vmem>>
      %dma_wait3A_313 = tpu.memref_squeeze %dma_wait3A_312 : memref<1x40x16xf32, #tpu.memory_space<vmem>> -> memref<40x16xf32, #tpu.memory_space<vmem>>
      %dma_wait3A_314 = arith.constant 0 : i32
      %dma_wait3A_315 = tpu.memref_slice %arg13[%add3A_288, %dma_wait3A_314] : memref<250x40xi32, #tpu.memory_space<vmem>> -> memref<1x40xi32, #tpu.memory_space<vmem>>
      %dma_wait3A_316 = tpu.memref_squeeze %dma_wait3A_315 : memref<1x40xi32, #tpu.memory_space<vmem>> -> memref<40xi32, #tpu.memory_space<vmem>>
      %dma_wait3A_317 = arith.constant 0 : i32
      %dma_wait3A_318 = arith.constant 0 : i32
      %dma_wait3A_319 = tpu.memref_slice %arg3[%dma_wait3A_317, %dma_wait3A_318] : memref<10000x16xf32, #tpu.memory_space<hbm>> -> memref<10000x16xf32, #tpu.memory_space<hbm>>
      tpu.wait_indirect_dma semaphore(%arg19 : memref<!tpu.dma_semaphore, #tpu.memory_space<semaphore_mem>>) src(%dma_wait3A_319 : memref<10000x16xf32, #tpu.memory_space<hbm>>) dst(%dma_wait3A_313 : memref<40x16xf32, #tpu.memory_space<vmem>>)
      %dma_wait3A_320 = arith.constant 1 : i32
      %dma_wait3A_321 = arith.constant 0 : i32
      %dma_wait3A_322 = arith.constant 0 : i32
      %dma_wait3A_323 = tpu.memref_slice %arg17[%dma_wait3A_320, %dma_wait3A_321, %dma_wait3A_322] : memref<3x40x16xf32, #tpu.memory_space<vmem>> -> memref<1x40x16xf32, #tpu.memory_space<vmem>>
      %dma_wait3A_324 = tpu.memref_squeeze %dma_wait3A_323 : memref<1x40x16xf32, #tpu.memory_space<vmem>> -> memref<40x16xf32, #tpu.memory_space<vmem>>
      %dma_wait3A_325 = arith.constant 0 : i32
      %dma_wait3A_326 = tpu.memref_slice %arg14[%add3A_288, %dma_wait3A_325] : memref<250x40xi32, #tpu.memory_space<vmem>> -> memref<1x40xi32, #tpu.memory_space<vmem>>
      %dma_wait3A_327 = tpu.memref_squeeze %dma_wait3A_326 : memref<1x40xi32, #tpu.memory_space<vmem>> -> memref<40xi32, #tpu.memory_space<vmem>>
      %dma_wait3A_328 = arith.constant 0 : i32
      %dma_wait3A_329 = arith.constant 0 : i32
      %dma_wait3A_330 = tpu.memref_slice %arg4[%dma_wait3A_328, %dma_wait3A_329] : memref<10000x16xf32, #tpu.memory_space<hbm>> -> memref<10000x16xf32, #tpu.memory_space<hbm>>
      tpu.wait_indirect_dma semaphore(%arg19 : memref<!tpu.dma_semaphore, #tpu.memory_space<semaphore_mem>>) src(%dma_wait3A_330 : memref<10000x16xf32, #tpu.memory_space<hbm>>) dst(%dma_wait3A_324 : memref<40x16xf32, #tpu.memory_space<vmem>>)
      %parallel_loop3A_331 = arith.constant 0 : i32
      %parallel_loop3A_332 = arith.constant 40 : i32
      %parallel_loop3A_333 = arith.constant 1 : i32
      scf.for %parallel_loop3A_425 = %parallel_loop3A_331 to %parallel_loop3A_332 step %parallel_loop3A_333  : i32 {
        %parallel_loop3A_426 = arith.constant 1 : i32
        %parallel_loop3A_427 = arith.index_cast %parallel_loop3A_426 : i32 to index
        %parallel_loop3A_428 = arith.index_cast %parallel_loop3A_425 : i32 to index
        %parallel_loop3A_429 = arith.constant 0 : index
        %parallel_loop3A_430 = tpu.vector_load %arg16[%parallel_loop3A_427, %parallel_loop3A_428, %parallel_loop3A_429] {strides = array<i32>} : memref<3x40x16xf32, #tpu.memory_space<vmem>>, vector<1x1x16xf32>,
        %parallel_loop3A_431 = vector.shape_cast %parallel_loop3A_430 : vector<1x1x16xf32> to vector<16xf32>
        %parallel_loop3A_432 = arith.constant 1 : i32
        %parallel_loop3A_433 = arith.index_cast %parallel_loop3A_432 : i32 to index
        %parallel_loop3A_434 = arith.index_cast %parallel_loop3A_425 : i32 to index
        %parallel_loop3A_435 = arith.constant 0 : index
        %parallel_loop3A_436 = tpu.vector_load %arg17[%parallel_loop3A_433, %parallel_loop3A_434, %parallel_loop3A_435] {strides = array<i32>} : memref<3x40x16xf32, #tpu.memory_space<vmem>>, vector<1x1x16xf32>,
        %parallel_loop3A_437 = vector.shape_cast %parallel_loop3A_436 : vector<1x1x16xf32> to vector<16xf32>
        %parallel_loop3A_438 = arith.addf %parallel_loop3A_431, %parallel_loop3A_437 : vector<16xf32>
        %parallel_loop3A_439 = arith.constant 0.000000e+00 : f32
        %parallel_loop3A_440 = vector.broadcast %parallel_loop3A_439 : f32 to vector<16xf32>
        %parallel_loop3A_441 = arith.cmpf oge, %parallel_loop3A_438, %parallel_loop3A_440 : vector<16xf32>
        %parallel_loop3A_442 = arith.constant 2.000000e-01 : f32
        %parallel_loop3A_443 = vector.broadcast %parallel_loop3A_442 : f32 to vector<16xf32>
        %parallel_loop3A_444 = arith.mulf %parallel_loop3A_443, %parallel_loop3A_438 : vector<16xf32>
        %parallel_loop3A_445 = arith.select %parallel_loop3A_441, %parallel_loop3A_438, %parallel_loop3A_444 : vector<16xi1>, vector<16xf32>
        %parallel_loop3A_446 = math.exp %parallel_loop3A_445 : vector<16xf32>
        %parallel_loop3A_447 = arith.constant 1 : i32
        %parallel_loop3A_448 = arith.index_cast %parallel_loop3A_447 : i32 to index
        %parallel_loop3A_449 = arith.index_cast %parallel_loop3A_425 : i32 to index
        %parallel_loop3A_450 = arith.constant 0 : index
        %parallel_loop3A_451 = tpu.vector_load %arg16[%parallel_loop3A_448, %parallel_loop3A_449, %parallel_loop3A_450] {strides = array<i32>} : memref<3x40x16xf32, #tpu.memory_space<vmem>>, vector<1x1x16xf32>,
        %parallel_loop3A_452 = vector.shape_cast %parallel_loop3A_451 : vector<1x1x16xf32> to vector<16xf32>
        %parallel_loop3A_453 = vector.shape_cast %parallel_loop3A_446 : vector<16xf32> to vector<1x1x16xf32>
        tpu.vector_store %arg16[%parallel_loop3A_448, %parallel_loop3A_449, %parallel_loop3A_450], %parallel_loop3A_453 {strides = array<i32>} : memref<3x40x16xf32, #tpu.memory_space<vmem>>, vector<1x1x16xf32>,
        %parallel_loop3A_454 = arith.constant 1 : i32
        %parallel_loop3A_455 = arith.index_cast %parallel_loop3A_454 : i32 to index
        %parallel_loop3A_456 = arith.index_cast %parallel_loop3A_425 : i32 to index
        %parallel_loop3A_457 = arith.constant 0 : index
        %parallel_loop3A_458 = tpu.vector_load %arg15[%parallel_loop3A_455, %parallel_loop3A_456, %parallel_loop3A_457] {strides = array<i32>} : memref<3x40x128xf32, #tpu.memory_space<vmem>>, vector<1x1x16xf32>,
        %parallel_loop3A_459 = vector.shape_cast %parallel_loop3A_458 : vector<1x1x16xf32> to vector<16xf32>
        %parallel_loop3A_460 = vector.extract_strided_slice %parallel_loop3A_446 {offsets = [0], sizes = [1], strides = [1]} : vector<16xf32> to vector<1xf32>
        %parallel_loop3A_461 = vector.extract %parallel_loop3A_460[0] : f32 from vector<1xf32>
        %parallel_loop3A_462 = vector.broadcast %parallel_loop3A_461 : f32 to vector<16xf32>
        %parallel_loop3A_463 = arith.mulf %parallel_loop3A_459, %parallel_loop3A_462 : vector<16xf32>
        %parallel_loop3A_464 = arith.constant 1 : i32
        %parallel_loop3A_465 = arith.index_cast %parallel_loop3A_464 : i32 to index
        %parallel_loop3A_466 = arith.index_cast %parallel_loop3A_425 : i32 to index
        %parallel_loop3A_467 = arith.constant 0 : index
        %parallel_loop3A_468 = tpu.vector_load %arg15[%parallel_loop3A_465, %parallel_loop3A_466, %parallel_loop3A_467] {strides = array<i32>} : memref<3x40x128xf32, #tpu.memory_space<vmem>>, vector<1x1x16xf32>,
        %parallel_loop3A_469 = vector.shape_cast %parallel_loop3A_468 : vector<1x1x16xf32> to vector<16xf32>
        %parallel_loop3A_470 = vector.shape_cast %parallel_loop3A_463 : vector<16xf32> to vector<1x1x16xf32>
        tpu.vector_store %arg15[%parallel_loop3A_465, %parallel_loop3A_466, %parallel_loop3A_467], %parallel_loop3A_470 {strides = array<i32>} : memref<3x40x128xf32, #tpu.memory_space<vmem>>, vector<1x1x16xf32>,
        %parallel_loop3A_471 = arith.constant 1 : i32
        %parallel_loop3A_472 = arith.index_cast %parallel_loop3A_471 : i32 to index
        %parallel_loop3A_473 = arith.index_cast %parallel_loop3A_425 : i32 to index
        %parallel_loop3A_474 = arith.constant 16 : index
        %parallel_loop3A_475 = tpu.vector_load %arg15[%parallel_loop3A_472, %parallel_loop3A_473, %parallel_loop3A_474] {strides = array<i32>} : memref<3x40x128xf32, #tpu.memory_space<vmem>>, vector<1x1x16xf32>,
        %parallel_loop3A_476 = vector.shape_cast %parallel_loop3A_475 : vector<1x1x16xf32> to vector<16xf32>
        %parallel_loop3A_477 = vector.extract_strided_slice %parallel_loop3A_446 {offsets = [1], sizes = [1], strides = [1]} : vector<16xf32> to vector<1xf32>
        %parallel_loop3A_478 = vector.extract %parallel_loop3A_477[0] : f32 from vector<1xf32>
        %parallel_loop3A_479 = vector.broadcast %parallel_loop3A_478 : f32 to vector<16xf32>
        %parallel_loop3A_480 = arith.mulf %parallel_loop3A_476, %parallel_loop3A_479 : vector<16xf32>
        %parallel_loop3A_481 = arith.constant 1 : i32
        %parallel_loop3A_482 = arith.index_cast %parallel_loop3A_481 : i32 to index
        %parallel_loop3A_483 = arith.index_cast %parallel_loop3A_425 : i32 to index
        %parallel_loop3A_484 = arith.constant 16 : index
        %parallel_loop3A_485 = tpu.vector_load %arg15[%parallel_loop3A_482, %parallel_loop3A_483, %parallel_loop3A_484] {strides = array<i32>} : memref<3x40x128xf32, #tpu.memory_space<vmem>>, vector<1x1x16xf32>,
        %parallel_loop3A_486 = vector.shape_cast %parallel_loop3A_485 : vector<1x1x16xf32> to vector<16xf32>
        %parallel_loop3A_487 = vector.shape_cast %parallel_loop3A_480 : vector<16xf32> to vector<1x1x16xf32>
        tpu.vector_store %arg15[%parallel_loop3A_482, %parallel_loop3A_483, %parallel_loop3A_484], %parallel_loop3A_487 {strides = array<i32>} : memref<3x40x128xf32, #tpu.memory_space<vmem>>, vector<1x1x16xf32>,
        %parallel_loop3A_488 = arith.constant 1 : i32
        %parallel_loop3A_489 = arith.index_cast %parallel_loop3A_488 : i32 to index
        %parallel_loop3A_490 = arith.index_cast %parallel_loop3A_425 : i32 to index
        %parallel_loop3A_491 = arith.constant 32 : index
        %parallel_loop3A_492 = tpu.vector_load %arg15[%parallel_loop3A_489, %parallel_loop3A_490, %parallel_loop3A_491] {strides = array<i32>} : memref<3x40x128xf32, #tpu.memory_space<vmem>>, vector<1x1x16xf32>,
        %parallel_loop3A_493 = vector.shape_cast %parallel_loop3A_492 : vector<1x1x16xf32> to vector<16xf32>
        %parallel_loop3A_494 = vector.extract_strided_slice %parallel_loop3A_446 {offsets = [2], sizes = [1], strides = [1]} : vector<16xf32> to vector<1xf32>
        %parallel_loop3A_495 = vector.extract %parallel_loop3A_494[0] : f32 from vector<1xf32>
        %parallel_loop3A_496 = vector.broadcast %parallel_loop3A_495 : f32 to vector<16xf32>
        %parallel_loop3A_497 = arith.mulf %parallel_loop3A_493, %parallel_loop3A_496 : vector<16xf32>
        %parallel_loop3A_498 = arith.constant 1 : i32
        %parallel_loop3A_499 = arith.index_cast %parallel_loop3A_498 : i32 to index
        %parallel_loop3A_500 = arith.index_cast %parallel_loop3A_425 : i32 to index
        %parallel_loop3A_501 = arith.constant 32 : index
        %parallel_loop3A_502 = tpu.vector_load %arg15[%parallel_loop3A_499, %parallel_loop3A_500, %parallel_loop3A_501] {strides = array<i32>} : memref<3x40x128xf32, #tpu.memory_space<vmem>>, vector<1x1x16xf32>,
        %parallel_loop3A_503 = vector.shape_cast %parallel_loop3A_502 : vector<1x1x16xf32> to vector<16xf32>
        %parallel_loop3A_504 = vector.shape_cast %parallel_loop3A_497 : vector<16xf32> to vector<1x1x16xf32>
        tpu.vector_store %arg15[%parallel_loop3A_499, %parallel_loop3A_500, %parallel_loop3A_501], %parallel_loop3A_504 {strides = array<i32>} : memref<3x40x128xf32, #tpu.memory_space<vmem>>, vector<1x1x16xf32>,
        %parallel_loop3A_505 = arith.constant 1 : i32
        %parallel_loop3A_506 = arith.index_cast %parallel_loop3A_505 : i32 to index
        %parallel_loop3A_507 = arith.index_cast %parallel_loop3A_425 : i32 to index
        %parallel_loop3A_508 = arith.constant 48 : index
        %parallel_loop3A_509 = tpu.vector_load %arg15[%parallel_loop3A_506, %parallel_loop3A_507, %parallel_loop3A_508] {strides = array<i32>} : memref<3x40x128xf32, #tpu.memory_space<vmem>>, vector<1x1x16xf32>,
        %parallel_loop3A_510 = vector.shape_cast %parallel_loop3A_509 : vector<1x1x16xf32> to vector<16xf32>
        %parallel_loop3A_511 = vector.extract_strided_slice %parallel_loop3A_446 {offsets = [3], sizes = [1], strides = [1]} : vector<16xf32> to vector<1xf32>
        %parallel_loop3A_512 = vector.extract %parallel_loop3A_511[0] : f32 from vector<1xf32>
        %parallel_loop3A_513 = vector.broadcast %parallel_loop3A_512 : f32 to vector<16xf32>
        %parallel_loop3A_514 = arith.mulf %parallel_loop3A_510, %parallel_loop3A_513 : vector<16xf32>
        %parallel_loop3A_515 = arith.constant 1 : i32
        %parallel_loop3A_516 = arith.index_cast %parallel_loop3A_515 : i32 to index
        %parallel_loop3A_517 = arith.index_cast %parallel_loop3A_425 : i32 to index
        %parallel_loop3A_518 = arith.constant 48 : index
        %parallel_loop3A_519 = tpu.vector_load %arg15[%parallel_loop3A_516, %parallel_loop3A_517, %parallel_loop3A_518] {strides = array<i32>} : memref<3x40x128xf32, #tpu.memory_space<vmem>>, vector<1x1x16xf32>,
        %parallel_loop3A_520 = vector.shape_cast %parallel_loop3A_519 : vector<1x1x16xf32> to vector<16xf32>
        %parallel_loop3A_521 = vector.shape_cast %parallel_loop3A_514 : vector<16xf32> to vector<1x1x16xf32>
        tpu.vector_store %arg15[%parallel_loop3A_516, %parallel_loop3A_517, %parallel_loop3A_518], %parallel_loop3A_521 {strides = array<i32>} : memref<3x40x128xf32, #tpu.memory_space<vmem>>, vector<1x1x16xf32>,
        %parallel_loop3A_522 = arith.constant 1 : i32
        %parallel_loop3A_523 = arith.index_cast %parallel_loop3A_522 : i32 to index
        %parallel_loop3A_524 = arith.index_cast %parallel_loop3A_425 : i32 to index
        %parallel_loop3A_525 = arith.constant 64 : index
        %parallel_loop3A_526 = tpu.vector_load %arg15[%parallel_loop3A_523, %parallel_loop3A_524, %parallel_loop3A_525] {strides = array<i32>} : memref<3x40x128xf32, #tpu.memory_space<vmem>>, vector<1x1x16xf32>,
        %parallel_loop3A_527 = vector.shape_cast %parallel_loop3A_526 : vector<1x1x16xf32> to vector<16xf32>
        %parallel_loop3A_528 = vector.extract_strided_slice %parallel_loop3A_446 {offsets = [4], sizes = [1], strides = [1]} : vector<16xf32> to vector<1xf32>
        %parallel_loop3A_529 = vector.extract %parallel_loop3A_528[0] : f32 from vector<1xf32>
        %parallel_loop3A_530 = vector.broadcast %parallel_loop3A_529 : f32 to vector<16xf32>
        %parallel_loop3A_531 = arith.mulf %parallel_loop3A_527, %parallel_loop3A_530 : vector<16xf32>
        %parallel_loop3A_532 = arith.constant 1 : i32
        %parallel_loop3A_533 = arith.index_cast %parallel_loop3A_532 : i32 to index
        %parallel_loop3A_534 = arith.index_cast %parallel_loop3A_425 : i32 to index
        %parallel_loop3A_535 = arith.constant 64 : index
        %parallel_loop3A_536 = tpu.vector_load %arg15[%parallel_loop3A_533, %parallel_loop3A_534, %parallel_loop3A_535] {strides = array<i32>} : memref<3x40x128xf32, #tpu.memory_space<vmem>>, vector<1x1x16xf32>,
        %parallel_loop3A_537 = vector.shape_cast %parallel_loop3A_536 : vector<1x1x16xf32> to vector<16xf32>
        %parallel_loop3A_538 = vector.shape_cast %parallel_loop3A_531 : vector<16xf32> to vector<1x1x16xf32>
        tpu.vector_store %arg15[%parallel_loop3A_533, %parallel_loop3A_534, %parallel_loop3A_535], %parallel_loop3A_538 {strides = array<i32>} : memref<3x40x128xf32, #tpu.memory_space<vmem>>, vector<1x1x16xf32>,
        %parallel_loop3A_539 = arith.constant 1 : i32
        %parallel_loop3A_540 = arith.index_cast %parallel_loop3A_539 : i32 to index
        %parallel_loop3A_541 = arith.index_cast %parallel_loop3A_425 : i32 to index
        %parallel_loop3A_542 = arith.constant 80 : index
        %parallel_loop3A_543 = tpu.vector_load %arg15[%parallel_loop3A_540, %parallel_loop3A_541, %parallel_loop3A_542] {strides = array<i32>} : memref<3x40x128xf32, #tpu.memory_space<vmem>>, vector<1x1x16xf32>,
        %parallel_loop3A_544 = vector.shape_cast %parallel_loop3A_543 : vector<1x1x16xf32> to vector<16xf32>
        %parallel_loop3A_545 = vector.extract_strided_slice %parallel_loop3A_446 {offsets = [5], sizes = [1], strides = [1]} : vector<16xf32> to vector<1xf32>
        %parallel_loop3A_546 = vector.extract %parallel_loop3A_545[0] : f32 from vector<1xf32>
        %parallel_loop3A_547 = vector.broadcast %parallel_loop3A_546 : f32 to vector<16xf32>
        %parallel_loop3A_548 = arith.mulf %parallel_loop3A_544, %parallel_loop3A_547 : vector<16xf32>
        %parallel_loop3A_549 = arith.constant 1 : i32
        %parallel_loop3A_550 = arith.index_cast %parallel_loop3A_549 : i32 to index
        %parallel_loop3A_551 = arith.index_cast %parallel_loop3A_425 : i32 to index
        %parallel_loop3A_552 = arith.constant 80 : index
        %parallel_loop3A_553 = tpu.vector_load %arg15[%parallel_loop3A_550, %parallel_loop3A_551, %parallel_loop3A_552] {strides = array<i32>} : memref<3x40x128xf32, #tpu.memory_space<vmem>>, vector<1x1x16xf32>,
        %parallel_loop3A_554 = vector.shape_cast %parallel_loop3A_553 : vector<1x1x16xf32> to vector<16xf32>
        %parallel_loop3A_555 = vector.shape_cast %parallel_loop3A_548 : vector<16xf32> to vector<1x1x16xf32>
        tpu.vector_store %arg15[%parallel_loop3A_550, %parallel_loop3A_551, %parallel_loop3A_552], %parallel_loop3A_555 {strides = array<i32>} : memref<3x40x128xf32, #tpu.memory_space<vmem>>, vector<1x1x16xf32>,
        %parallel_loop3A_556 = arith.constant 1 : i32
        %parallel_loop3A_557 = arith.index_cast %parallel_loop3A_556 : i32 to index
        %parallel_loop3A_558 = arith.index_cast %parallel_loop3A_425 : i32 to index
        %parallel_loop3A_559 = arith.constant 96 : index
        %parallel_loop3A_560 = tpu.vector_load %arg15[%parallel_loop3A_557, %parallel_loop3A_558, %parallel_loop3A_559] {strides = array<i32>} : memref<3x40x128xf32, #tpu.memory_space<vmem>>, vector<1x1x16xf32>,
        %parallel_loop3A_561 = vector.shape_cast %parallel_loop3A_560 : vector<1x1x16xf32> to vector<16xf32>
        %parallel_loop3A_562 = vector.extract_strided_slice %parallel_loop3A_446 {offsets = [6], sizes = [1], strides = [1]} : vector<16xf32> to vector<1xf32>
        %parallel_loop3A_563 = vector.extract %parallel_loop3A_562[0] : f32 from vector<1xf32>
        %parallel_loop3A_564 = vector.broadcast %parallel_loop3A_563 : f32 to vector<16xf32>
        %parallel_loop3A_565 = arith.mulf %parallel_loop3A_561, %parallel_loop3A_564 : vector<16xf32>
        %parallel_loop3A_566 = arith.constant 1 : i32
        %parallel_loop3A_567 = arith.index_cast %parallel_loop3A_566 : i32 to index
        %parallel_loop3A_568 = arith.index_cast %parallel_loop3A_425 : i32 to index
        %parallel_loop3A_569 = arith.constant 96 : index
        %parallel_loop3A_570 = tpu.vector_load %arg15[%parallel_loop3A_567, %parallel_loop3A_568, %parallel_loop3A_569] {strides = array<i32>} : memref<3x40x128xf32, #tpu.memory_space<vmem>>, vector<1x1x16xf32>,
        %parallel_loop3A_571 = vector.shape_cast %parallel_loop3A_570 : vector<1x1x16xf32> to vector<16xf32>
        %parallel_loop3A_572 = vector.shape_cast %parallel_loop3A_565 : vector<16xf32> to vector<1x1x16xf32>
        tpu.vector_store %arg15[%parallel_loop3A_567, %parallel_loop3A_568, %parallel_loop3A_569], %parallel_loop3A_572 {strides = array<i32>} : memref<3x40x128xf32, #tpu.memory_space<vmem>>, vector<1x1x16xf32>,
        %parallel_loop3A_573 = arith.constant 1 : i32
        %parallel_loop3A_574 = arith.index_cast %parallel_loop3A_573 : i32 to index
        %parallel_loop3A_575 = arith.index_cast %parallel_loop3A_425 : i32 to index
        %parallel_loop3A_576 = arith.constant 112 : index
        %parallel_loop3A_577 = tpu.vector_load %arg15[%parallel_loop3A_574, %parallel_loop3A_575, %parallel_loop3A_576] {strides = array<i32>} : memref<3x40x128xf32, #tpu.memory_space<vmem>>, vector<1x1x16xf32>,
        %parallel_loop3A_578 = vector.shape_cast %parallel_loop3A_577 : vector<1x1x16xf32> to vector<16xf32>
        %parallel_loop3A_579 = vector.extract_strided_slice %parallel_loop3A_446 {offsets = [7], sizes = [1], strides = [1]} : vector<16xf32> to vector<1xf32>
        %parallel_loop3A_580 = vector.extract %parallel_loop3A_579[0] : f32 from vector<1xf32>
        %parallel_loop3A_581 = vector.broadcast %parallel_loop3A_580 : f32 to vector<16xf32>
        %parallel_loop3A_582 = arith.mulf %parallel_loop3A_578, %parallel_loop3A_581 : vector<16xf32>
        %parallel_loop3A_583 = arith.constant 1 : i32
        %parallel_loop3A_584 = arith.index_cast %parallel_loop3A_583 : i32 to index
        %parallel_loop3A_585 = arith.index_cast %parallel_loop3A_425 : i32 to index
        %parallel_loop3A_586 = arith.constant 112 : index
        %parallel_loop3A_587 = tpu.vector_load %arg15[%parallel_loop3A_584, %parallel_loop3A_585, %parallel_loop3A_586] {strides = array<i32>} : memref<3x40x128xf32, #tpu.memory_space<vmem>>, vector<1x1x16xf32>,
        %parallel_loop3A_588 = vector.shape_cast %parallel_loop3A_587 : vector<1x1x16xf32> to vector<16xf32>
        %parallel_loop3A_589 = vector.shape_cast %parallel_loop3A_582 : vector<16xf32> to vector<1x1x16xf32>
        tpu.vector_store %arg15[%parallel_loop3A_584, %parallel_loop3A_585, %parallel_loop3A_586], %parallel_loop3A_589 {strides = array<i32>} : memref<3x40x128xf32, #tpu.memory_space<vmem>>, vector<1x1x16xf32>,
      } {sc.loop_unroll_factor = 4 : i64, sc.parallel_access}
      %dma_start3A_334 = arith.constant 1 : i32
      %dma_start3A_335 = arith.constant 0 : i32
      %dma_start3A_336 = arith.constant 0 : i32
      %dma_start3A_337 = tpu.memref_slice %arg15[%dma_start3A_334, %dma_start3A_335, %dma_start3A_336] : memref<3x40x128xf32, #tpu.memory_space<vmem>> -> memref<1x40x128xf32, #tpu.memory_space<vmem>>
      %dma_start3A_338 = tpu.memref_squeeze %dma_start3A_337 : memref<1x40x128xf32, #tpu.memory_space<vmem>> -> memref<40x128xf32, #tpu.memory_space<vmem>>
      %dma_start3A_339 = arith.constant 0 : i32
      %dma_start3A_340 = tpu.memref_slice %arg14[%add3A_288, %dma_start3A_339] : memref<250x40xi32, #tpu.memory_space<vmem>> -> memref<1x40xi32, #tpu.memory_space<vmem>>
      %dma_start3A_341 = tpu.memref_squeeze %dma_start3A_340 : memref<1x40xi32, #tpu.memory_space<vmem>> -> memref<40xi32, #tpu.memory_space<vmem>>
      %dma_start3A_342 = arith.constant 0 : i32
      %dma_start3A_343 = arith.constant 0 : i32
      %dma_start3A_344 = tpu.memref_slice %arg11[%dma_start3A_342, %dma_start3A_343] : memref<10000x128xf32, #tpu.memory_space<vmem_shared>> -> memref<10000x128xf32, #tpu.memory_space<vmem_shared>>
      tpu.enqueue_indirect_dma source(%dma_start3A_338 : memref<40x128xf32, #tpu.memory_space<vmem>>) target(%dma_start3A_344 : memref<10000x128xf32, #tpu.memory_space<vmem_shared>>) offsets(%dma_start3A_341 : memref<40xi32, #tpu.memory_space<vmem>>) semaphore(%arg22 : memref<!tpu.dma_semaphore, #tpu.memory_space<semaphore_mem>>) {add = true}
      %dma_start3A_345 = arith.constant 1 : i32
      %dma_start3A_346 = arith.constant 0 : i32
      %dma_start3A_347 = arith.constant 0 : i32
      %dma_start3A_348 = tpu.memref_slice %arg16[%dma_start3A_345, %dma_start3A_346, %dma_start3A_347] : memref<3x40x16xf32, #tpu.memory_space<vmem>> -> memref<1x40x16xf32, #tpu.memory_space<vmem>>
      %dma_start3A_349 = tpu.memref_squeeze %dma_start3A_348 : memref<1x40x16xf32, #tpu.memory_space<vmem>> -> memref<40x16xf32, #tpu.memory_space<vmem>>
      %dma_start3A_350 = arith.constant 0 : i32
      %dma_start3A_351 = tpu.memref_slice %arg14[%add3A_288, %dma_start3A_350] : memref<250x40xi32, #tpu.memory_space<vmem>> -> memref<1x40xi32, #tpu.memory_space<vmem>>
      %dma_start3A_352 = tpu.memref_squeeze %dma_start3A_351 : memref<1x40xi32, #tpu.memory_space<vmem>> -> memref<40xi32, #tpu.memory_space<vmem>>
      %dma_start3A_353 = arith.constant 0 : i32
      %dma_start3A_354 = arith.constant 0 : i32
      %dma_start3A_355 = tpu.memref_slice %arg12[%dma_start3A_353, %dma_start3A_354] : memref<10000x16xf32, #tpu.memory_space<vmem_shared>> -> memref<10000x16xf32, #tpu.memory_space<vmem_shared>>
      tpu.enqueue_indirect_dma source(%dma_start3A_349 : memref<40x16xf32, #tpu.memory_space<vmem>>) target(%dma_start3A_355 : memref<10000x16xf32, #tpu.memory_space<vmem_shared>>) offsets(%dma_start3A_352 : memref<40xi32, #tpu.memory_space<vmem>>) semaphore(%arg22 : memref<!tpu.dma_semaphore, #tpu.memory_space<semaphore_mem>>) {add = true}
      %add3A_356 = arith.constant 2 : i32
      %add3A_357 = arith.addi %mul3A_221, %add3A_356 : i32
      %add3A_358 = arith.constant 3 : i32
      %add3A_359 = arith.addi %add3A_357, %add3A_358 : i32
      %sub3A_360 = arith.constant 1 : i32
      %sub3A_361 = arith.subi %add3A_359, %sub3A_360 : i32
      %lt3A_362 = arith.constant 250 : i32
      %lt3A_363 = arith.cmpi slt, %sub3A_361, %lt3A_362 : i32
      %convert_element_type3A_364 = arith.extui %lt3A_363 : i1 to i32
      %cond3A_365 = arith.constant 0 : i32
      %cond3A_366 = arith.cmpi ne, %convert_element_type3A_364, %cond3A_365 : i32
      scf.if %cond3A_366 {
        %ge3A = arith.constant 3 : i32
        %ge3A_425 = arith.cmpi sge, %sub3A_361, %ge3A : i32
        %convert_element_type3A_426 = arith.extui %ge3A_425 : i1 to i32
        %cond3A_427 = arith.constant 0 : i32
        %cond3A_428 = arith.cmpi ne, %convert_element_type3A_426, %cond3A_427 : i32
        scf.if %cond3A_428 {
          %sub3A_462 = arith.constant 3 : i32
          %sub3A_463 = arith.subi %sub3A_361, %sub3A_462 : i32
          %dma_wait3A_464 = arith.constant 1 : i32
          %dma_wait3A_465 = arith.constant 0 : i32
          %dma_wait3A_466 = arith.constant 0 : i32
          %dma_wait3A_467 = tpu.memref_slice %arg15[%dma_wait3A_464, %dma_wait3A_465, %dma_wait3A_466] : memref<3x40x128xf32, #tpu.memory_space<vmem>> -> memref<1x40x128xf32, #tpu.memory_space<vmem>>
          %dma_wait3A_468 = tpu.memref_squeeze %dma_wait3A_467 : memref<1x40x128xf32, #tpu.memory_space<vmem>> -> memref<40x128xf32, #tpu.memory_space<vmem>>
          %dma_wait3A_469 = arith.constant 0 : i32
          %dma_wait3A_470 = tpu.memref_slice %arg14[%sub3A_463, %dma_wait3A_469] : memref<250x40xi32, #tpu.memory_space<vmem>> -> memref<1x40xi32, #tpu.memory_space<vmem>>
          %dma_wait3A_471 = tpu.memref_squeeze %dma_wait3A_470 : memref<1x40xi32, #tpu.memory_space<vmem>> -> memref<40xi32, #tpu.memory_space<vmem>>
          %dma_wait3A_472 = arith.constant 0 : i32
          %dma_wait3A_473 = arith.constant 0 : i32
          %dma_wait3A_474 = tpu.memref_slice %arg11[%dma_wait3A_472, %dma_wait3A_473] : memref<10000x128xf32, #tpu.memory_space<vmem_shared>> -> memref<10000x128xf32, #tpu.memory_space<vmem_shared>>
          tpu.wait_indirect_dma semaphore(%arg22 : memref<!tpu.dma_semaphore, #tpu.memory_space<semaphore_mem>>) src(%dma_wait3A_468 : memref<40x128xf32, #tpu.memory_space<vmem>>) dst(%dma_wait3A_474 : memref<10000x128xf32, #tpu.memory_space<vmem_shared>>)
          %dma_wait3A_475 = arith.constant 1 : i32
          %dma_wait3A_476 = arith.constant 0 : i32
          %dma_wait3A_477 = arith.constant 0 : i32
          %dma_wait3A_478 = tpu.memref_slice %arg16[%dma_wait3A_475, %dma_wait3A_476, %dma_wait3A_477] : memref<3x40x16xf32, #tpu.memory_space<vmem>> -> memref<1x40x16xf32, #tpu.memory_space<vmem>>
          %dma_wait3A_479 = tpu.memref_squeeze %dma_wait3A_478 : memref<1x40x16xf32, #tpu.memory_space<vmem>> -> memref<40x16xf32, #tpu.memory_space<vmem>>
          %dma_wait3A_480 = arith.constant 0 : i32
          %dma_wait3A_481 = tpu.memref_slice %arg14[%sub3A_463, %dma_wait3A_480] : memref<250x40xi32, #tpu.memory_space<vmem>> -> memref<1x40xi32, #tpu.memory_space<vmem>>
          %dma_wait3A_482 = tpu.memref_squeeze %dma_wait3A_481 : memref<1x40xi32, #tpu.memory_space<vmem>> -> memref<40xi32, #tpu.memory_space<vmem>>
          %dma_wait3A_483 = arith.constant 0 : i32
          %dma_wait3A_484 = arith.constant 0 : i32
          %dma_wait3A_485 = tpu.memref_slice %arg12[%dma_wait3A_483, %dma_wait3A_484] : memref<10000x16xf32, #tpu.memory_space<vmem_shared>> -> memref<10000x16xf32, #tpu.memory_space<vmem_shared>>
          tpu.wait_indirect_dma semaphore(%arg22 : memref<!tpu.dma_semaphore, #tpu.memory_space<semaphore_mem>>) src(%dma_wait3A_479 : memref<40x16xf32, #tpu.memory_space<vmem>>) dst(%dma_wait3A_485 : memref<10000x16xf32, #tpu.memory_space<vmem_shared>>)
        } else {
        }
        %dma_start3A_429 = arith.constant 1 : i32
        %dma_start3A_430 = arith.constant 0 : i32
        %dma_start3A_431 = arith.constant 0 : i32
        %dma_start3A_432 = tpu.memref_slice %arg15[%dma_start3A_429, %dma_start3A_430, %dma_start3A_431] : memref<3x40x128xf32, #tpu.memory_space<vmem>> -> memref<1x40x128xf32, #tpu.memory_space<vmem>>
        %dma_start3A_433 = tpu.memref_squeeze %dma_start3A_432 : memref<1x40x128xf32, #tpu.memory_space<vmem>> -> memref<40x128xf32, #tpu.memory_space<vmem>>
        %dma_start3A_434 = arith.constant 0 : i32
        %dma_start3A_435 = tpu.memref_slice %arg13[%sub3A_361, %dma_start3A_434] : memref<250x40xi32, #tpu.memory_space<vmem>> -> memref<1x40xi32, #tpu.memory_space<vmem>>
        %dma_start3A_436 = tpu.memref_squeeze %dma_start3A_435 : memref<1x40xi32, #tpu.memory_space<vmem>> -> memref<40xi32, #tpu.memory_space<vmem>>
        %dma_start3A_437 = arith.constant 0 : i32
        %dma_start3A_438 = arith.constant 0 : i32
        %dma_start3A_439 = tpu.memref_slice %arg2[%dma_start3A_437, %dma_start3A_438] : memref<10000x128xf32, #tpu.memory_space<hbm>> -> memref<10000x128xf32, #tpu.memory_space<hbm>>
        tpu.enqueue_indirect_dma source(%dma_start3A_439 : memref<10000x128xf32, #tpu.memory_space<hbm>>) target(%dma_start3A_433 : memref<40x128xf32, #tpu.memory_space<vmem>>) offsets(%dma_start3A_436 : memref<40xi32, #tpu.memory_space<vmem>>) semaphore(%arg19 : memref<!tpu.dma_semaphore, #tpu.memory_space<semaphore_mem>>)
        %dma_start3A_440 = arith.constant 1 : i32
        %dma_start3A_441 = arith.constant 0 : i32
        %dma_start3A_442 = arith.constant 0 : i32
        %dma_start3A_443 = tpu.memref_slice %arg16[%dma_start3A_440, %dma_start3A_441, %dma_start3A_442] : memref<3x40x16xf32, #tpu.memory_space<vmem>> -> memref<1x40x16xf32, #tpu.memory_space<vmem>>
        %dma_start3A_444 = tpu.memref_squeeze %dma_start3A_443 : memref<1x40x16xf32, #tpu.memory_space<vmem>> -> memref<40x16xf32, #tpu.memory_space<vmem>>
        %dma_start3A_445 = arith.constant 0 : i32
        %dma_start3A_446 = tpu.memref_slice %arg13[%sub3A_361, %dma_start3A_445] : memref<250x40xi32, #tpu.memory_space<vmem>> -> memref<1x40xi32, #tpu.memory_space<vmem>>
        %dma_start3A_447 = tpu.memref_squeeze %dma_start3A_446 : memref<1x40xi32, #tpu.memory_space<vmem>> -> memref<40xi32, #tpu.memory_space<vmem>>
        %dma_start3A_448 = arith.constant 0 : i32
        %dma_start3A_449 = arith.constant 0 : i32
        %dma_start3A_450 = tpu.memref_slice %arg3[%dma_start3A_448, %dma_start3A_449] : memref<10000x16xf32, #tpu.memory_space<hbm>> -> memref<10000x16xf32, #tpu.memory_space<hbm>>
        tpu.enqueue_indirect_dma source(%dma_start3A_450 : memref<10000x16xf32, #tpu.memory_space<hbm>>) target(%dma_start3A_444 : memref<40x16xf32, #tpu.memory_space<vmem>>) offsets(%dma_start3A_447 : memref<40xi32, #tpu.memory_space<vmem>>) semaphore(%arg19 : memref<!tpu.dma_semaphore, #tpu.memory_space<semaphore_mem>>)
        %dma_start3A_451 = arith.constant 1 : i32
        %dma_start3A_452 = arith.constant 0 : i32
        %dma_start3A_453 = arith.constant 0 : i32
        %dma_start3A_454 = tpu.memref_slice %arg17[%dma_start3A_451, %dma_start3A_452, %dma_start3A_453] : memref<3x40x16xf32, #tpu.memory_space<vmem>> -> memref<1x40x16xf32, #tpu.memory_space<vmem>>
        %dma_start3A_455 = tpu.memref_squeeze %dma_start3A_454 : memref<1x40x16xf32, #tpu.memory_space<vmem>> -> memref<40x16xf32, #tpu.memory_space<vmem>>
        %dma_start3A_456 = arith.constant 0 : i32
        %dma_start3A_457 = tpu.memref_slice %arg14[%sub3A_361, %dma_start3A_456] : memref<250x40xi32, #tpu.memory_space<vmem>> -> memref<1x40xi32, #tpu.memory_space<vmem>>
        %dma_start3A_458 = tpu.memref_squeeze %dma_start3A_457 : memref<1x40xi32, #tpu.memory_space<vmem>> -> memref<40xi32, #tpu.memory_space<vmem>>
        %dma_start3A_459 = arith.constant 0 : i32
        %dma_start3A_460 = arith.constant 0 : i32
        %dma_start3A_461 = tpu.memref_slice %arg4[%dma_start3A_459, %dma_start3A_460] : memref<10000x16xf32, #tpu.memory_space<hbm>> -> memref<10000x16xf32, #tpu.memory_space<hbm>>
        tpu.enqueue_indirect_dma source(%dma_start3A_461 : memref<10000x16xf32, #tpu.memory_space<hbm>>) target(%dma_start3A_455 : memref<40x16xf32, #tpu.memory_space<vmem>>) offsets(%dma_start3A_458 : memref<40xi32, #tpu.memory_space<vmem>>) semaphore(%arg19 : memref<!tpu.dma_semaphore, #tpu.memory_space<semaphore_mem>>)
      } else {
      }
      %dma_wait3A_367 = arith.constant 2 : i32
      %dma_wait3A_368 = arith.constant 0 : i32
      %dma_wait3A_369 = arith.constant 0 : i32
      %dma_wait3A_370 = tpu.memref_slice %arg15[%dma_wait3A_367, %dma_wait3A_368, %dma_wait3A_369] : memref<3x40x128xf32, #tpu.memory_space<vmem>> -> memref<1x40x128xf32, #tpu.memory_space<vmem>>
      %dma_wait3A_371 = tpu.memref_squeeze %dma_wait3A_370 : memref<1x40x128xf32, #tpu.memory_space<vmem>> -> memref<40x128xf32, #tpu.memory_space<vmem>>
      %dma_wait3A_372 = arith.constant 0 : i32
      %dma_wait3A_373 = tpu.memref_slice %arg13[%add3A_357, %dma_wait3A_372] : memref<250x40xi32, #tpu.memory_space<vmem>> -> memref<1x40xi32, #tpu.memory_space<vmem>>
      %dma_wait3A_374 = tpu.memref_squeeze %dma_wait3A_373 : memref<1x40xi32, #tpu.memory_space<vmem>> -> memref<40xi32, #tpu.memory_space<vmem>>
      %dma_wait3A_375 = arith.constant 0 : i32
      %dma_wait3A_376 = arith.constant 0 : i32
      %dma_wait3A_377 = tpu.memref_slice %arg2[%dma_wait3A_375, %dma_wait3A_376] : memref<10000x128xf32, #tpu.memory_space<hbm>> -> memref<10000x128xf32, #tpu.memory_space<hbm>>
      tpu.wait_indirect_dma semaphore(%arg20 : memref<!tpu.dma_semaphore, #tpu.memory_space<semaphore_mem>>) src(%dma_wait3A_377 : memref<10000x128xf32, #tpu.memory_space<hbm>>) dst(%dma_wait3A_371 : memref<40x128xf32, #tpu.memory_space<vmem>>)
      %dma_wait3A_378 = arith.constant 2 : i32
      %dma_wait3A_379 = arith.constant 0 : i32
      %dma_wait3A_380 = arith.constant 0 : i32
      %dma_wait3A_381 = tpu.memref_slice %arg16[%dma_wait3A_378, %dma_wait3A_379, %dma_wait3A_380] : memref<3x40x16xf32, #tpu.memory_space<vmem>> -> memref<1x40x16xf32, #tpu.memory_space<vmem>>
      %dma_wait3A_382 = tpu.memref_squeeze %dma_wait3A_381 : memref<1x40x16xf32, #tpu.memory_space<vmem>> -> memref<40x16xf32, #tpu.memory_space<vmem>>
      %dma_wait3A_383 = arith.constant 0 : i32
      %dma_wait3A_384 = tpu.memref_slice %arg13[%add3A_357, %dma_wait3A_383] : memref<250x40xi32, #tpu.memory_space<vmem>> -> memref<1x40xi32, #tpu.memory_space<vmem>>
      %dma_wait3A_385 = tpu.memref_squeeze %dma_wait3A_384 : memref<1x40xi32, #tpu.memory_space<vmem>> -> memref<40xi32, #tpu.memory_space<vmem>>
      %dma_wait3A_386 = arith.constant 0 : i32
      %dma_wait3A_387 = arith.constant 0 : i32
      %dma_wait3A_388 = tpu.memref_slice %arg3[%dma_wait3A_386, %dma_wait3A_387] : memref<10000x16xf32, #tpu.memory_space<hbm>> -> memref<10000x16xf32, #tpu.memory_space<hbm>>
      tpu.wait_indirect_dma semaphore(%arg20 : memref<!tpu.dma_semaphore, #tpu.memory_space<semaphore_mem>>) src(%dma_wait3A_388 : memref<10000x16xf32, #tpu.memory_space<hbm>>) dst(%dma_wait3A_382 : memref<40x16xf32, #tpu.memory_space<vmem>>)
      %dma_wait3A_389 = arith.constant 2 : i32
      %dma_wait3A_390 = arith.constant 0 : i32
      %dma_wait3A_391 = arith.constant 0 : i32
      %dma_wait3A_392 = tpu.memref_slice %arg17[%dma_wait3A_389, %dma_wait3A_390, %dma_wait3A_391] : memref<3x40x16xf32, #tpu.memory_space<vmem>> -> memref<1x40x16xf32, #tpu.memory_space<vmem>>
      %dma_wait3A_393 = tpu.memref_squeeze %dma_wait3A_392 : memref<1x40x16xf32, #tpu.memory_space<vmem>> -> memref<40x16xf32, #tpu.memory_space<vmem>>
      %dma_wait3A_394 = arith.constant 0 : i32
      %dma_wait3A_395 = tpu.memref_slice %arg14[%add3A_357, %dma_wait3A_394] : memref<250x40xi32, #tpu.memory_space<vmem>> -> memref<1x40xi32, #tpu.memory_space<vmem>>
      %dma_wait3A_396 = tpu.memref_squeeze %dma_wait3A_395 : memref<1x40xi32, #tpu.memory_space<vmem>> -> memref<40xi32, #tpu.memory_space<vmem>>
      %dma_wait3A_397 = arith.constant 0 : i32
      %dma_wait3A_398 = arith.constant 0 : i32
      %dma_wait3A_399 = tpu.memref_slice %arg4[%dma_wait3A_397, %dma_wait3A_398] : memref<10000x16xf32, #tpu.memory_space<hbm>> -> memref<10000x16xf32, #tpu.memory_space<hbm>>
      tpu.wait_indirect_dma semaphore(%arg20 : memref<!tpu.dma_semaphore, #tpu.memory_space<semaphore_mem>>) src(%dma_wait3A_399 : memref<10000x16xf32, #tpu.memory_space<hbm>>) dst(%dma_wait3A_393 : memref<40x16xf32, #tpu.memory_space<vmem>>)
      %parallel_loop3A_400 = arith.constant 0 : i32
      %parallel_loop3A_401 = arith.constant 40 : i32
      %parallel_loop3A_402 = arith.constant 1 : i32
      scf.for %parallel_loop3A_425 = %parallel_loop3A_400 to %parallel_loop3A_401 step %parallel_loop3A_402  : i32 {
        %parallel_loop3A_426 = arith.constant 2 : i32
        %parallel_loop3A_427 = arith.index_cast %parallel_loop3A_426 : i32 to index
        %parallel_loop3A_428 = arith.index_cast %parallel_loop3A_425 : i32 to index
        %parallel_loop3A_429 = arith.constant 0 : index
        %parallel_loop3A_430 = tpu.vector_load %arg16[%parallel_loop3A_427, %parallel_loop3A_428, %parallel_loop3A_429] {strides = array<i32>} : memref<3x40x16xf32, #tpu.memory_space<vmem>>, vector<1x1x16xf32>,
        %parallel_loop3A_431 = vector.shape_cast %parallel_loop3A_430 : vector<1x1x16xf32> to vector<16xf32>
        %parallel_loop3A_432 = arith.constant 2 : i32
        %parallel_loop3A_433 = arith.index_cast %parallel_loop3A_432 : i32 to index
        %parallel_loop3A_434 = arith.index_cast %parallel_loop3A_425 : i32 to index
        %parallel_loop3A_435 = arith.constant 0 : index
        %parallel_loop3A_436 = tpu.vector_load %arg17[%parallel_loop3A_433, %parallel_loop3A_434, %parallel_loop3A_435] {strides = array<i32>} : memref<3x40x16xf32, #tpu.memory_space<vmem>>, vector<1x1x16xf32>,
        %parallel_loop3A_437 = vector.shape_cast %parallel_loop3A_436 : vector<1x1x16xf32> to vector<16xf32>
        %parallel_loop3A_438 = arith.addf %parallel_loop3A_431, %parallel_loop3A_437 : vector<16xf32>
        %parallel_loop3A_439 = arith.constant 0.000000e+00 : f32
        %parallel_loop3A_440 = vector.broadcast %parallel_loop3A_439 : f32 to vector<16xf32>
        %parallel_loop3A_441 = arith.cmpf oge, %parallel_loop3A_438, %parallel_loop3A_440 : vector<16xf32>
        %parallel_loop3A_442 = arith.constant 2.000000e-01 : f32
        %parallel_loop3A_443 = vector.broadcast %parallel_loop3A_442 : f32 to vector<16xf32>
        %parallel_loop3A_444 = arith.mulf %parallel_loop3A_443, %parallel_loop3A_438 : vector<16xf32>
        %parallel_loop3A_445 = arith.select %parallel_loop3A_441, %parallel_loop3A_438, %parallel_loop3A_444 : vector<16xi1>, vector<16xf32>
        %parallel_loop3A_446 = math.exp %parallel_loop3A_445 : vector<16xf32>
        %parallel_loop3A_447 = arith.constant 2 : i32
        %parallel_loop3A_448 = arith.index_cast %parallel_loop3A_447 : i32 to index
        %parallel_loop3A_449 = arith.index_cast %parallel_loop3A_425 : i32 to index
        %parallel_loop3A_450 = arith.constant 0 : index
        %parallel_loop3A_451 = tpu.vector_load %arg16[%parallel_loop3A_448, %parallel_loop3A_449, %parallel_loop3A_450] {strides = array<i32>} : memref<3x40x16xf32, #tpu.memory_space<vmem>>, vector<1x1x16xf32>,
        %parallel_loop3A_452 = vector.shape_cast %parallel_loop3A_451 : vector<1x1x16xf32> to vector<16xf32>
        %parallel_loop3A_453 = vector.shape_cast %parallel_loop3A_446 : vector<16xf32> to vector<1x1x16xf32>
        tpu.vector_store %arg16[%parallel_loop3A_448, %parallel_loop3A_449, %parallel_loop3A_450], %parallel_loop3A_453 {strides = array<i32>} : memref<3x40x16xf32, #tpu.memory_space<vmem>>, vector<1x1x16xf32>,
        %parallel_loop3A_454 = arith.constant 2 : i32
        %parallel_loop3A_455 = arith.index_cast %parallel_loop3A_454 : i32 to index
        %parallel_loop3A_456 = arith.index_cast %parallel_loop3A_425 : i32 to index
        %parallel_loop3A_457 = arith.constant 0 : index
        %parallel_loop3A_458 = tpu.vector_load %arg15[%parallel_loop3A_455, %parallel_loop3A_456, %parallel_loop3A_457] {strides = array<i32>} : memref<3x40x128xf32, #tpu.memory_space<vmem>>, vector<1x1x16xf32>,
        %parallel_loop3A_459 = vector.shape_cast %parallel_loop3A_458 : vector<1x1x16xf32> to vector<16xf32>
        %parallel_loop3A_460 = vector.extract_strided_slice %parallel_loop3A_446 {offsets = [0], sizes = [1], strides = [1]} : vector<16xf32> to vector<1xf32>
        %parallel_loop3A_461 = vector.extract %parallel_loop3A_460[0] : f32 from vector<1xf32>
        %parallel_loop3A_462 = vector.broadcast %parallel_loop3A_461 : f32 to vector<16xf32>
        %parallel_loop3A_463 = arith.mulf %parallel_loop3A_459, %parallel_loop3A_462 : vector<16xf32>
        %parallel_loop3A_464 = arith.constant 2 : i32
        %parallel_loop3A_465 = arith.index_cast %parallel_loop3A_464 : i32 to index
        %parallel_loop3A_466 = arith.index_cast %parallel_loop3A_425 : i32 to index
        %parallel_loop3A_467 = arith.constant 0 : index
        %parallel_loop3A_468 = tpu.vector_load %arg15[%parallel_loop3A_465, %parallel_loop3A_466, %parallel_loop3A_467] {strides = array<i32>} : memref<3x40x128xf32, #tpu.memory_space<vmem>>, vector<1x1x16xf32>,
        %parallel_loop3A_469 = vector.shape_cast %parallel_loop3A_468 : vector<1x1x16xf32> to vector<16xf32>
        %parallel_loop3A_470 = vector.shape_cast %parallel_loop3A_463 : vector<16xf32> to vector<1x1x16xf32>
        tpu.vector_store %arg15[%parallel_loop3A_465, %parallel_loop3A_466, %parallel_loop3A_467], %parallel_loop3A_470 {strides = array<i32>} : memref<3x40x128xf32, #tpu.memory_space<vmem>>, vector<1x1x16xf32>,
        %parallel_loop3A_471 = arith.constant 2 : i32
        %parallel_loop3A_472 = arith.index_cast %parallel_loop3A_471 : i32 to index
        %parallel_loop3A_473 = arith.index_cast %parallel_loop3A_425 : i32 to index
        %parallel_loop3A_474 = arith.constant 16 : index
        %parallel_loop3A_475 = tpu.vector_load %arg15[%parallel_loop3A_472, %parallel_loop3A_473, %parallel_loop3A_474] {strides = array<i32>} : memref<3x40x128xf32, #tpu.memory_space<vmem>>, vector<1x1x16xf32>,
        %parallel_loop3A_476 = vector.shape_cast %parallel_loop3A_475 : vector<1x1x16xf32> to vector<16xf32>
        %parallel_loop3A_477 = vector.extract_strided_slice %parallel_loop3A_446 {offsets = [1], sizes = [1], strides = [1]} : vector<16xf32> to vector<1xf32>
        %parallel_loop3A_478 = vector.extract %parallel_loop3A_477[0] : f32 from vector<1xf32>
        %parallel_loop3A_479 = vector.broadcast %parallel_loop3A_478 : f32 to vector<16xf32>
        %parallel_loop3A_480 = arith.mulf %parallel_loop3A_476, %parallel_loop3A_479 : vector<16xf32>
        %parallel_loop3A_481 = arith.constant 2 : i32
        %parallel_loop3A_482 = arith.index_cast %parallel_loop3A_481 : i32 to index
        %parallel_loop3A_483 = arith.index_cast %parallel_loop3A_425 : i32 to index
        %parallel_loop3A_484 = arith.constant 16 : index
        %parallel_loop3A_485 = tpu.vector_load %arg15[%parallel_loop3A_482, %parallel_loop3A_483, %parallel_loop3A_484] {strides = array<i32>} : memref<3x40x128xf32, #tpu.memory_space<vmem>>, vector<1x1x16xf32>,
        %parallel_loop3A_486 = vector.shape_cast %parallel_loop3A_485 : vector<1x1x16xf32> to vector<16xf32>
        %parallel_loop3A_487 = vector.shape_cast %parallel_loop3A_480 : vector<16xf32> to vector<1x1x16xf32>
        tpu.vector_store %arg15[%parallel_loop3A_482, %parallel_loop3A_483, %parallel_loop3A_484], %parallel_loop3A_487 {strides = array<i32>} : memref<3x40x128xf32, #tpu.memory_space<vmem>>, vector<1x1x16xf32>,
        %parallel_loop3A_488 = arith.constant 2 : i32
        %parallel_loop3A_489 = arith.index_cast %parallel_loop3A_488 : i32 to index
        %parallel_loop3A_490 = arith.index_cast %parallel_loop3A_425 : i32 to index
        %parallel_loop3A_491 = arith.constant 32 : index
        %parallel_loop3A_492 = tpu.vector_load %arg15[%parallel_loop3A_489, %parallel_loop3A_490, %parallel_loop3A_491] {strides = array<i32>} : memref<3x40x128xf32, #tpu.memory_space<vmem>>, vector<1x1x16xf32>,
        %parallel_loop3A_493 = vector.shape_cast %parallel_loop3A_492 : vector<1x1x16xf32> to vector<16xf32>
        %parallel_loop3A_494 = vector.extract_strided_slice %parallel_loop3A_446 {offsets = [2], sizes = [1], strides = [1]} : vector<16xf32> to vector<1xf32>
        %parallel_loop3A_495 = vector.extract %parallel_loop3A_494[0] : f32 from vector<1xf32>
        %parallel_loop3A_496 = vector.broadcast %parallel_loop3A_495 : f32 to vector<16xf32>
        %parallel_loop3A_497 = arith.mulf %parallel_loop3A_493, %parallel_loop3A_496 : vector<16xf32>
        %parallel_loop3A_498 = arith.constant 2 : i32
        %parallel_loop3A_499 = arith.index_cast %parallel_loop3A_498 : i32 to index
        %parallel_loop3A_500 = arith.index_cast %parallel_loop3A_425 : i32 to index
        %parallel_loop3A_501 = arith.constant 32 : index
        %parallel_loop3A_502 = tpu.vector_load %arg15[%parallel_loop3A_499, %parallel_loop3A_500, %parallel_loop3A_501] {strides = array<i32>} : memref<3x40x128xf32, #tpu.memory_space<vmem>>, vector<1x1x16xf32>,
        %parallel_loop3A_503 = vector.shape_cast %parallel_loop3A_502 : vector<1x1x16xf32> to vector<16xf32>
        %parallel_loop3A_504 = vector.shape_cast %parallel_loop3A_497 : vector<16xf32> to vector<1x1x16xf32>
        tpu.vector_store %arg15[%parallel_loop3A_499, %parallel_loop3A_500, %parallel_loop3A_501], %parallel_loop3A_504 {strides = array<i32>} : memref<3x40x128xf32, #tpu.memory_space<vmem>>, vector<1x1x16xf32>,
        %parallel_loop3A_505 = arith.constant 2 : i32
        %parallel_loop3A_506 = arith.index_cast %parallel_loop3A_505 : i32 to index
        %parallel_loop3A_507 = arith.index_cast %parallel_loop3A_425 : i32 to index
        %parallel_loop3A_508 = arith.constant 48 : index
        %parallel_loop3A_509 = tpu.vector_load %arg15[%parallel_loop3A_506, %parallel_loop3A_507, %parallel_loop3A_508] {strides = array<i32>} : memref<3x40x128xf32, #tpu.memory_space<vmem>>, vector<1x1x16xf32>,
        %parallel_loop3A_510 = vector.shape_cast %parallel_loop3A_509 : vector<1x1x16xf32> to vector<16xf32>
        %parallel_loop3A_511 = vector.extract_strided_slice %parallel_loop3A_446 {offsets = [3], sizes = [1], strides = [1]} : vector<16xf32> to vector<1xf32>
        %parallel_loop3A_512 = vector.extract %parallel_loop3A_511[0] : f32 from vector<1xf32>
        %parallel_loop3A_513 = vector.broadcast %parallel_loop3A_512 : f32 to vector<16xf32>
        %parallel_loop3A_514 = arith.mulf %parallel_loop3A_510, %parallel_loop3A_513 : vector<16xf32>
        %parallel_loop3A_515 = arith.constant 2 : i32
        %parallel_loop3A_516 = arith.index_cast %parallel_loop3A_515 : i32 to index
        %parallel_loop3A_517 = arith.index_cast %parallel_loop3A_425 : i32 to index
        %parallel_loop3A_518 = arith.constant 48 : index
        %parallel_loop3A_519 = tpu.vector_load %arg15[%parallel_loop3A_516, %parallel_loop3A_517, %parallel_loop3A_518] {strides = array<i32>} : memref<3x40x128xf32, #tpu.memory_space<vmem>>, vector<1x1x16xf32>,
        %parallel_loop3A_520 = vector.shape_cast %parallel_loop3A_519 : vector<1x1x16xf32> to vector<16xf32>
        %parallel_loop3A_521 = vector.shape_cast %parallel_loop3A_514 : vector<16xf32> to vector<1x1x16xf32>
        tpu.vector_store %arg15[%parallel_loop3A_516, %parallel_loop3A_517, %parallel_loop3A_518], %parallel_loop3A_521 {strides = array<i32>} : memref<3x40x128xf32, #tpu.memory_space<vmem>>, vector<1x1x16xf32>,
        %parallel_loop3A_522 = arith.constant 2 : i32
        %parallel_loop3A_523 = arith.index_cast %parallel_loop3A_522 : i32 to index
        %parallel_loop3A_524 = arith.index_cast %parallel_loop3A_425 : i32 to index
        %parallel_loop3A_525 = arith.constant 64 : index
        %parallel_loop3A_526 = tpu.vector_load %arg15[%parallel_loop3A_523, %parallel_loop3A_524, %parallel_loop3A_525] {strides = array<i32>} : memref<3x40x128xf32, #tpu.memory_space<vmem>>, vector<1x1x16xf32>,
        %parallel_loop3A_527 = vector.shape_cast %parallel_loop3A_526 : vector<1x1x16xf32> to vector<16xf32>
        %parallel_loop3A_528 = vector.extract_strided_slice %parallel_loop3A_446 {offsets = [4], sizes = [1], strides = [1]} : vector<16xf32> to vector<1xf32>
        %parallel_loop3A_529 = vector.extract %parallel_loop3A_528[0] : f32 from vector<1xf32>
        %parallel_loop3A_530 = vector.broadcast %parallel_loop3A_529 : f32 to vector<16xf32>
        %parallel_loop3A_531 = arith.mulf %parallel_loop3A_527, %parallel_loop3A_530 : vector<16xf32>
        %parallel_loop3A_532 = arith.constant 2 : i32
        %parallel_loop3A_533 = arith.index_cast %parallel_loop3A_532 : i32 to index
        %parallel_loop3A_534 = arith.index_cast %parallel_loop3A_425 : i32 to index
        %parallel_loop3A_535 = arith.constant 64 : index
        %parallel_loop3A_536 = tpu.vector_load %arg15[%parallel_loop3A_533, %parallel_loop3A_534, %parallel_loop3A_535] {strides = array<i32>} : memref<3x40x128xf32, #tpu.memory_space<vmem>>, vector<1x1x16xf32>,
        %parallel_loop3A_537 = vector.shape_cast %parallel_loop3A_536 : vector<1x1x16xf32> to vector<16xf32>
        %parallel_loop3A_538 = vector.shape_cast %parallel_loop3A_531 : vector<16xf32> to vector<1x1x16xf32>
        tpu.vector_store %arg15[%parallel_loop3A_533, %parallel_loop3A_534, %parallel_loop3A_535], %parallel_loop3A_538 {strides = array<i32>} : memref<3x40x128xf32, #tpu.memory_space<vmem>>, vector<1x1x16xf32>,
        %parallel_loop3A_539 = arith.constant 2 : i32
        %parallel_loop3A_540 = arith.index_cast %parallel_loop3A_539 : i32 to index
        %parallel_loop3A_541 = arith.index_cast %parallel_loop3A_425 : i32 to index
        %parallel_loop3A_542 = arith.constant 80 : index
        %parallel_loop3A_543 = tpu.vector_load %arg15[%parallel_loop3A_540, %parallel_loop3A_541, %parallel_loop3A_542] {strides = array<i32>} : memref<3x40x128xf32, #tpu.memory_space<vmem>>, vector<1x1x16xf32>,
        %parallel_loop3A_544 = vector.shape_cast %parallel_loop3A_543 : vector<1x1x16xf32> to vector<16xf32>
        %parallel_loop3A_545 = vector.extract_strided_slice %parallel_loop3A_446 {offsets = [5], sizes = [1], strides = [1]} : vector<16xf32> to vector<1xf32>
        %parallel_loop3A_546 = vector.extract %parallel_loop3A_545[0] : f32 from vector<1xf32>
        %parallel_loop3A_547 = vector.broadcast %parallel_loop3A_546 : f32 to vector<16xf32>
        %parallel_loop3A_548 = arith.mulf %parallel_loop3A_544, %parallel_loop3A_547 : vector<16xf32>
        %parallel_loop3A_549 = arith.constant 2 : i32
        %parallel_loop3A_550 = arith.index_cast %parallel_loop3A_549 : i32 to index
        %parallel_loop3A_551 = arith.index_cast %parallel_loop3A_425 : i32 to index
        %parallel_loop3A_552 = arith.constant 80 : index
        %parallel_loop3A_553 = tpu.vector_load %arg15[%parallel_loop3A_550, %parallel_loop3A_551, %parallel_loop3A_552] {strides = array<i32>} : memref<3x40x128xf32, #tpu.memory_space<vmem>>, vector<1x1x16xf32>,
        %parallel_loop3A_554 = vector.shape_cast %parallel_loop3A_553 : vector<1x1x16xf32> to vector<16xf32>
        %parallel_loop3A_555 = vector.shape_cast %parallel_loop3A_548 : vector<16xf32> to vector<1x1x16xf32>
        tpu.vector_store %arg15[%parallel_loop3A_550, %parallel_loop3A_551, %parallel_loop3A_552], %parallel_loop3A_555 {strides = array<i32>} : memref<3x40x128xf32, #tpu.memory_space<vmem>>, vector<1x1x16xf32>,
        %parallel_loop3A_556 = arith.constant 2 : i32
        %parallel_loop3A_557 = arith.index_cast %parallel_loop3A_556 : i32 to index
        %parallel_loop3A_558 = arith.index_cast %parallel_loop3A_425 : i32 to index
        %parallel_loop3A_559 = arith.constant 96 : index
        %parallel_loop3A_560 = tpu.vector_load %arg15[%parallel_loop3A_557, %parallel_loop3A_558, %parallel_loop3A_559] {strides = array<i32>} : memref<3x40x128xf32, #tpu.memory_space<vmem>>, vector<1x1x16xf32>,
        %parallel_loop3A_561 = vector.shape_cast %parallel_loop3A_560 : vector<1x1x16xf32> to vector<16xf32>
        %parallel_loop3A_562 = vector.extract_strided_slice %parallel_loop3A_446 {offsets = [6], sizes = [1], strides = [1]} : vector<16xf32> to vector<1xf32>
        %parallel_loop3A_563 = vector.extract %parallel_loop3A_562[0] : f32 from vector<1xf32>
        %parallel_loop3A_564 = vector.broadcast %parallel_loop3A_563 : f32 to vector<16xf32>
        %parallel_loop3A_565 = arith.mulf %parallel_loop3A_561, %parallel_loop3A_564 : vector<16xf32>
        %parallel_loop3A_566 = arith.constant 2 : i32
        %parallel_loop3A_567 = arith.index_cast %parallel_loop3A_566 : i32 to index
        %parallel_loop3A_568 = arith.index_cast %parallel_loop3A_425 : i32 to index
        %parallel_loop3A_569 = arith.constant 96 : index
        %parallel_loop3A_570 = tpu.vector_load %arg15[%parallel_loop3A_567, %parallel_loop3A_568, %parallel_loop3A_569] {strides = array<i32>} : memref<3x40x128xf32, #tpu.memory_space<vmem>>, vector<1x1x16xf32>,
        %parallel_loop3A_571 = vector.shape_cast %parallel_loop3A_570 : vector<1x1x16xf32> to vector<16xf32>
        %parallel_loop3A_572 = vector.shape_cast %parallel_loop3A_565 : vector<16xf32> to vector<1x1x16xf32>
        tpu.vector_store %arg15[%parallel_loop3A_567, %parallel_loop3A_568, %parallel_loop3A_569], %parallel_loop3A_572 {strides = array<i32>} : memref<3x40x128xf32, #tpu.memory_space<vmem>>, vector<1x1x16xf32>,
        %parallel_loop3A_573 = arith.constant 2 : i32
        %parallel_loop3A_574 = arith.index_cast %parallel_loop3A_573 : i32 to index
        %parallel_loop3A_575 = arith.index_cast %parallel_loop3A_425 : i32 to index
        %parallel_loop3A_576 = arith.constant 112 : index
        %parallel_loop3A_577 = tpu.vector_load %arg15[%parallel_loop3A_574, %parallel_loop3A_575, %parallel_loop3A_576] {strides = array<i32>} : memref<3x40x128xf32, #tpu.memory_space<vmem>>, vector<1x1x16xf32>,
        %parallel_loop3A_578 = vector.shape_cast %parallel_loop3A_577 : vector<1x1x16xf32> to vector<16xf32>
        %parallel_loop3A_579 = vector.extract_strided_slice %parallel_loop3A_446 {offsets = [7], sizes = [1], strides = [1]} : vector<16xf32> to vector<1xf32>
        %parallel_loop3A_580 = vector.extract %parallel_loop3A_579[0] : f32 from vector<1xf32>
        %parallel_loop3A_581 = vector.broadcast %parallel_loop3A_580 : f32 to vector<16xf32>
        %parallel_loop3A_582 = arith.mulf %parallel_loop3A_578, %parallel_loop3A_581 : vector<16xf32>
        %parallel_loop3A_583 = arith.constant 2 : i32
        %parallel_loop3A_584 = arith.index_cast %parallel_loop3A_583 : i32 to index
        %parallel_loop3A_585 = arith.index_cast %parallel_loop3A_425 : i32 to index
        %parallel_loop3A_586 = arith.constant 112 : index
        %parallel_loop3A_587 = tpu.vector_load %arg15[%parallel_loop3A_584, %parallel_loop3A_585, %parallel_loop3A_586] {strides = array<i32>} : memref<3x40x128xf32, #tpu.memory_space<vmem>>, vector<1x1x16xf32>,
        %parallel_loop3A_588 = vector.shape_cast %parallel_loop3A_587 : vector<1x1x16xf32> to vector<16xf32>
        %parallel_loop3A_589 = vector.shape_cast %parallel_loop3A_582 : vector<16xf32> to vector<1x1x16xf32>
        tpu.vector_store %arg15[%parallel_loop3A_584, %parallel_loop3A_585, %parallel_loop3A_586], %parallel_loop3A_589 {strides = array<i32>} : memref<3x40x128xf32, #tpu.memory_space<vmem>>, vector<1x1x16xf32>,
      } {sc.loop_unroll_factor = 4 : i64, sc.parallel_access}
      %dma_start3A_403 = arith.constant 2 : i32
      %dma_start3A_404 = arith.constant 0 : i32
      %dma_start3A_405 = arith.constant 0 : i32
      %dma_start3A_406 = tpu.memref_slice %arg15[%dma_start3A_403, %dma_start3A_404, %dma_start3A_405] : memref<3x40x128xf32, #tpu.memory_space<vmem>> -> memref<1x40x128xf32, #tpu.memory_space<vmem>>
      %dma_start3A_407 = tpu.memref_squeeze %dma_start3A_406 : memref<1x40x128xf32, #tpu.memory_space<vmem>> -> memref<40x128xf32, #tpu.memory_space<vmem>>
      %dma_start3A_408 = arith.constant 0 : i32
      %dma_start3A_409 = tpu.memref_slice %arg14[%add3A_357, %dma_start3A_408] : memref<250x40xi32, #tpu.memory_space<vmem>> -> memref<1x40xi32, #tpu.memory_space<vmem>>
      %dma_start3A_410 = tpu.memref_squeeze %dma_start3A_409 : memref<1x40xi32, #tpu.memory_space<vmem>> -> memref<40xi32, #tpu.memory_space<vmem>>
      %dma_start3A_411 = arith.constant 0 : i32
      %dma_start3A_412 = arith.constant 0 : i32
      %dma_start3A_413 = tpu.memref_slice %arg11[%dma_start3A_411, %dma_start3A_412] : memref<10000x128xf32, #tpu.memory_space<vmem_shared>> -> memref<10000x128xf32, #tpu.memory_space<vmem_shared>>
      tpu.enqueue_indirect_dma source(%dma_start3A_407 : memref<40x128xf32, #tpu.memory_space<vmem>>) target(%dma_start3A_413 : memref<10000x128xf32, #tpu.memory_space<vmem_shared>>) offsets(%dma_start3A_410 : memref<40xi32, #tpu.memory_space<vmem>>) semaphore(%arg23 : memref<!tpu.dma_semaphore, #tpu.memory_space<semaphore_mem>>) {add = true}
      %dma_start3A_414 = arith.constant 2 : i32
      %dma_start3A_415 = arith.constant 0 : i32
      %dma_start3A_416 = arith.constant 0 : i32
      %dma_start3A_417 = tpu.memref_slice %arg16[%dma_start3A_414, %dma_start3A_415, %dma_start3A_416] : memref<3x40x16xf32, #tpu.memory_space<vmem>> -> memref<1x40x16xf32, #tpu.memory_space<vmem>>
      %dma_start3A_418 = tpu.memref_squeeze %dma_start3A_417 : memref<1x40x16xf32, #tpu.memory_space<vmem>> -> memref<40x16xf32, #tpu.memory_space<vmem>>
      %dma_start3A_419 = arith.constant 0 : i32
      %dma_start3A_420 = tpu.memref_slice %arg14[%add3A_357, %dma_start3A_419] : memref<250x40xi32, #tpu.memory_space<vmem>> -> memref<1x40xi32, #tpu.memory_space<vmem>>
      %dma_start3A_421 = tpu.memref_squeeze %dma_start3A_420 : memref<1x40xi32, #tpu.memory_space<vmem>> -> memref<40xi32, #tpu.memory_space<vmem>>
      %dma_start3A_422 = arith.constant 0 : i32
      %dma_start3A_423 = arith.constant 0 : i32
      %dma_start3A_424 = tpu.memref_slice %arg12[%dma_start3A_422, %dma_start3A_423] : memref<10000x16xf32, #tpu.memory_space<vmem_shared>> -> memref<10000x16xf32, #tpu.memory_space<vmem_shared>>
      tpu.enqueue_indirect_dma source(%dma_start3A_418 : memref<40x16xf32, #tpu.memory_space<vmem>>) target(%dma_start3A_424 : memref<10000x16xf32, #tpu.memory_space<vmem_shared>>) offsets(%dma_start3A_421 : memref<40xi32, #tpu.memory_space<vmem>>) semaphore(%arg23 : memref<!tpu.dma_semaphore, #tpu.memory_space<semaphore_mem>>) {add = true}
    }
    %scan3A_78 = arith.constant 83 : i32
    %dma_wait3A = arith.constant 249 : i32
    %dma_wait3A_79 = arith.constant 0 : i32
    %dma_wait3A_80 = arith.constant 0 : i32
    %dma_wait3A_81 = arith.constant 0 : i32
    %dma_wait3A_82 = tpu.memref_slice %arg15[%dma_wait3A_79, %dma_wait3A_80, %dma_wait3A_81] : memref<3x40x128xf32, #tpu.memory_space<vmem>> -> memref<1x40x128xf32, #tpu.memory_space<vmem>>
    %dma_wait3A_83 = tpu.memref_squeeze %dma_wait3A_82 : memref<1x40x128xf32, #tpu.memory_space<vmem>> -> memref<40x128xf32, #tpu.memory_space<vmem>>
    %dma_wait3A_84 = arith.constant 0 : i32
    %dma_wait3A_85 = tpu.memref_slice %arg13[%dma_wait3A, %dma_wait3A_84] : memref<250x40xi32, #tpu.memory_space<vmem>> -> memref<1x40xi32, #tpu.memory_space<vmem>>
    %dma_wait3A_86 = tpu.memref_squeeze %dma_wait3A_85 : memref<1x40xi32, #tpu.memory_space<vmem>> -> memref<40xi32, #tpu.memory_space<vmem>>
    %dma_wait3A_87 = arith.constant 0 : i32
    %dma_wait3A_88 = arith.constant 0 : i32
    %dma_wait3A_89 = tpu.memref_slice %arg2[%dma_wait3A_87, %dma_wait3A_88] : memref<10000x128xf32, #tpu.memory_space<hbm>> -> memref<10000x128xf32, #tpu.memory_space<hbm>>
    tpu.wait_indirect_dma semaphore(%arg18 : memref<!tpu.dma_semaphore, #tpu.memory_space<semaphore_mem>>) src(%dma_wait3A_89 : memref<10000x128xf32, #tpu.memory_space<hbm>>) dst(%dma_wait3A_83 : memref<40x128xf32, #tpu.memory_space<vmem>>)
    %dma_wait3A_90 = arith.constant 249 : i32
    %dma_wait3A_91 = arith.constant 0 : i32
    %dma_wait3A_92 = arith.constant 0 : i32
    %dma_wait3A_93 = arith.constant 0 : i32
    %dma_wait3A_94 = tpu.memref_slice %arg16[%dma_wait3A_91, %dma_wait3A_92, %dma_wait3A_93] : memref<3x40x16xf32, #tpu.memory_space<vmem>> -> memref<1x40x16xf32, #tpu.memory_space<vmem>>
    %dma_wait3A_95 = tpu.memref_squeeze %dma_wait3A_94 : memref<1x40x16xf32, #tpu.memory_space<vmem>> -> memref<40x16xf32, #tpu.memory_space<vmem>>
    %dma_wait3A_96 = arith.constant 0 : i32
    %dma_wait3A_97 = tpu.memref_slice %arg13[%dma_wait3A_90, %dma_wait3A_96] : memref<250x40xi32, #tpu.memory_space<vmem>> -> memref<1x40xi32, #tpu.memory_space<vmem>>
    %dma_wait3A_98 = tpu.memref_squeeze %dma_wait3A_97 : memref<1x40xi32, #tpu.memory_space<vmem>> -> memref<40xi32, #tpu.memory_space<vmem>>
    %dma_wait3A_99 = arith.constant 0 : i32
    %dma_wait3A_100 = arith.constant 0 : i32
    %dma_wait3A_101 = tpu.memref_slice %arg3[%dma_wait3A_99, %dma_wait3A_100] : memref<10000x16xf32, #tpu.memory_space<hbm>> -> memref<10000x16xf32, #tpu.memory_space<hbm>>
    tpu.wait_indirect_dma semaphore(%arg18 : memref<!tpu.dma_semaphore, #tpu.memory_space<semaphore_mem>>) src(%dma_wait3A_101 : memref<10000x16xf32, #tpu.memory_space<hbm>>) dst(%dma_wait3A_95 : memref<40x16xf32, #tpu.memory_space<vmem>>)
    %dma_wait3A_102 = arith.constant 249 : i32
    %dma_wait3A_103 = arith.constant 0 : i32
    %dma_wait3A_104 = arith.constant 0 : i32
    %dma_wait3A_105 = arith.constant 0 : i32
    %dma_wait3A_106 = tpu.memref_slice %arg17[%dma_wait3A_103, %dma_wait3A_104, %dma_wait3A_105] : memref<3x40x16xf32, #tpu.memory_space<vmem>> -> memref<1x40x16xf32, #tpu.memory_space<vmem>>
    %dma_wait3A_107 = tpu.memref_squeeze %dma_wait3A_106 : memref<1x40x16xf32, #tpu.memory_space<vmem>> -> memref<40x16xf32, #tpu.memory_space<vmem>>
    %dma_wait3A_108 = arith.constant 0 : i32
    %dma_wait3A_109 = tpu.memref_slice %arg14[%dma_wait3A_102, %dma_wait3A_108] : memref<250x40xi32, #tpu.memory_space<vmem>> -> memref<1x40xi32, #tpu.memory_space<vmem>>
    %dma_wait3A_110 = tpu.memref_squeeze %dma_wait3A_109 : memref<1x40xi32, #tpu.memory_space<vmem>> -> memref<40xi32, #tpu.memory_space<vmem>>
    %dma_wait3A_111 = arith.constant 0 : i32
    %dma_wait3A_112 = arith.constant 0 : i32
    %dma_wait3A_113 = tpu.memref_slice %arg4[%dma_wait3A_111, %dma_wait3A_112] : memref<10000x16xf32, #tpu.memory_space<hbm>> -> memref<10000x16xf32, #tpu.memory_space<hbm>>
    tpu.wait_indirect_dma semaphore(%arg18 : memref<!tpu.dma_semaphore, #tpu.memory_space<semaphore_mem>>) src(%dma_wait3A_113 : memref<10000x16xf32, #tpu.memory_space<hbm>>) dst(%dma_wait3A_107 : memref<40x16xf32, #tpu.memory_space<vmem>>)
    %parallel_loop3A = arith.constant 0 : i32
    %parallel_loop3A_114 = arith.constant 40 : i32
    %parallel_loop3A_115 = arith.constant 1 : i32
    scf.for %parallel_loop3A_219 = %parallel_loop3A to %parallel_loop3A_114 step %parallel_loop3A_115  : i32 {
      %parallel_loop3A_220 = arith.constant 0 : i32
      %parallel_loop3A_221 = arith.index_cast %parallel_loop3A_220 : i32 to index
      %parallel_loop3A_222 = arith.index_cast %parallel_loop3A_219 : i32 to index
      %parallel_loop3A_223 = arith.constant 0 : index
      %parallel_loop3A_224 = tpu.vector_load %arg16[%parallel_loop3A_221, %parallel_loop3A_222, %parallel_loop3A_223] {strides = array<i32>} : memref<3x40x16xf32, #tpu.memory_space<vmem>>, vector<1x1x16xf32>,
      %parallel_loop3A_225 = vector.shape_cast %parallel_loop3A_224 : vector<1x1x16xf32> to vector<16xf32>
      %parallel_loop3A_226 = arith.constant 0 : i32
      %parallel_loop3A_227 = arith.index_cast %parallel_loop3A_226 : i32 to index
      %parallel_loop3A_228 = arith.index_cast %parallel_loop3A_219 : i32 to index
      %parallel_loop3A_229 = arith.constant 0 : index
      %parallel_loop3A_230 = tpu.vector_load %arg17[%parallel_loop3A_227, %parallel_loop3A_228, %parallel_loop3A_229] {strides = array<i32>} : memref<3x40x16xf32, #tpu.memory_space<vmem>>, vector<1x1x16xf32>,
      %parallel_loop3A_231 = vector.shape_cast %parallel_loop3A_230 : vector<1x1x16xf32> to vector<16xf32>
      %parallel_loop3A_232 = arith.addf %parallel_loop3A_225, %parallel_loop3A_231 : vector<16xf32>
      %parallel_loop3A_233 = arith.constant 0.000000e+00 : f32
      %parallel_loop3A_234 = vector.broadcast %parallel_loop3A_233 : f32 to vector<16xf32>
      %parallel_loop3A_235 = arith.cmpf oge, %parallel_loop3A_232, %parallel_loop3A_234 : vector<16xf32>
      %parallel_loop3A_236 = arith.constant 2.000000e-01 : f32
      %parallel_loop3A_237 = vector.broadcast %parallel_loop3A_236 : f32 to vector<16xf32>
      %parallel_loop3A_238 = arith.mulf %parallel_loop3A_237, %parallel_loop3A_232 : vector<16xf32>
      %parallel_loop3A_239 = arith.select %parallel_loop3A_235, %parallel_loop3A_232, %parallel_loop3A_238 : vector<16xi1>, vector<16xf32>
      %parallel_loop3A_240 = math.exp %parallel_loop3A_239 : vector<16xf32>
      %parallel_loop3A_241 = arith.constant 0 : i32
      %parallel_loop3A_242 = arith.index_cast %parallel_loop3A_241 : i32 to index
      %parallel_loop3A_243 = arith.index_cast %parallel_loop3A_219 : i32 to index
      %parallel_loop3A_244 = arith.constant 0 : index
      %parallel_loop3A_245 = tpu.vector_load %arg16[%parallel_loop3A_242, %parallel_loop3A_243, %parallel_loop3A_244] {strides = array<i32>} : memref<3x40x16xf32, #tpu.memory_space<vmem>>, vector<1x1x16xf32>,
      %parallel_loop3A_246 = vector.shape_cast %parallel_loop3A_245 : vector<1x1x16xf32> to vector<16xf32>
      %parallel_loop3A_247 = vector.shape_cast %parallel_loop3A_240 : vector<16xf32> to vector<1x1x16xf32>
      tpu.vector_store %arg16[%parallel_loop3A_242, %parallel_loop3A_243, %parallel_loop3A_244], %parallel_loop3A_247 {strides = array<i32>} : memref<3x40x16xf32, #tpu.memory_space<vmem>>, vector<1x1x16xf32>,
      %parallel_loop3A_248 = arith.constant 0 : i32
      %parallel_loop3A_249 = arith.index_cast %parallel_loop3A_248 : i32 to index
      %parallel_loop3A_250 = arith.index_cast %parallel_loop3A_219 : i32 to index
      %parallel_loop3A_251 = arith.constant 0 : index
      %parallel_loop3A_252 = tpu.vector_load %arg15[%parallel_loop3A_249, %parallel_loop3A_250, %parallel_loop3A_251] {strides = array<i32>} : memref<3x40x128xf32, #tpu.memory_space<vmem>>, vector<1x1x16xf32>,
      %parallel_loop3A_253 = vector.shape_cast %parallel_loop3A_252 : vector<1x1x16xf32> to vector<16xf32>
      %parallel_loop3A_254 = vector.extract_strided_slice %parallel_loop3A_240 {offsets = [0], sizes = [1], strides = [1]} : vector<16xf32> to vector<1xf32>
      %parallel_loop3A_255 = vector.extract %parallel_loop3A_254[0] : f32 from vector<1xf32>
      %parallel_loop3A_256 = vector.broadcast %parallel_loop3A_255 : f32 to vector<16xf32>
      %parallel_loop3A_257 = arith.mulf %parallel_loop3A_253, %parallel_loop3A_256 : vector<16xf32>
      %parallel_loop3A_258 = arith.constant 0 : i32
      %parallel_loop3A_259 = arith.index_cast %parallel_loop3A_258 : i32 to index
      %parallel_loop3A_260 = arith.index_cast %parallel_loop3A_219 : i32 to index
      %parallel_loop3A_261 = arith.constant 0 : index
      %parallel_loop3A_262 = tpu.vector_load %arg15[%parallel_loop3A_259, %parallel_loop3A_260, %parallel_loop3A_261] {strides = array<i32>} : memref<3x40x128xf32, #tpu.memory_space<vmem>>, vector<1x1x16xf32>,
      %parallel_loop3A_263 = vector.shape_cast %parallel_loop3A_262 : vector<1x1x16xf32> to vector<16xf32>
      %parallel_loop3A_264 = vector.shape_cast %parallel_loop3A_257 : vector<16xf32> to vector<1x1x16xf32>
      tpu.vector_store %arg15[%parallel_loop3A_259, %parallel_loop3A_260, %parallel_loop3A_261], %parallel_loop3A_264 {strides = array<i32>} : memref<3x40x128xf32, #tpu.memory_space<vmem>>, vector<1x1x16xf32>,
      %parallel_loop3A_265 = arith.constant 0 : i32
      %parallel_loop3A_266 = arith.index_cast %parallel_loop3A_265 : i32 to index
      %parallel_loop3A_267 = arith.index_cast %parallel_loop3A_219 : i32 to index
      %parallel_loop3A_268 = arith.constant 16 : index
      %parallel_loop3A_269 = tpu.vector_load %arg15[%parallel_loop3A_266, %parallel_loop3A_267, %parallel_loop3A_268] {strides = array<i32>} : memref<3x40x128xf32, #tpu.memory_space<vmem>>, vector<1x1x16xf32>,
      %parallel_loop3A_270 = vector.shape_cast %parallel_loop3A_269 : vector<1x1x16xf32> to vector<16xf32>
      %parallel_loop3A_271 = vector.extract_strided_slice %parallel_loop3A_240 {offsets = [1], sizes = [1], strides = [1]} : vector<16xf32> to vector<1xf32>
      %parallel_loop3A_272 = vector.extract %parallel_loop3A_271[0] : f32 from vector<1xf32>
      %parallel_loop3A_273 = vector.broadcast %parallel_loop3A_272 : f32 to vector<16xf32>
      %parallel_loop3A_274 = arith.mulf %parallel_loop3A_270, %parallel_loop3A_273 : vector<16xf32>
      %parallel_loop3A_275 = arith.constant 0 : i32
      %parallel_loop3A_276 = arith.index_cast %parallel_loop3A_275 : i32 to index
      %parallel_loop3A_277 = arith.index_cast %parallel_loop3A_219 : i32 to index
      %parallel_loop3A_278 = arith.constant 16 : index
      %parallel_loop3A_279 = tpu.vector_load %arg15[%parallel_loop3A_276, %parallel_loop3A_277, %parallel_loop3A_278] {strides = array<i32>} : memref<3x40x128xf32, #tpu.memory_space<vmem>>, vector<1x1x16xf32>,
      %parallel_loop3A_280 = vector.shape_cast %parallel_loop3A_279 : vector<1x1x16xf32> to vector<16xf32>
      %parallel_loop3A_281 = vector.shape_cast %parallel_loop3A_274 : vector<16xf32> to vector<1x1x16xf32>
      tpu.vector_store %arg15[%parallel_loop3A_276, %parallel_loop3A_277, %parallel_loop3A_278], %parallel_loop3A_281 {strides = array<i32>} : memref<3x40x128xf32, #tpu.memory_space<vmem>>, vector<1x1x16xf32>,
      %parallel_loop3A_282 = arith.constant 0 : i32
      %parallel_loop3A_283 = arith.index_cast %parallel_loop3A_282 : i32 to index
      %parallel_loop3A_284 = arith.index_cast %parallel_loop3A_219 : i32 to index
      %parallel_loop3A_285 = arith.constant 32 : index
      %parallel_loop3A_286 = tpu.vector_load %arg15[%parallel_loop3A_283, %parallel_loop3A_284, %parallel_loop3A_285] {strides = array<i32>} : memref<3x40x128xf32, #tpu.memory_space<vmem>>, vector<1x1x16xf32>,
      %parallel_loop3A_287 = vector.shape_cast %parallel_loop3A_286 : vector<1x1x16xf32> to vector<16xf32>
      %parallel_loop3A_288 = vector.extract_strided_slice %parallel_loop3A_240 {offsets = [2], sizes = [1], strides = [1]} : vector<16xf32> to vector<1xf32>
      %parallel_loop3A_289 = vector.extract %parallel_loop3A_288[0] : f32 from vector<1xf32>
      %parallel_loop3A_290 = vector.broadcast %parallel_loop3A_289 : f32 to vector<16xf32>
      %parallel_loop3A_291 = arith.mulf %parallel_loop3A_287, %parallel_loop3A_290 : vector<16xf32>
      %parallel_loop3A_292 = arith.constant 0 : i32
      %parallel_loop3A_293 = arith.index_cast %parallel_loop3A_292 : i32 to index
      %parallel_loop3A_294 = arith.index_cast %parallel_loop3A_219 : i32 to index
      %parallel_loop3A_295 = arith.constant 32 : index
      %parallel_loop3A_296 = tpu.vector_load %arg15[%parallel_loop3A_293, %parallel_loop3A_294, %parallel_loop3A_295] {strides = array<i32>} : memref<3x40x128xf32, #tpu.memory_space<vmem>>, vector<1x1x16xf32>,
      %parallel_loop3A_297 = vector.shape_cast %parallel_loop3A_296 : vector<1x1x16xf32> to vector<16xf32>
      %parallel_loop3A_298 = vector.shape_cast %parallel_loop3A_291 : vector<16xf32> to vector<1x1x16xf32>
      tpu.vector_store %arg15[%parallel_loop3A_293, %parallel_loop3A_294, %parallel_loop3A_295], %parallel_loop3A_298 {strides = array<i32>} : memref<3x40x128xf32, #tpu.memory_space<vmem>>, vector<1x1x16xf32>,
      %parallel_loop3A_299 = arith.constant 0 : i32
      %parallel_loop3A_300 = arith.index_cast %parallel_loop3A_299 : i32 to index
      %parallel_loop3A_301 = arith.index_cast %parallel_loop3A_219 : i32 to index
      %parallel_loop3A_302 = arith.constant 48 : index
      %parallel_loop3A_303 = tpu.vector_load %arg15[%parallel_loop3A_300, %parallel_loop3A_301, %parallel_loop3A_302] {strides = array<i32>} : memref<3x40x128xf32, #tpu.memory_space<vmem>>, vector<1x1x16xf32>,
      %parallel_loop3A_304 = vector.shape_cast %parallel_loop3A_303 : vector<1x1x16xf32> to vector<16xf32>
      %parallel_loop3A_305 = vector.extract_strided_slice %parallel_loop3A_240 {offsets = [3], sizes = [1], strides = [1]} : vector<16xf32> to vector<1xf32>
      %parallel_loop3A_306 = vector.extract %parallel_loop3A_305[0] : f32 from vector<1xf32>
      %parallel_loop3A_307 = vector.broadcast %parallel_loop3A_306 : f32 to vector<16xf32>
      %parallel_loop3A_308 = arith.mulf %parallel_loop3A_304, %parallel_loop3A_307 : vector<16xf32>
      %parallel_loop3A_309 = arith.constant 0 : i32
      %parallel_loop3A_310 = arith.index_cast %parallel_loop3A_309 : i32 to index
      %parallel_loop3A_311 = arith.index_cast %parallel_loop3A_219 : i32 to index
      %parallel_loop3A_312 = arith.constant 48 : index
      %parallel_loop3A_313 = tpu.vector_load %arg15[%parallel_loop3A_310, %parallel_loop3A_311, %parallel_loop3A_312] {strides = array<i32>} : memref<3x40x128xf32, #tpu.memory_space<vmem>>, vector<1x1x16xf32>,
      %parallel_loop3A_314 = vector.shape_cast %parallel_loop3A_313 : vector<1x1x16xf32> to vector<16xf32>
      %parallel_loop3A_315 = vector.shape_cast %parallel_loop3A_308 : vector<16xf32> to vector<1x1x16xf32>
      tpu.vector_store %arg15[%parallel_loop3A_310, %parallel_loop3A_311, %parallel_loop3A_312], %parallel_loop3A_315 {strides = array<i32>} : memref<3x40x128xf32, #tpu.memory_space<vmem>>, vector<1x1x16xf32>,
      %parallel_loop3A_316 = arith.constant 0 : i32
      %parallel_loop3A_317 = arith.index_cast %parallel_loop3A_316 : i32 to index
      %parallel_loop3A_318 = arith.index_cast %parallel_loop3A_219 : i32 to index
      %parallel_loop3A_319 = arith.constant 64 : index
      %parallel_loop3A_320 = tpu.vector_load %arg15[%parallel_loop3A_317, %parallel_loop3A_318, %parallel_loop3A_319] {strides = array<i32>} : memref<3x40x128xf32, #tpu.memory_space<vmem>>, vector<1x1x16xf32>,
      %parallel_loop3A_321 = vector.shape_cast %parallel_loop3A_320 : vector<1x1x16xf32> to vector<16xf32>
      %parallel_loop3A_322 = vector.extract_strided_slice %parallel_loop3A_240 {offsets = [4], sizes = [1], strides = [1]} : vector<16xf32> to vector<1xf32>
      %parallel_loop3A_323 = vector.extract %parallel_loop3A_322[0] : f32 from vector<1xf32>
      %parallel_loop3A_324 = vector.broadcast %parallel_loop3A_323 : f32 to vector<16xf32>
      %parallel_loop3A_325 = arith.mulf %parallel_loop3A_321, %parallel_loop3A_324 : vector<16xf32>
      %parallel_loop3A_326 = arith.constant 0 : i32
      %parallel_loop3A_327 = arith.index_cast %parallel_loop3A_326 : i32 to index
      %parallel_loop3A_328 = arith.index_cast %parallel_loop3A_219 : i32 to index
      %parallel_loop3A_329 = arith.constant 64 : index
      %parallel_loop3A_330 = tpu.vector_load %arg15[%parallel_loop3A_327, %parallel_loop3A_328, %parallel_loop3A_329] {strides = array<i32>} : memref<3x40x128xf32, #tpu.memory_space<vmem>>, vector<1x1x16xf32>,
      %parallel_loop3A_331 = vector.shape_cast %parallel_loop3A_330 : vector<1x1x16xf32> to vector<16xf32>
      %parallel_loop3A_332 = vector.shape_cast %parallel_loop3A_325 : vector<16xf32> to vector<1x1x16xf32>
      tpu.vector_store %arg15[%parallel_loop3A_327, %parallel_loop3A_328, %parallel_loop3A_329], %parallel_loop3A_332 {strides = array<i32>} : memref<3x40x128xf32, #tpu.memory_space<vmem>>, vector<1x1x16xf32>,
      %parallel_loop3A_333 = arith.constant 0 : i32
      %parallel_loop3A_334 = arith.index_cast %parallel_loop3A_333 : i32 to index
      %parallel_loop3A_335 = arith.index_cast %parallel_loop3A_219 : i32 to index
      %parallel_loop3A_336 = arith.constant 80 : index
      %parallel_loop3A_337 = tpu.vector_load %arg15[%parallel_loop3A_334, %parallel_loop3A_335, %parallel_loop3A_336] {strides = array<i32>} : memref<3x40x128xf32, #tpu.memory_space<vmem>>, vector<1x1x16xf32>,
      %parallel_loop3A_338 = vector.shape_cast %parallel_loop3A_337 : vector<1x1x16xf32> to vector<16xf32>
      %parallel_loop3A_339 = vector.extract_strided_slice %parallel_loop3A_240 {offsets = [5], sizes = [1], strides = [1]} : vector<16xf32> to vector<1xf32>
      %parallel_loop3A_340 = vector.extract %parallel_loop3A_339[0] : f32 from vector<1xf32>
      %parallel_loop3A_341 = vector.broadcast %parallel_loop3A_340 : f32 to vector<16xf32>
      %parallel_loop3A_342 = arith.mulf %parallel_loop3A_338, %parallel_loop3A_341 : vector<16xf32>
      %parallel_loop3A_343 = arith.constant 0 : i32
      %parallel_loop3A_344 = arith.index_cast %parallel_loop3A_343 : i32 to index
      %parallel_loop3A_345 = arith.index_cast %parallel_loop3A_219 : i32 to index
      %parallel_loop3A_346 = arith.constant 80 : index
      %parallel_loop3A_347 = tpu.vector_load %arg15[%parallel_loop3A_344, %parallel_loop3A_345, %parallel_loop3A_346] {strides = array<i32>} : memref<3x40x128xf32, #tpu.memory_space<vmem>>, vector<1x1x16xf32>,
      %parallel_loop3A_348 = vector.shape_cast %parallel_loop3A_347 : vector<1x1x16xf32> to vector<16xf32>
      %parallel_loop3A_349 = vector.shape_cast %parallel_loop3A_342 : vector<16xf32> to vector<1x1x16xf32>
      tpu.vector_store %arg15[%parallel_loop3A_344, %parallel_loop3A_345, %parallel_loop3A_346], %parallel_loop3A_349 {strides = array<i32>} : memref<3x40x128xf32, #tpu.memory_space<vmem>>, vector<1x1x16xf32>,
      %parallel_loop3A_350 = arith.constant 0 : i32
      %parallel_loop3A_351 = arith.index_cast %parallel_loop3A_350 : i32 to index
      %parallel_loop3A_352 = arith.index_cast %parallel_loop3A_219 : i32 to index
      %parallel_loop3A_353 = arith.constant 96 : index
      %parallel_loop3A_354 = tpu.vector_load %arg15[%parallel_loop3A_351, %parallel_loop3A_352, %parallel_loop3A_353] {strides = array<i32>} : memref<3x40x128xf32, #tpu.memory_space<vmem>>, vector<1x1x16xf32>,
      %parallel_loop3A_355 = vector.shape_cast %parallel_loop3A_354 : vector<1x1x16xf32> to vector<16xf32>
      %parallel_loop3A_356 = vector.extract_strided_slice %parallel_loop3A_240 {offsets = [6], sizes = [1], strides = [1]} : vector<16xf32> to vector<1xf32>
      %parallel_loop3A_357 = vector.extract %parallel_loop3A_356[0] : f32 from vector<1xf32>
      %parallel_loop3A_358 = vector.broadcast %parallel_loop3A_357 : f32 to vector<16xf32>
      %parallel_loop3A_359 = arith.mulf %parallel_loop3A_355, %parallel_loop3A_358 : vector<16xf32>
      %parallel_loop3A_360 = arith.constant 0 : i32
      %parallel_loop3A_361 = arith.index_cast %parallel_loop3A_360 : i32 to index
      %parallel_loop3A_362 = arith.index_cast %parallel_loop3A_219 : i32 to index
      %parallel_loop3A_363 = arith.constant 96 : index
      %parallel_loop3A_364 = tpu.vector_load %arg15[%parallel_loop3A_361, %parallel_loop3A_362, %parallel_loop3A_363] {strides = array<i32>} : memref<3x40x128xf32, #tpu.memory_space<vmem>>, vector<1x1x16xf32>,
      %parallel_loop3A_365 = vector.shape_cast %parallel_loop3A_364 : vector<1x1x16xf32> to vector<16xf32>
      %parallel_loop3A_366 = vector.shape_cast %parallel_loop3A_359 : vector<16xf32> to vector<1x1x16xf32>
      tpu.vector_store %arg15[%parallel_loop3A_361, %parallel_loop3A_362, %parallel_loop3A_363], %parallel_loop3A_366 {strides = array<i32>} : memref<3x40x128xf32, #tpu.memory_space<vmem>>, vector<1x1x16xf32>,
      %parallel_loop3A_367 = arith.constant 0 : i32
      %parallel_loop3A_368 = arith.index_cast %parallel_loop3A_367 : i32 to index
      %parallel_loop3A_369 = arith.index_cast %parallel_loop3A_219 : i32 to index
      %parallel_loop3A_370 = arith.constant 112 : index
      %parallel_loop3A_371 = tpu.vector_load %arg15[%parallel_loop3A_368, %parallel_loop3A_369, %parallel_loop3A_370] {strides = array<i32>} : memref<3x40x128xf32, #tpu.memory_space<vmem>>, vector<1x1x16xf32>,
      %parallel_loop3A_372 = vector.shape_cast %parallel_loop3A_371 : vector<1x1x16xf32> to vector<16xf32>
      %parallel_loop3A_373 = vector.extract_strided_slice %parallel_loop3A_240 {offsets = [7], sizes = [1], strides = [1]} : vector<16xf32> to vector<1xf32>
      %parallel_loop3A_374 = vector.extract %parallel_loop3A_373[0] : f32 from vector<1xf32>
      %parallel_loop3A_375 = vector.broadcast %parallel_loop3A_374 : f32 to vector<16xf32>
      %parallel_loop3A_376 = arith.mulf %parallel_loop3A_372, %parallel_loop3A_375 : vector<16xf32>
      %parallel_loop3A_377 = arith.constant 0 : i32
      %parallel_loop3A_378 = arith.index_cast %parallel_loop3A_377 : i32 to index
      %parallel_loop3A_379 = arith.index_cast %parallel_loop3A_219 : i32 to index
      %parallel_loop3A_380 = arith.constant 112 : index
      %parallel_loop3A_381 = tpu.vector_load %arg15[%parallel_loop3A_378, %parallel_loop3A_379, %parallel_loop3A_380] {strides = array<i32>} : memref<3x40x128xf32, #tpu.memory_space<vmem>>, vector<1x1x16xf32>,
      %parallel_loop3A_382 = vector.shape_cast %parallel_loop3A_381 : vector<1x1x16xf32> to vector<16xf32>
      %parallel_loop3A_383 = vector.shape_cast %parallel_loop3A_376 : vector<16xf32> to vector<1x1x16xf32>
      tpu.vector_store %arg15[%parallel_loop3A_378, %parallel_loop3A_379, %parallel_loop3A_380], %parallel_loop3A_383 {strides = array<i32>} : memref<3x40x128xf32, #tpu.memory_space<vmem>>, vector<1x1x16xf32>,
    } {sc.loop_unroll_factor = 4 : i64, sc.parallel_access}
    %dma_start3A_116 = arith.constant 0 : i32
    %dma_start3A_117 = arith.constant 249 : i32
    %dma_start3A_118 = arith.constant 0 : i32
    %dma_start3A_119 = arith.constant 0 : i32
    %dma_start3A_120 = tpu.memref_slice %arg15[%dma_start3A_116, %dma_start3A_118, %dma_start3A_119] : memref<3x40x128xf32, #tpu.memory_space<vmem>> -> memref<1x40x128xf32, #tpu.memory_space<vmem>>
    %dma_start3A_121 = tpu.memref_squeeze %dma_start3A_120 : memref<1x40x128xf32, #tpu.memory_space<vmem>> -> memref<40x128xf32, #tpu.memory_space<vmem>>
    %dma_start3A_122 = arith.constant 0 : i32
    %dma_start3A_123 = tpu.memref_slice %arg14[%dma_start3A_117, %dma_start3A_122] : memref<250x40xi32, #tpu.memory_space<vmem>> -> memref<1x40xi32, #tpu.memory_space<vmem>>
    %dma_start3A_124 = tpu.memref_squeeze %dma_start3A_123 : memref<1x40xi32, #tpu.memory_space<vmem>> -> memref<40xi32, #tpu.memory_space<vmem>>
    %dma_start3A_125 = arith.constant 0 : i32
    %dma_start3A_126 = arith.constant 0 : i32
    %dma_start3A_127 = tpu.memref_slice %arg11[%dma_start3A_125, %dma_start3A_126] : memref<10000x128xf32, #tpu.memory_space<vmem_shared>> -> memref<10000x128xf32, #tpu.memory_space<vmem_shared>>
    tpu.enqueue_indirect_dma source(%dma_start3A_121 : memref<40x128xf32, #tpu.memory_space<vmem>>) target(%dma_start3A_127 : memref<10000x128xf32, #tpu.memory_space<vmem_shared>>) offsets(%dma_start3A_124 : memref<40xi32, #tpu.memory_space<vmem>>) semaphore(%arg21 : memref<!tpu.dma_semaphore, #tpu.memory_space<semaphore_mem>>) {add = true}
    %dma_start3A_128 = arith.constant 0 : i32
    %dma_start3A_129 = arith.constant 249 : i32
    %dma_start3A_130 = arith.constant 0 : i32
    %dma_start3A_131 = arith.constant 0 : i32
    %dma_start3A_132 = tpu.memref_slice %arg16[%dma_start3A_128, %dma_start3A_130, %dma_start3A_131] : memref<3x40x16xf32, #tpu.memory_space<vmem>> -> memref<1x40x16xf32, #tpu.memory_space<vmem>>
    %dma_start3A_133 = tpu.memref_squeeze %dma_start3A_132 : memref<1x40x16xf32, #tpu.memory_space<vmem>> -> memref<40x16xf32, #tpu.memory_space<vmem>>
    %dma_start3A_134 = arith.constant 0 : i32
    %dma_start3A_135 = tpu.memref_slice %arg14[%dma_start3A_129, %dma_start3A_134] : memref<250x40xi32, #tpu.memory_space<vmem>> -> memref<1x40xi32, #tpu.memory_space<vmem>>
    %dma_start3A_136 = tpu.memref_squeeze %dma_start3A_135 : memref<1x40xi32, #tpu.memory_space<vmem>> -> memref<40xi32, #tpu.memory_space<vmem>>
    %dma_start3A_137 = arith.constant 0 : i32
    %dma_start3A_138 = arith.constant 0 : i32
    %dma_start3A_139 = tpu.memref_slice %arg12[%dma_start3A_137, %dma_start3A_138] : memref<10000x16xf32, #tpu.memory_space<vmem_shared>> -> memref<10000x16xf32, #tpu.memory_space<vmem_shared>>
    tpu.enqueue_indirect_dma source(%dma_start3A_133 : memref<40x16xf32, #tpu.memory_space<vmem>>) target(%dma_start3A_139 : memref<10000x16xf32, #tpu.memory_space<vmem_shared>>) offsets(%dma_start3A_136 : memref<40xi32, #tpu.memory_space<vmem>>) semaphore(%arg21 : memref<!tpu.dma_semaphore, #tpu.memory_space<semaphore_mem>>) {add = true}
    %dma_wait3A_140 = arith.constant 1 : i32
    %dma_wait3A_141 = arith.constant 247 : i32
    %dma_wait3A_142 = arith.constant 0 : i32
    %dma_wait3A_143 = arith.constant 0 : i32
    %dma_wait3A_144 = tpu.memref_slice %arg15[%dma_wait3A_140, %dma_wait3A_142, %dma_wait3A_143] : memref<3x40x128xf32, #tpu.memory_space<vmem>> -> memref<1x40x128xf32, #tpu.memory_space<vmem>>
    %dma_wait3A_145 = tpu.memref_squeeze %dma_wait3A_144 : memref<1x40x128xf32, #tpu.memory_space<vmem>> -> memref<40x128xf32, #tpu.memory_space<vmem>>
    %dma_wait3A_146 = arith.constant 0 : i32
    %dma_wait3A_147 = tpu.memref_slice %arg14[%dma_wait3A_141, %dma_wait3A_146] : memref<250x40xi32, #tpu.memory_space<vmem>> -> memref<1x40xi32, #tpu.memory_space<vmem>>
    %dma_wait3A_148 = tpu.memref_squeeze %dma_wait3A_147 : memref<1x40xi32, #tpu.memory_space<vmem>> -> memref<40xi32, #tpu.memory_space<vmem>>
    %dma_wait3A_149 = arith.constant 0 : i32
    %dma_wait3A_150 = arith.constant 0 : i32
    %dma_wait3A_151 = tpu.memref_slice %arg11[%dma_wait3A_149, %dma_wait3A_150] : memref<10000x128xf32, #tpu.memory_space<vmem_shared>> -> memref<10000x128xf32, #tpu.memory_space<vmem_shared>>
    tpu.wait_indirect_dma semaphore(%arg22 : memref<!tpu.dma_semaphore, #tpu.memory_space<semaphore_mem>>) src(%dma_wait3A_145 : memref<40x128xf32, #tpu.memory_space<vmem>>) dst(%dma_wait3A_151 : memref<10000x128xf32, #tpu.memory_space<vmem_shared>>)
    %dma_wait3A_152 = arith.constant 1 : i32
    %dma_wait3A_153 = arith.constant 247 : i32
    %dma_wait3A_154 = arith.constant 0 : i32
    %dma_wait3A_155 = arith.constant 0 : i32
    %dma_wait3A_156 = tpu.memref_slice %arg16[%dma_wait3A_152, %dma_wait3A_154, %dma_wait3A_155] : memref<3x40x16xf32, #tpu.memory_space<vmem>> -> memref<1x40x16xf32, #tpu.memory_space<vmem>>
    %dma_wait3A_157 = tpu.memref_squeeze %dma_wait3A_156 : memref<1x40x16xf32, #tpu.memory_space<vmem>> -> memref<40x16xf32, #tpu.memory_space<vmem>>
    %dma_wait3A_158 = arith.constant 0 : i32
    %dma_wait3A_159 = tpu.memref_slice %arg14[%dma_wait3A_153, %dma_wait3A_158] : memref<250x40xi32, #tpu.memory_space<vmem>> -> memref<1x40xi32, #tpu.memory_space<vmem>>
    %dma_wait3A_160 = tpu.memref_squeeze %dma_wait3A_159 : memref<1x40xi32, #tpu.memory_space<vmem>> -> memref<40xi32, #tpu.memory_space<vmem>>
    %dma_wait3A_161 = arith.constant 0 : i32
    %dma_wait3A_162 = arith.constant 0 : i32
    %dma_wait3A_163 = tpu.memref_slice %arg12[%dma_wait3A_161, %dma_wait3A_162] : memref<10000x16xf32, #tpu.memory_space<vmem_shared>> -> memref<10000x16xf32, #tpu.memory_space<vmem_shared>>
    tpu.wait_indirect_dma semaphore(%arg22 : memref<!tpu.dma_semaphore, #tpu.memory_space<semaphore_mem>>) src(%dma_wait3A_157 : memref<40x16xf32, #tpu.memory_space<vmem>>) dst(%dma_wait3A_163 : memref<10000x16xf32, #tpu.memory_space<vmem_shared>>)
    %dma_wait3A_164 = arith.constant 2 : i32
    %dma_wait3A_165 = arith.constant 248 : i32
    %dma_wait3A_166 = arith.constant 0 : i32
    %dma_wait3A_167 = arith.constant 0 : i32
    %dma_wait3A_168 = tpu.memref_slice %arg15[%dma_wait3A_164, %dma_wait3A_166, %dma_wait3A_167] : memref<3x40x128xf32, #tpu.memory_space<vmem>> -> memref<1x40x128xf32, #tpu.memory_space<vmem>>
    %dma_wait3A_169 = tpu.memref_squeeze %dma_wait3A_168 : memref<1x40x128xf32, #tpu.memory_space<vmem>> -> memref<40x128xf32, #tpu.memory_space<vmem>>
    %dma_wait3A_170 = arith.constant 0 : i32
    %dma_wait3A_171 = tpu.memref_slice %arg14[%dma_wait3A_165, %dma_wait3A_170] : memref<250x40xi32, #tpu.memory_space<vmem>> -> memref<1x40xi32, #tpu.memory_space<vmem>>
    %dma_wait3A_172 = tpu.memref_squeeze %dma_wait3A_171 : memref<1x40xi32, #tpu.memory_space<vmem>> -> memref<40xi32, #tpu.memory_space<vmem>>
    %dma_wait3A_173 = arith.constant 0 : i32
    %dma_wait3A_174 = arith.constant 0 : i32
    %dma_wait3A_175 = tpu.memref_slice %arg11[%dma_wait3A_173, %dma_wait3A_174] : memref<10000x128xf32, #tpu.memory_space<vmem_shared>> -> memref<10000x128xf32, #tpu.memory_space<vmem_shared>>
    tpu.wait_indirect_dma semaphore(%arg23 : memref<!tpu.dma_semaphore, #tpu.memory_space<semaphore_mem>>) src(%dma_wait3A_169 : memref<40x128xf32, #tpu.memory_space<vmem>>) dst(%dma_wait3A_175 : memref<10000x128xf32, #tpu.memory_space<vmem_shared>>)
    %dma_wait3A_176 = arith.constant 2 : i32
    %dma_wait3A_177 = arith.constant 248 : i32
    %dma_wait3A_178 = arith.constant 0 : i32
    %dma_wait3A_179 = arith.constant 0 : i32
    %dma_wait3A_180 = tpu.memref_slice %arg16[%dma_wait3A_176, %dma_wait3A_178, %dma_wait3A_179] : memref<3x40x16xf32, #tpu.memory_space<vmem>> -> memref<1x40x16xf32, #tpu.memory_space<vmem>>
    %dma_wait3A_181 = tpu.memref_squeeze %dma_wait3A_180 : memref<1x40x16xf32, #tpu.memory_space<vmem>> -> memref<40x16xf32, #tpu.memory_space<vmem>>
    %dma_wait3A_182 = arith.constant 0 : i32
    %dma_wait3A_183 = tpu.memref_slice %arg14[%dma_wait3A_177, %dma_wait3A_182] : memref<250x40xi32, #tpu.memory_space<vmem>> -> memref<1x40xi32, #tpu.memory_space<vmem>>
    %dma_wait3A_184 = tpu.memref_squeeze %dma_wait3A_183 : memref<1x40xi32, #tpu.memory_space<vmem>> -> memref<40xi32, #tpu.memory_space<vmem>>
    %dma_wait3A_185 = arith.constant 0 : i32
    %dma_wait3A_186 = arith.constant 0 : i32
    %dma_wait3A_187 = tpu.memref_slice %arg12[%dma_wait3A_185, %dma_wait3A_186] : memref<10000x16xf32, #tpu.memory_space<vmem_shared>> -> memref<10000x16xf32, #tpu.memory_space<vmem_shared>>
    tpu.wait_indirect_dma semaphore(%arg23 : memref<!tpu.dma_semaphore, #tpu.memory_space<semaphore_mem>>) src(%dma_wait3A_181 : memref<40x16xf32, #tpu.memory_space<vmem>>) dst(%dma_wait3A_187 : memref<10000x16xf32, #tpu.memory_space<vmem_shared>>)
    %dma_wait3A_188 = arith.constant 0 : i32
    %dma_wait3A_189 = arith.constant 249 : i32
    %dma_wait3A_190 = arith.constant 0 : i32
    %dma_wait3A_191 = arith.constant 0 : i32
    %dma_wait3A_192 = tpu.memref_slice %arg15[%dma_wait3A_188, %dma_wait3A_190, %dma_wait3A_191] : memref<3x40x128xf32, #tpu.memory_space<vmem>> -> memref<1x40x128xf32, #tpu.memory_space<vmem>>
    %dma_wait3A_193 = tpu.memref_squeeze %dma_wait3A_192 : memref<1x40x128xf32, #tpu.memory_space<vmem>> -> memref<40x128xf32, #tpu.memory_space<vmem>>
    %dma_wait3A_194 = arith.constant 0 : i32
    %dma_wait3A_195 = tpu.memref_slice %arg14[%dma_wait3A_189, %dma_wait3A_194] : memref<250x40xi32, #tpu.memory_space<vmem>> -> memref<1x40xi32, #tpu.memory_space<vmem>>
    %dma_wait3A_196 = tpu.memref_squeeze %dma_wait3A_195 : memref<1x40xi32, #tpu.memory_space<vmem>> -> memref<40xi32, #tpu.memory_space<vmem>>
    %dma_wait3A_197 = arith.constant 0 : i32
    %dma_wait3A_198 = arith.constant 0 : i32
    %dma_wait3A_199 = tpu.memref_slice %arg11[%dma_wait3A_197, %dma_wait3A_198] : memref<10000x128xf32, #tpu.memory_space<vmem_shared>> -> memref<10000x128xf32, #tpu.memory_space<vmem_shared>>
    tpu.wait_indirect_dma semaphore(%arg21 : memref<!tpu.dma_semaphore, #tpu.memory_space<semaphore_mem>>) src(%dma_wait3A_193 : memref<40x128xf32, #tpu.memory_space<vmem>>) dst(%dma_wait3A_199 : memref<10000x128xf32, #tpu.memory_space<vmem_shared>>)
    %dma_wait3A_200 = arith.constant 0 : i32
    %dma_wait3A_201 = arith.constant 249 : i32
    %dma_wait3A_202 = arith.constant 0 : i32
    %dma_wait3A_203 = arith.constant 0 : i32
    %dma_wait3A_204 = tpu.memref_slice %arg16[%dma_wait3A_200, %dma_wait3A_202, %dma_wait3A_203] : memref<3x40x16xf32, #tpu.memory_space<vmem>> -> memref<1x40x16xf32, #tpu.memory_space<vmem>>
    %dma_wait3A_205 = tpu.memref_squeeze %dma_wait3A_204 : memref<1x40x16xf32, #tpu.memory_space<vmem>> -> memref<40x16xf32, #tpu.memory_space<vmem>>
    %dma_wait3A_206 = arith.constant 0 : i32
    %dma_wait3A_207 = tpu.memref_slice %arg14[%dma_wait3A_201, %dma_wait3A_206] : memref<250x40xi32, #tpu.memory_space<vmem>> -> memref<1x40xi32, #tpu.memory_space<vmem>>
    %dma_wait3A_208 = tpu.memref_squeeze %dma_wait3A_207 : memref<1x40xi32, #tpu.memory_space<vmem>> -> memref<40xi32, #tpu.memory_space<vmem>>
    %dma_wait3A_209 = arith.constant 0 : i32
    %dma_wait3A_210 = arith.constant 0 : i32
    %dma_wait3A_211 = tpu.memref_slice %arg12[%dma_wait3A_209, %dma_wait3A_210] : memref<10000x16xf32, #tpu.memory_space<vmem_shared>> -> memref<10000x16xf32, #tpu.memory_space<vmem_shared>>
    tpu.wait_indirect_dma semaphore(%arg21 : memref<!tpu.dma_semaphore, #tpu.memory_space<semaphore_mem>>) src(%dma_wait3A_205 : memref<40x16xf32, #tpu.memory_space<vmem>>) dst(%dma_wait3A_211 : memref<10000x16xf32, #tpu.memory_space<vmem_shared>>)
    %barrier3A_212 = arith.constant 0 : index
    tpu.barrier barrier_id(%barrier3A_212)
    %mul3A_213 = arith.constant 10000 : i32
    %mul3A_214 = arith.muli %arg0, %mul3A_213 : i32
    %add3A_215 = arith.addi %mul3A_214, %mul3A_2 : i32
    "tpu.region"() ({
      %run_scoped3A = tpu.sem_alloc : memref<!tpu.dma_semaphore, #tpu.memory_space<semaphore_mem>>
      %dma_start3A_219 = arith.constant 0 : i32
      %dma_start3A_220 = tpu.memref_slice %arg9[%add3A_215, %dma_start3A_219] : memref<20000x128xf32, #tpu.memory_space<hbm>> -> memref<625x128xf32, #tpu.memory_space<hbm>>
      %dma_start3A_221 = arith.constant 0 : i32
      %dma_start3A_222 = tpu.memref_slice %arg11[%mul3A_2, %dma_start3A_221] : memref<10000x128xf32, #tpu.memory_space<vmem_shared>> -> memref<625x128xf32, #tpu.memory_space<vmem_shared>>
      tpu.enqueue_dma source(%dma_start3A_222 : memref<625x128xf32, #tpu.memory_space<vmem_shared>>) target(%dma_start3A_220 : memref<625x128xf32, #tpu.memory_space<hbm>>) target_semaphore(%run_scoped3A : memref<!tpu.dma_semaphore, #tpu.memory_space<semaphore_mem>>)
      %dma_wait3A_223 = arith.constant 0 : i32
      %dma_wait3A_224 = tpu.memref_slice %arg9[%add3A_215, %dma_wait3A_223] : memref<20000x128xf32, #tpu.memory_space<hbm>> -> memref<625x128xf32, #tpu.memory_space<hbm>>
      %dma_wait3A_225 = arith.constant 0 : i32
      %dma_wait3A_226 = tpu.memref_slice %arg11[%mul3A_2, %dma_wait3A_225] : memref<10000x128xf32, #tpu.memory_space<vmem_shared>> -> memref<625x128xf32, #tpu.memory_space<vmem_shared>>
      tpu.wait_dma2 semaphore(%run_scoped3A : memref<!tpu.dma_semaphore, #tpu.memory_space<semaphore_mem>>) src(%dma_wait3A_226 : memref<625x128xf32, #tpu.memory_space<vmem_shared>>) dst(%dma_wait3A_224 : memref<625x128xf32, #tpu.memory_space<hbm>>)
      tpu.yield
    }) : () -> ()
    %mul3A_216 = arith.constant 10000 : i32
    %mul3A_217 = arith.muli %arg0, %mul3A_216 : i32
    %add3A_218 = arith.addi %mul3A_217, %mul3A_2 : i32
    "tpu.region"() ({
      %run_scoped3A = tpu.sem_alloc : memref<!tpu.dma_semaphore, #tpu.memory_space<semaphore_mem>>
      %dma_start3A_219 = arith.constant 0 : i32
      %dma_start3A_220 = tpu.memref_slice %arg10[%add3A_218, %dma_start3A_219] : memref<20000x16xf32, #tpu.memory_space<hbm>> -> memref<625x16xf32, #tpu.memory_space<hbm>>
      %dma_start3A_221 = arith.constant 0 : i32
      %dma_start3A_222 = tpu.memref_slice %arg12[%mul3A_2, %dma_start3A_221] : memref<10000x16xf32, #tpu.memory_space<vmem_shared>> -> memref<625x16xf32, #tpu.memory_space<vmem_shared>>
      tpu.enqueue_dma source(%dma_start3A_222 : memref<625x16xf32, #tpu.memory_space<vmem_shared>>) target(%dma_start3A_220 : memref<625x16xf32, #tpu.memory_space<hbm>>) target_semaphore(%run_scoped3A : memref<!tpu.dma_semaphore, #tpu.memory_space<semaphore_mem>>)
      %dma_wait3A_223 = arith.constant 0 : i32
      %dma_wait3A_224 = tpu.memref_slice %arg10[%add3A_218, %dma_wait3A_223] : memref<20000x16xf32, #tpu.memory_space<hbm>> -> memref<625x16xf32, #tpu.memory_space<hbm>>
      %dma_wait3A_225 = arith.constant 0 : i32
      %dma_wait3A_226 = tpu.memref_slice %arg12[%mul3A_2, %dma_wait3A_225] : memref<10000x16xf32, #tpu.memory_space<vmem_shared>> -> memref<625x16xf32, #tpu.memory_space<vmem_shared>>
      tpu.wait_dma2 semaphore(%run_scoped3A : memref<!tpu.dma_semaphore, #tpu.memory_space<semaphore_mem>>) src(%dma_wait3A_226 : memref<625x16xf32, #tpu.memory_space<vmem_shared>>) dst(%dma_wait3A_224 : memref<625x16xf32, #tpu.memory_space<hbm>>)
      tpu.yield
    }) : () -> ()
    return
  }
}

module attributes {stable_mosaic.version = 14 : i64} {
  func.func @_prep_body(%arg0: i32, %arg1: memref<400x128xf32, #tpu.memory_space<vmem>>, %arg2: memref<128x128xf32, #tpu.memory_space<vmem>>, %arg3: memref<1x128xf32, #tpu.memory_space<vmem>>, %arg4: memref<1x128xf32, #tpu.memory_space<vmem>>, %arg5: memref<128x16xf32, #tpu.memory_space<vmem>>, %arg6: memref<400x128xf32, #tpu.memory_space<vmem>>, %arg7: memref<400x16xf32, #tpu.memory_space<vmem>>, %arg8: memref<400x16xf32, #tpu.memory_space<vmem>>) attributes {dimension_semantics = [#tpu.dimension_semantics<arbitrary>], iteration_bounds = array<i64: 25>, scalar_prefetch = 0 : i64, scratch_operands = 0 : i64, tpu.core_type = #tpu.core_type<tc>, window_params = [{transform_indices = @transform_0, window_bounds = array<i64: 400, 128>}, {pipeline_mode = #tpu.pipeline_mode<synchronous>, transform_indices = @transform_1, window_bounds = array<i64: 128, 128>}, {pipeline_mode = #tpu.pipeline_mode<synchronous>, transform_indices = @transform_2, window_bounds = array<i64: 1, 128>}, {pipeline_mode = #tpu.pipeline_mode<synchronous>, transform_indices = @transform_3, window_bounds = array<i64: 1, 128>}, {pipeline_mode = #tpu.pipeline_mode<synchronous>, transform_indices = @transform_4, window_bounds = array<i64: 128, 16>}, {transform_indices = @transform_5, window_bounds = array<i64: 400, 128>}, {transform_indices = @transform_6, window_bounds = array<i64: 400, 16>}, {transform_indices = @transform_7, window_bounds = array<i64: 400, 16>}]} {
    %get3A = arith.constant 0 : index
    %get3A_0 = arith.constant 0 : index
    %get3A_1 = vector.load %arg1[%get3A, %get3A_0] : memref<400x128xf32, #tpu.memory_space<vmem>>, vector<400x128xf32>
    %get3A_2 = arith.constant 0 : index
    %get3A_3 = arith.constant 0 : index
    %get3A_4 = vector.load %arg2[%get3A_2, %get3A_3] : memref<128x128xf32, #tpu.memory_space<vmem>>, vector<128x128xf32>
    %dot_general3A = arith.constant dense<0.000000e+00> : vector<400x128xf32>
    %dot_general3A_5 = tpu.matmul %get3A_1, %get3A_4, %dot_general3A {dimension_numbers = #tpu.dot_dimension_numbers<[1], [0], [0], [1], [0, 0, 1, 1], [], []>, transpose_lhs_hint = false} : vector<400x128xf32>, vector<128x128xf32>, vector<400x128xf32> -> vector<400x128xf32>
    %swap3A = arith.constant 0 : index
    %swap3A_6 = arith.constant 0 : index
    %swap3A_7 = vector.load %arg6[%swap3A, %swap3A_6] : memref<400x128xf32, #tpu.memory_space<vmem>>, vector<400x128xf32>
    tpu.vector_store %arg6[%swap3A, %swap3A_6], %dot_general3A_5 {strides = array<i32>} : memref<400x128xf32, #tpu.memory_space<vmem>>, vector<400x128xf32>,
    %get3A_8 = arith.constant 0 : index
    %get3A_9 = arith.constant 0 : index
    %get3A_10 = vector.load %arg3[%get3A_8, %get3A_9] : memref<1x128xf32, #tpu.memory_space<vmem>>, vector<1x128xf32>
    %mul3A = vector.broadcast %get3A_10 : vector<1x128xf32> to vector<400x128xf32>
    %mul3A_11 = arith.mulf %dot_general3A_5, %mul3A : vector<400x128xf32>
    %get3A_12 = arith.constant 0 : index
    %get3A_13 = arith.constant 0 : index
    %get3A_14 = vector.load %arg5[%get3A_12, %get3A_13] : memref<128x16xf32, #tpu.memory_space<vmem>>, vector<128x16xf32>
    %dot_general3A_15 = arith.constant dense<0.000000e+00> : vector<400x16xf32>
    %dot_general3A_16 = tpu.matmul %mul3A_11, %get3A_14, %dot_general3A_15 {dimension_numbers = #tpu.dot_dimension_numbers<[1], [0], [0], [1], [0, 0, 1, 1], [], []>, transpose_lhs_hint = false} : vector<400x128xf32>, vector<128x16xf32>, vector<400x16xf32> -> vector<400x16xf32>
    %swap3A_17 = arith.constant 0 : index
    %swap3A_18 = arith.constant 0 : index
    %swap3A_19 = vector.load %arg7[%swap3A_17, %swap3A_18] : memref<400x16xf32, #tpu.memory_space<vmem>>, vector<400x16xf32>
    tpu.vector_store %arg7[%swap3A_17, %swap3A_18], %dot_general3A_16 {strides = array<i32>} : memref<400x16xf32, #tpu.memory_space<vmem>>, vector<400x16xf32>,
    %get3A_20 = arith.constant 0 : index
    %get3A_21 = arith.constant 0 : index
    %get3A_22 = vector.load %arg4[%get3A_20, %get3A_21] : memref<1x128xf32, #tpu.memory_space<vmem>>, vector<1x128xf32>
    %mul3A_23 = vector.broadcast %get3A_22 : vector<1x128xf32> to vector<400x128xf32>
    %mul3A_24 = arith.mulf %dot_general3A_5, %mul3A_23 : vector<400x128xf32>
    %get3A_25 = arith.constant 0 : index
    %get3A_26 = arith.constant 0 : index
    %get3A_27 = vector.load %arg5[%get3A_25, %get3A_26] : memref<128x16xf32, #tpu.memory_space<vmem>>, vector<128x16xf32>
    %dot_general3A_28 = arith.constant dense<0.000000e+00> : vector<400x16xf32>
    %dot_general3A_29 = tpu.matmul %mul3A_24, %get3A_27, %dot_general3A_28 {dimension_numbers = #tpu.dot_dimension_numbers<[1], [0], [0], [1], [0, 0, 1, 1], [], []>, transpose_lhs_hint = false} : vector<400x128xf32>, vector<128x16xf32>, vector<400x16xf32> -> vector<400x16xf32>
    %swap3A_30 = arith.constant 0 : index
    %swap3A_31 = arith.constant 0 : index
    %swap3A_32 = vector.load %arg8[%swap3A_30, %swap3A_31] : memref<400x16xf32, #tpu.memory_space<vmem>>, vector<400x16xf32>
    tpu.vector_store %arg8[%swap3A_30, %swap3A_31], %dot_general3A_29 {strides = array<i32>} : memref<400x16xf32, #tpu.memory_space<vmem>>, vector<400x16xf32>,
    return
  }
  func.func @transform_0(%arg0: i32) -> (i32, i32) {
    %c0_i32 = arith.constant 0 : i32
    %c0_i32_0 = arith.constant 0 : i32
    return %arg0, %c0_i32 : i32, i32
  }
  func.func @transform_1(%arg0: i32) -> (i32, i32) {
    %c0_i32 = arith.constant 0 : i32
    %c0_i32_0 = arith.constant 0 : i32
    %c0_i32_1 = arith.constant 0 : i32
    return %c0_i32, %c0_i32_0 : i32, i32
  }
  func.func @transform_2(%arg0: i32) -> (i32, i32) {
    %c0_i32 = arith.constant 0 : i32
    %c0_i32_0 = arith.constant 0 : i32
    %c0_i32_1 = arith.constant 0 : i32
    return %c0_i32, %c0_i32_0 : i32, i32
  }
  func.func @transform_3(%arg0: i32) -> (i32, i32) {
    %c0_i32 = arith.constant 0 : i32
    %c0_i32_0 = arith.constant 0 : i32
    %c0_i32_1 = arith.constant 0 : i32
    return %c0_i32, %c0_i32_0 : i32, i32
  }
  func.func @transform_4(%arg0: i32) -> (i32, i32) {
    %c0_i32 = arith.constant 0 : i32
    %c0_i32_0 = arith.constant 0 : i32
    %c0_i32_1 = arith.constant 0 : i32
    return %c0_i32, %c0_i32_0 : i32, i32
  }
  func.func @transform_5(%arg0: i32) -> (i32, i32) {
    %c0_i32 = arith.constant 0 : i32
    %c0_i32_0 = arith.constant 0 : i32
    return %arg0, %c0_i32 : i32, i32
  }
  func.func @transform_6(%arg0: i32) -> (i32, i32) {
    %c0_i32 = arith.constant 0 : i32
    %c0_i32_0 = arith.constant 0 : i32
    return %arg0, %c0_i32 : i32, i32
  }
  func.func @transform_7(%arg0: i32) -> (i32, i32) {
    %c0_i32 = arith.constant 0 : i32
    %c0_i32_0 = arith.constant 0 : i32
    return %arg0, %c0_i32 : i32, i32
  }
}

module attributes {stable_mosaic.version = 14 : i64} {
  func.func @_combine_body(%arg0: i32, %arg1: memref<2x400x128xf32, #tpu.memory_space<vmem>>, %arg2: memref<2x400x16xf32, #tpu.memory_space<vmem>>, %arg3: memref<16x128xf32, #tpu.memory_space<vmem>>, %arg4: memref<400x128xf32, #tpu.memory_space<vmem>>) attributes {dimension_semantics = [#tpu.dimension_semantics<arbitrary>], iteration_bounds = array<i64: 25>, scalar_prefetch = 0 : i64, scratch_operands = 0 : i64, tpu.core_type = #tpu.core_type<tc>, window_params = [{transform_indices = @transform_0, window_bounds = array<i64: 2, 400, 128>}, {transform_indices = @transform_1, window_bounds = array<i64: 2, 400, 16>}, {pipeline_mode = #tpu.pipeline_mode<synchronous>, transform_indices = @transform_2, window_bounds = array<i64: 16, 128>}, {transform_indices = @transform_3, window_bounds = array<i64: 400, 128>}]} {
    %get3A = arith.constant 0 : index
    %get3A_0 = arith.constant 0 : index
    %get3A_1 = arith.constant 0 : index
    %get3A_2 = vector.load %arg1[%get3A, %get3A_0, %get3A_1] : memref<2x400x128xf32, #tpu.memory_space<vmem>>, vector<1x400x128xf32>
    %get3A_3 = vector.shape_cast %get3A_2 : vector<1x400x128xf32> to vector<400x128xf32>
    %get3A_4 = arith.constant 1 : index
    %get3A_5 = arith.constant 0 : index
    %get3A_6 = arith.constant 0 : index
    %get3A_7 = vector.load %arg1[%get3A_4, %get3A_5, %get3A_6] : memref<2x400x128xf32, #tpu.memory_space<vmem>>, vector<1x400x128xf32>
    %get3A_8 = vector.shape_cast %get3A_7 : vector<1x400x128xf32> to vector<400x128xf32>
    %add3A = arith.addf %get3A_3, %get3A_8 : vector<400x128xf32>
    %get3A_9 = arith.constant 0 : index
    %get3A_10 = arith.constant 0 : index
    %get3A_11 = arith.constant 0 : index
    %get3A_12 = vector.load %arg2[%get3A_9, %get3A_10, %get3A_11] : memref<2x400x16xf32, #tpu.memory_space<vmem>>, vector<1x400x16xf32>
    %get3A_13 = vector.shape_cast %get3A_12 : vector<1x400x16xf32> to vector<400x16xf32>
    %get3A_14 = arith.constant 1 : index
    %get3A_15 = arith.constant 0 : index
    %get3A_16 = arith.constant 0 : index
    %get3A_17 = vector.load %arg2[%get3A_14, %get3A_15, %get3A_16] : memref<2x400x16xf32, #tpu.memory_space<vmem>>, vector<1x400x16xf32>
    %get3A_18 = vector.shape_cast %get3A_17 : vector<1x400x16xf32> to vector<400x16xf32>
    %add3A_19 = arith.addf %get3A_13, %get3A_18 : vector<400x16xf32>
    %gt3A = arith.constant 0.000000e+00 : f32
    %gt3A_20 = vector.broadcast %gt3A : f32 to vector<400x16xf32>
    %gt3A_21 = arith.cmpf ogt, %add3A_19, %gt3A_20 : vector<400x16xf32>
    %div3A = arith.constant 1.000000e+00 : f32
    %div3A_22 = vector.broadcast %div3A : f32 to vector<400x16xf32>
    %div3A_23 = arith.divf %div3A_22, %add3A_19 : vector<400x16xf32>
    %jit3A = arith.constant 0.000000e+00 : f32
    %broadcast_in_dim3A = vector.broadcast %jit3A : f32 to vector<400x16xf32>
    %select_n3A = arith.select %gt3A_21, %div3A_23, %broadcast_in_dim3A : vector<400x16xi1>, vector<400x16xf32>
    %get3A_24 = arith.constant 0 : index
    %get3A_25 = arith.constant 0 : index
    %get3A_26 = vector.load %arg3[%get3A_24, %get3A_25] : memref<16x128xf32, #tpu.memory_space<vmem>>, vector<16x128xf32>
    %dot_general3A = arith.constant dense<0.000000e+00> : vector<400x128xf32>
    %dot_general3A_27 = tpu.matmul %select_n3A, %get3A_26, %dot_general3A {dimension_numbers = #tpu.dot_dimension_numbers<[1], [0], [0], [1], [0, 0, 1, 1], [], []>, transpose_lhs_hint = false} : vector<400x16xf32>, vector<16x128xf32>, vector<400x128xf32> -> vector<400x128xf32>
    %mul3A = arith.mulf %add3A, %dot_general3A_27 : vector<400x128xf32>
    %swap3A = arith.constant 0 : index
    %swap3A_28 = arith.constant 0 : index
    %swap3A_29 = vector.load %arg4[%swap3A, %swap3A_28] : memref<400x128xf32, #tpu.memory_space<vmem>>, vector<400x128xf32>
    tpu.vector_store %arg4[%swap3A, %swap3A_28], %mul3A {strides = array<i32>} : memref<400x128xf32, #tpu.memory_space<vmem>>, vector<400x128xf32>,
    return
  }
  func.func @transform_0(%arg0: i32) -> (i32, i32, i32) {
    %c0_i32 = arith.constant 0 : i32
    %c0_i32_0 = arith.constant 0 : i32
    %c0_i32_1 = arith.constant 0 : i32
    return %c0_i32, %arg0, %c0_i32_0 : i32, i32, i32
  }
  func.func @transform_1(%arg0: i32) -> (i32, i32, i32) {
    %c0_i32 = arith.constant 0 : i32
    %c0_i32_0 = arith.constant 0 : i32
    %c0_i32_1 = arith.constant 0 : i32
    return %c0_i32, %arg0, %c0_i32_0 : i32, i32, i32
  }
  func.func @transform_2(%arg0: i32) -> (i32, i32) {
    %c0_i32 = arith.constant 0 : i32
    %c0_i32_0 = arith.constant 0 : i32
    %c0_i32_1 = arith.constant 0 : i32
    return %c0_i32, %c0_i32_0 : i32, i32
  }
  func.func @transform_3(%arg0: i32) -> (i32, i32) {
    %c0_i32 = arith.constant 0 : i32
    %c0_i32_0 = arith.constant 0 : i32
    return %arg0, %c0_i32 : i32, i32
  }
}

</mosaic_0001>

<sc_bundles>
// kernel: _gat.5.cloned.1.call-start
scs
__scs_entry_jumppad:
0x0: {  	(pc) =	sbr.rel $0x88, $3  }
0x1: {  	(tag) =	ssettag $0x0;
	lr =	simm.s32 $0x1  }
0x2: {  	[smem:$0x3F99] =	sst lr;
	_ =	strace $0xD0000000  }
0x3: {  	_ = 	snop  }
0x4: {  	_ = 	snop  }
0x5: {  	_ = 	snop  }
0x6: {  	_ = 	snop  }
0x7: {  	_ = 	snop  }
__scs_overlays_trampoline_lowered:
0x8: {  	[smem:$0x3FA8] =	sst s0  }
0x9: {  	[smem:$0x3FA9] =	sst s1  }
0xa: {  	[smem:$0x3FAA] =	sst s2  }
0xb: {  	[smem:$0x3FAB] =	sst s3  }
0xc: {  	[smem:$0x3FAC] =	sst s4  }
0xd: {  	[smem:$0x3FAD] =	sst s5  }
0xe: {  	[smem:$0x3FAE] =	sst s6  }
0xf: {  	[smem:$0x3FAF] =	sst s7  }
0x10: {  	[smem:$0x3FB0] =	sst s8  }
0x11: {  	[smem:$0x3FB1] =	sst s9;
	s0 =	simm.s32 @!p0 $0x0  }
0x12: {  	s1 =	sld [smem:$0x3F97];
	s0 =	simm.s32 @p0 $0x1  }
0x13: {  	[smem:$0x3FB2] =	sst s0;
	s0 =	simm.s32 @!p1 $0x0  }
0x14: {  	s2 =	sld [smem:$0x3F96];
	s0 =	simm.s32 @p1 $0x1  }
0x15: {  	[smem:$0x3FB3] =	sst s0;
	s0 =	simm.s32 @!p2 $0x0  }
0x16: {  	s3 =	sld [smem:$0x3FDB];
	s0 =	simm.s32 @p2 $0x1  }
0x17: {  	s4 =	simm.s32 $0x1BF5;
	[smem:$0x3FB5] =	sst s0  }
0x18: {  	s0 =	sld [smem:$0x3F98];
	_ =	swait.ge [sflag:s4], $0x0  }
0x19: {  	s7 =	sld [smem:$0x3F99]  }
0x1a: {  	s8 =	sadd.s32 $0xFFFFE003, lr  }
0x1b: {  	s9 =	sadd.s32 $0xFFFFFEF7, lr;
	s5 =	simm.s32 $0xFFFFFFFF;
	p2 =	slt.u32 s8, $0xFFFFF086  }
0x1c: {  	p1 =	slt.u32 s9, $0xF7A;
	s5 =	simm.s32 @!p2 $0x0  }
0x1d: {  	s5 =	simm.s32 @p1 $0x1;
	p0 =	seq.s32 s7, s2  }
0x1e: {  	s7 =	smul.u32 @!p0 $0xF7A, s2;
	p2 =	seq.s32 @!p0 s5, $0x0  }
0x1f: {  	s9 =	smul.u32 $0xF7A, s1;
	s8 =	simm.s32 @!p0 $0x1BF5;
	p2 =	por !p2, p0  }
0x20: {  	[sflag:s8] =	ssyncset.s32 @!p0 $0xFFFFF086;
	s6 =	sadd.s32 @!p0 s3, s7;
	s7 =	simm.s32 @!p0 $0x108  }
0x21: {  	s3 =	sadd.s32 s3, s9;
	s6 =	sadd.s32 @!p0 $0x88, s6;
	s7 =	simm.s32 @p2 $0x1082  }
0x22: {  	[simem:s7], [sflag:s8] =	dma.local @!p0 [hbm:s6], $0xF7A  }
0x23: {  	s9 =	sor.u32 $0xD0000000, s2;
	s6 =	simm.s32 $0x108;
	_ =	swait.ge @!p0 [sflag:s8], $0x0  }
0x24: {  	s3 =	sadd.s32 $0x88, s3;
	s6 =	simm.s32 @!p1 $0x1082;
	[sflag:s4] =	ssyncset.s32 $0xFFFFF086  }
0x25: {  	[simem:s6], [sflag:s4] =	dma.local [hbm:s3], $0xF7A  }
0x26: {  	[smem:$0x3F99] =	sst s1;
	(tag) =	ssettag s2;
	_ =	strace s9  }
0x27: {  	s1 =	sld [smem:$0x3FA9]  }
0x28: {  	s2 =	sld [smem:$0x3FAA]  }
0x29: {  	s4 =	sld [smem:$0x3FAC]  }
0x2a: {  	p0 =	seq.s32 s5, $0x0;
	s5 =	sld [smem:$0x3FAD]  }
0x2b: {  	s6 =	sld [smem:$0x3FAE]  }
0x2c: {  	s7 =	sld [smem:$0x3FAF]  }
0x2d: {  	s3 =	simm.s32 $0x108;
	s8 =	sld [smem:$0x3FB0]  }
0x2e: {  	s3 =	simm.s32 @!p0 $0x1082;
	s9 =	sld [smem:$0x3FB1]  }
0x2f: {  	lr =	sadd.s32 s0, s3;
	s0 =	sld [smem:$0x3FA8]  }
0x30: {  	s3 =	sld [smem:$0x3FAB]  }
0x31: {  	[smem:$0x3FB4] =	sst s10  }
0x32: {  	s10 =	sld [smem:$0x3FB2];
	_ =	sdelay $0x3  }
0x33: {  	p0 =	seq.s32 s10, $0x1;
	s10 =	sld [smem:$0x3FB4];
	_ =	sdelay $0x3  }
0x34: {  	[smem:$0x3FB4] =	sst s10  }
0x35: {  	s10 =	sld [smem:$0x3FB3];
	_ =	sdelay $0x3  }
0x36: {  	p1 =	seq.s32 s10, $0x1;
	s10 =	sld [smem:$0x3FB4];
	_ =	sdelay $0x3  }
0x37: {  	[smem:$0x3FB4] =	sst s10  }
0x38: {  	s10 =	sld [smem:$0x3FB5]  }
0x39: {  	_ = 	snop;
	(pc) =	sbr.ind lr, $3  }
0x3a: {  	_ = 	snop  }
0x3b: {  	_ = 	snop  }
0x3c: {  	p2 =	seq.s32 s10, $0x1;
	s10 =	sld [smem:$0x3FB4]  }
0x3d: {  	_ =	shalt  }
0x3e: {  	_ =	shalt  }
0x3f: {  	_ =	shalt  }
0x40: {  	_ =	shalt  }
0x41: {  	_ =	shalt  }
0x42: {  	_ =	shalt  }
0x43: {  	_ =	shalt  }
0x44: {  	_ =	shalt  }
0x45: {  	_ =	shalt  }
0x46: {  	_ =	shalt  }
0x47: {  	_ =	shalt  }
0x48: {  	_ =	shalt  }
0x49: {  	_ =	shalt  }
0x4a: {  	_ =	shalt  }
0x4b: {  	_ =	shalt  }
0x4c: {  	_ =	shalt  }
0x4d: {  	_ =	shalt  }
0x4e: {  	_ =	shalt  }
0x4f: {  	_ =	shalt  }
0x50: {  	_ =	shalt  }
0x51: {  	_ =	shalt  }
0x52: {  	_ =	shalt  }
0x53: {  	_ =	shalt  }
0x54: {  	_ =	shalt  }
0x55: {  	_ =	shalt  }
0x56: {  	_ =	shalt  }
0x57: {  	_ =	shalt  }
0x58: {  	_ =	shalt  }
0x59: {  	_ =	shalt  }
0x5a: {  	_ =	shalt  }
0x5b: {  	_ =	shalt  }
0x5c: {  	_ =	shalt  }
0x5d: {  	_ =	shalt  }
0x5e: {  	_ =	shalt  }
0x5f: {  	_ =	shalt  }
0x60: {  	_ =	shalt  }
0x61: {  	_ =	shalt  }
0x62: {  	_ =	shalt  }
0x63: {  	_ =	shalt  }
0x64: {  	_ =	shalt  }
0x65: {  	_ =	shalt  }
0x66: {  	_ =	shalt  }
0x67: {  	_ =	shalt  }
0x68: {  	_ =	shalt  }
0x69: {  	_ =	shalt  }
0x6a: {  	_ =	shalt  }
0x6b: {  	_ =	shalt  }
0x6c: {  	_ =	shalt  }
0x6d: {  	_ =	shalt  }
0x6e: {  	_ =	shalt  }
0x6f: {  	_ =	shalt  }
0x70: {  	_ =	shalt  }
0x71: {  	_ =	shalt  }
0x72: {  	_ =	shalt  }
0x73: {  	_ =	shalt  }
0x74: {  	_ =	shalt  }
0x75: {  	_ =	shalt  }
0x76: {  	_ =	shalt  }
0x77: {  	_ =	shalt  }
0x78: {  	_ =	shalt  }
0x79: {  	_ =	shalt  }
0x7a: {  	_ =	shalt  }
0x7b: {  	_ =	shalt  }
0x7c: {  	_ =	shalt  }
0x7d: {  	_ =	shalt  }
0x7e: {  	_ =	shalt  }
0x7f: {  	_ =	shalt  }
0x80: {  	_ =	shalt  }
0x81: {  	_ =	shalt  }
0x82: {  	_ =	shalt  }
0x83: {  	_ =	shalt  }
0x84: {  	_ =	shalt  }
0x85: {  	_ =	shalt  }
0x86: {  	_ =	shalt  }
0x87: {  	_ =	shalt  }
.Lfunc_end0:
.L_simem_size_0:
called_computation_lowered:
.L_overlay_start_0:
0x88: {  	s2 =	sld [smem:$0x3FD9]  }
0x89: {  	s3 =	sld [smem:$0x3FFE];
	_ =	sdelay $0x1  }
0x8a: {  	s1 =	srdreg.scid  }
0x8b: {  	s0 =	sand.u32 $0x1, s1  }
0x8c: {  	s17 =	sshll.u32 s0, $0xA;
	s2 =	sadd.s32 s3, s2  }
0x8d: {  	s2 =	sadd.s32 s2, s17  }
0x8e: {  	[smem:$0x3FC0] =	sst s2  }
0x8f: {  	_ = 	snop  }
0x90: {  	s2 =	sld [smem:$0x3FC3]  }
0x91: {  	s18 =	sld [smem:$0x3FD0];
	(tm) =	ssettm $0x1  }
0x92: {  	s4 =	sld [smem:$0x3FFB];
	_ =	sdelay $0x3  }
0x93: {  	_ =	strace s4  }
0x94: {  	s4 =	sld [smem:$0x3FFC];
	_ =	sdelay $0x3  }
0x95: {  	_ =	strace s4  }
0x96: {  	s4 =	sld [smem:$0x3FFD];
	_ =	sdelay $0x3  }
0x97: {  	_ =	strace s4  }
0x98: {  	_ =	strace $0x8FFFFFFF  }
0x99: {  	s19 =	sld [smem:$0x3FDB];
	_ =	sdelay $0x1  }
0x9a: {  	s5 =	simm.s32 $_scs_section_size  }
0x9b: {  	s6 =	simm.s32 $_size__tile_overlayer_lowered;
	s7 =	simm.s32 $_tile_overlayer_lowered  }
0x9c: {  	s22 =	simm.s32 $0x1BFF;
	s21 =	sshll.u32 s7, $0x1;
	s4 =	sadd.s32 s5, s19  }
0x9d: {  	s8 =	simm.s32 $0x0;
	s20 =	sshll.u32 s6, $0x1;
	s6 =	sadd.s32 s21, s4  }
0x9e: {  	[timem:s8], [sflag:s22] =	dma.local [hbm:s6], s20  }
0x9f: {  	_ =	swait.ge [sflag:s22], s20  }
0xa0: {  	s5 =	ssub.s32 $0x0, s20;
	[sflag:s22] =	ssyncset.done $0x0  }
0xa1: {  	[sflag:s22] =	ssyncadd.s32 s5;
	_ =	sdelay $0x1  }
0xa2: {  	s23 =	simm.s32 $0x1B8B  }
0xa3: {  	_ =	swait.ge [sflag:s23], $0x1  }
0xa4: {  	[sflag:s23] =	ssyncset.done $0x0  }
0xa5: {  	s25 =	simm.s32 $0x1B8E;
	s24 =	sld [smem:$0x3FFE];
	[sflag:s23] =	ssyncadd.s32 $0xFFFFFFFF  }
0xa6: {  	s26 =	simm.s32 $execute0_lowered;
	[smem:$0x3FD2] =	sst s25  }
0xa7: {  	s6 =	sshll.u32 s26, $0x1;
	_ =	strace $0x80000046;
	[dreg:$0x1] =	wrdreg $0xFFFFFFFF  }
0xa8: {  	s28 =	simm.s32 $_size_execute0_lowered;
	s4 =	sadd.s32 s4, s6;
	[dreg:$0x0] =	wrdreg $0x0  }
0xa9: {  	s6 =	sshll.u32 s28, $0x1;
	[dreg:$0x2] =	wrdreg s4  }
0xaa: {  	[dreg:$0x3] =	wrdreg s6  }
0xab: {  	[dreg:$0x4] =	wrdreg $0xC0  }
0xac: {  	_ =	task [dreg:s8], $0x5FFFF  }
0xad: {  	[dreg:$0x1] =	wrdreg $0xFFFFFFFF  }
0xae: {  	[dreg:$0x0] =	wrdreg $0x60  }
0xaf: {  	[dreg:$0x2] =	wrdreg s18  }
0xb0: {  	[dreg:$0x3] =	wrdreg s24  }
0xb1: {  	[dreg:$0x4] =	wrdreg s2  }
0xb2: {  	[dreg:$0x5] =	wrdreg $0x0  }
0xb3: {  	[dreg:$0x6] =	wrdreg $0x138800  }
0xb4: {  	[dreg:$0x7] =	wrdreg $0x9  }
0xb5: {  	_ =	task.clear_ibuf [dreg:s8], $0x8FFFF;
	_ =	strace $0x90000046  }
0xb6: {  	s29 =	simm.s32 $0x9;
	_ =	strace $0x80000048  }
0xb7: {  	_ =	swait.ge [sflag:s29], $0x1  }
0xb8: {  	[sflag:s29] =	ssyncadd.s32 $0xFFFFFFFF  }
0xb9: {  	_ =	strace $0x90000048  }
0xba: {  	_ =	sfence  }
0xbb: {  	s30 =	sld [smem:$0x0];
	_ =	sdelay $0x2  }
0xbc: {  	s31 =	sshll.u32 s1, $0xD;
	s1 =	sshrl.u32 s1, $0x2  }
0xbd: {  	s3 =	sand.u32 $0x4000, s31;
	s1 =	sadd.s32 s1, s30  }
0xbe: {  	s0 =	sor.u32 s3, s0;
	s1 =	sshll.u32 s1, $0x11  }
0xbf: {  	s0 =	sor.u32 s1, s0  }
0xc0: {  	s0 =	sadd.s32 $0x8F2B, s0  }
0xc1: {  	[sflag:s0] =	ssyncadd.remote.s32 $0x1  }
0xc2: {  	_ =	sfence.sel $0xFFFF  }
0xc3: {  	[dreg:$0x0] =	wrdreg $0xFFFFFFFF;
	(pc) =	sbr.abs _section_cstart, $3  }
0xc4: {  	[dreg:$0x1] =	wrdreg $0xFFFFFFFF  }
0xc5: {  	_ =	task.clear_ibuf [dreg:s8], $0x2FFFF;
	_ =	strace $0x9FFFFFFF  }
0xc6: {  	(tm) =	ssettm $0x7FFFFFFF  }
0xc7: {  	_ =	shalt  }
tec
execute0_lowered:
.L_overlay_start_1:
0x0: {  	(tag) =	ssettag $0x1  }
0x1: {  	s1 =	rddreg [dreg:$0x0]  }
0x2: {  	s0 =	rddreg [dreg:$0x1]  }
0x3: {  	s2 =	srdreg.scid;
	s5 =	rddreg [dreg:$0x2]  }
0x4: {  	s15 =	stileid.u32;
	s3 =	rddreg [dreg:$0x3]  }
0x5: {  	s19 =	simm.s32 $0x0;
	s17 =	simm.s32 $0x7;
	s28 =	simm.s32 $0x1EC30  }
0x6: {  	s31 =	simm.s32 $0x1D5B0;
	s29 =	simm.s32 $0x1;
	s30 =	simm.s32 $0x4  }
0x7: {  	s2 =	sand.u32 $0x1, s2;
	s4 =	sshll.u32 s15, $0x1;
	s10 =	smul.u32 $0x2710, s15  }
0x8: {  	[smem:$0x7FF] =	sst s19;
	s9 =	smul.u32 $0x271, s15;
	s7 =	sadd.s32 $0x20000, s0  }
0x9: {  	s13 =	smul.u32 $0x13880, s15;
	s21 =	sshll.u32 s15, $0x6;
	s6 =	sor.u32 s2, s4  }
0xa: {  	s4 =	rddreg [dreg:$0x4];
	_ =	strace $0x80000047;
	s11 =	smul.u32 $0x2710, s2  }
0xb: {  	s2 =	ssub.s32 $0x2, s2;
	s8 =	smul.u32 $0x4E2, s6;
	s6 =	sadd.s32 $0x1B000, s0  }
0xc: {  	s12 =	sshrl.u32 s10, $0x3;
	s14 =	sshrl.u32 s2, $0x1;
	s20 =	sshrl.u32 s13, $0x3  }
0xd: {  	s13 =	sadd.s32 s13, s3;
	s22 =	sadd.s32 s10, s4;
	s10 =	simm.s32 $0x0  }
0xe: {  	s12 =	sadd.s32 s12, s0;
	s9 =	sadd.s32 s9, s11;
	s2 =	ssub.s32 s2, s14  }
0xf: {  	s5 =	sadd.s32 s5, s20;
	s20 =	simm.s32 $0x2;
	s8 =	sadd.s32 s8, s0  }
0x10: {  	s11 =	sshll.u32 s9, $0x4;
	s9 =	sshll.u32 s9, $0x1;
	[dreg:$0x6] =	wrdreg s5  }
0x11: {  	s23 =	sadd.s32 $0x16000, s12;
	s26 =	smax.u32 s2, $0x1;
	s12 =	sshrl.u32 s22, $0x3  }
0x12: {  	s22 =	simm.s32 $0x1ADB0;
	s2 =	simm.s32 $0x1EEB0;
	[dreg:$0x7] =	wrdreg s23  }
0x13: {  	s5 =	simm.s32 $0x3;
	s11 =	sadd.s32 s11, s0;
	[dreg:$0xc] =	wrdreg s26  }
0x14: {  	s0 =	sadd.s32 s9, s0;
	s24 =	sadd.s32 $0x2400, s8;
	[dreg:$0xe] =	wrdreg s12  }
0x15: {  	s9 =	sor.u32 $0x1C07, s21;
	s8 =	sadd.s32 $0xC200, s8;
	[dreg:$0x8] =	wrdreg s24  }
0x16: {  	s21 =	simm.s32 $0x28;
	[dreg:$0x9] =	wrdreg s8;
	s25 =	sadd.s32 $0x2EE00, s11  }
0x17: {  	s23 =	simm.s32 $0x1E9B0;
	s0 =	sadd.s32 $0x25000, s0;
	[dreg:$0xa] =	wrdreg s25  }
0x18: {  	s26 =	simm.s32 $0x1C1B0;
	s11 =	sshrl.u32 s13, $0x3;
	[dreg:$0xb] =	wrdreg s0  }
0x19: {  	s24 =	simm.s32 $0x1F130;
	s0 =	simm.s32 $0x1F630;
	[dreg:$0xd] =	wrdreg s11  }
.LBB2_1:
0x1a: {  	s8 =	rddreg [dreg:$0x6]  }
0x1b: {  	[spmem:s11], [sflag:s9] =	dma.local [hbm:s8], $0x2710  }
0x1c: {  	_ =	swait.ge [sflag:s17], $0x2710  }
0x1d: {  	[sflag:s17] =	ssyncset.done $0x0  }
0x1e: {  	s11 =	rddreg [dreg:$0x7];
	[sflag:s17] =	ssyncadd.s32 $0xFFFFD8F0  }
0x1f: {  	[spmem:s12], [sflag:s9] =	dma.local [hbm:s11], $0x4E2  }
0x20: {  	_ =	swait.ge [sflag:s17], $0x4E2  }
0x21: {  	s15 =	simm.s32 $0x15F90;
	[sflag:s17] =	ssyncset.done $0x0  }
0x22: {  	s12 =	simm.s32 $0x0;
	s14 =	rddreg [dreg:$0x8];
	[sflag:s17] =	ssyncadd.s32 $0xFFFFFB1E  }
0x23: {  	[tilespmem:s15], [sflag:$0x7] =	stream.linear.gather [hbm4b:s14+s12], $0x2710, $0x38;
	[tilespmem:$0x1F8B0] =	vst v63  }
0x24: {  	_ =	swait.ge [sflag:s17], $0x2710  }
0x25: {  	[sflag:s17] =	ssyncset.done $0x0  }
0x26: {  	s13 =	simm.s32 $0x186A0;
	s16 =	rddreg [dreg:$0x9];
	[sflag:s17] =	ssyncadd.s32 $0xFFFFD8F0  }
0x27: {  	[tilespmem:s13], [sflag:$0x7] =	stream.linear.gather [hbm4b:s16+s12], $0x2710, $0x38;
	[tilespmem:$0x1F8B0] =	vst v63  }
0x28: {  	_ =	swait.ge [sflag:s17], $0x2710  }
0x29: {  	[sflag:s17] =	ssyncset.done $0x0  }
0x2a: {  	[sflag:s17] =	ssyncadd.s32 $0xFFFFD8F0  }
0x2b: {  	[bflag:$0x0] =	sbarrier.arrive $0xFFFF  }
0x2c: {  	[tilespmem:s22], [sflag:$0x1] =	stream.indirect.gather [hbm4b:s1+s21], $0x80, s15, s21, $0xb8;
	[tilespmem:$0x1F8B0] =	vst v63  }
0x2d: {  	_ = 	snop  }
0x2e: {  	[tilespmem:s23], [sflag:$0x1] =	stream.indirect.gather [hbm4b:s6+s21], $0x10, s15, s21, $0xb8;
	[tilespmem:$0x1F8B0] =	vst v63  }
0x2f: {  	_ = 	snop  }
0x30: {  	[tilespmem:s24], [sflag:$0x1] =	stream.indirect.gather [hbm4b:s7+s21], $0x10, s13, s21, $0xb8;
	[tilespmem:$0x1F8B0] =	vst v63  }
0x31: {  	s18 =	simm.s32 $0x15FB8  }
0x32: {  	[tilespmem:s26], [sflag:$0x2] =	stream.indirect.gather [hbm4b:s1+s21], $0x80, s18, s21, $0xb8;
	[tilespmem:$0x1F8B0] =	vst v63  }
0x33: {  	_ = 	snop  }
0x34: {  	[tilespmem:s28], [sflag:$0x2] =	stream.indirect.gather [hbm4b:s6+s21], $0x10, s18, s21, $0xb8;
	[tilespmem:$0x1F8B0] =	vst v63  }
0x35: {  	s19 =	simm.s32 $0x186C8;
	s25 =	simm.s32 $0x1F3B0;
	s11 =	simm.s32 $0x0  }
0x36: {  	[tilespmem:s25], [sflag:$0x2] =	stream.indirect.gather [hbm4b:s7+s21], $0x10, s19, s21, $0xb8;
	[tilespmem:$0x1F8B0] =	vst v63  }
.LBB2_2:
0x37: {  	p0 =	seq.s32 s11, $0x0  }
0x38: {  	s8 =	simm.s32 @!p0 $0x6  }
0x39: {  	s12 =	smul.u32 $0x3, s11;
	_ =	swait.ge @!p0 [sflag:s8], $0x1400  }
0x3a: {  	[sflag:s8] =	ssyncset.done @!p0 $0x0  }
0x3b: {  	s12 =	sadd.s32 $0x2, s12;
	[sflag:s8] =	ssyncadd.s32 @!p0 $0xFFFFEC00  }
0x3c: {  	s13 =	smul.u32 $0x28, s12;
	_ =	swait.ge @!p0 [sflag:s8], $0x280  }
0x3d: {  	[sflag:s8] =	ssyncset.done @!p0 $0x0  }
0x3e: {  	s16 =	sadd.s32 $0x15F90, s13;
	[sflag:s8] =	ssyncadd.s32 @!p0 $0xFFFFFD80  }
0x3f: {  	[tilespmem:s31], [sflag:$0x3] =	stream.indirect.gather [hbm4b:s1+s21], $0x80, s16, s21, $0xb8;
	[tilespmem:$0x1F8B0] =	vst v63  }
0x40: {  	_ = 	snop  }
0x41: {  	[tilespmem:s2], [sflag:$0x3] =	stream.indirect.gather [hbm4b:s6+s21], $0x10, s16, s21, $0xb8;
	[tilespmem:$0x1F8B0] =	vst v63  }
0x42: {  	s18 =	sadd.s32 $0x186A0, s13  }
0x43: {  	[tilespmem:s0], [sflag:$0x3] =	stream.indirect.gather [hbm4b:s7+s21], $0x10, s18, s21, $0xb8;
	[tilespmem:$0x1F8B0] =	vst v63  }
0x44: {  	_ =	swait.ge [sflag:s29], $0x1400  }
0x45: {  	[sflag:s29] =	ssyncset.done $0x0  }
0x46: {  	[sflag:s29] =	ssyncadd.s32 $0xFFFFEC00  }
0x47: {  	_ =	swait.ge [sflag:s29], $0x280  }
0x48: {  	[sflag:s29] =	ssyncset.done $0x0  }
0x49: {  	[sflag:s29] =	ssyncadd.s32 $0xFFFFFD80  }
0x4a: {  	_ =	swait.ge [sflag:s29], $0x280  }
0x4b: {  	[sflag:s29] =	ssyncset.done $0x0  }
0x4c: {  	s15 =	simm.s32 $0x1E9D0;
	[sflag:s29] =	ssyncadd.s32 $0xFFFFFD80  }
0x4d: {  	s19 =	simm.s32 $0x1F150;
	v0 =	vld [tilespmem:s15+$0x10]  }
0x4e: {  	v1 =	vld [tilespmem:s19+$0x10];
	_ =	sdelay $0x2  }
0x4f: {  	v3 =	vld [tilespmem:s15+$0xFFFFFFF0]  }
0x50: {  	v4 =	vld [tilespmem:s19+$0xFFFFFFF0]  }
0x51: {  	v5 =	vld [tilespmem:s15+$0x0];
	v0 =	vadd.f32 v1, v0  }
0x52: {  	v6 =	vld [tilespmem:s19+$0x0]  }
0x53: {  	v7 =	vmul.f32 $2.000000030e-01, v0  }
0x54: {  	v2 =	vld [tilespmem:s19+$0xFFFFFFE0];
	vm0 =	vge.f32 v0, $0.0e+00  }
0x55: {  	v1 =	vld [tilespmem:s15+$0xFFFFFFE0];
	v3 =	vadd.f32 v4, v3;
	v0 =	vsel vm0, v0, v7  }
0x56: {  	v0 =	vmul.f32 $1.442695020e+00, v0  }
0x57: {  	v4 =	vadd.f32 v6, v5;
	v5 =	vmul.f32 $2.000000030e-01, v3  }
0x58: {  	vm11 =	vge.f32 v3, $0.0e+00;
	(erf) = vpow2.f32 v0  }
0x59: {  	v3 =	vsel vm11, v3, v5  }
0x5a: {  	v1 =	vadd.f32 v2, v1;
	v3 =	vmul.f32 $1.442695020e+00, v3  }
0x5b: {  	v2 =	vmul.f32 $2.000000030e-01, v4  }
0x5c: {  	vm1 =	vge.f32 v4, $0.0e+00;
	v0 =	vmul.f32 $2.000000030e-01, v1;
	(erf) = vpow2.f32 v3  }
0x5d: {  	vm12 =	vge.f32 v1, $0.0e+00;
	v2 =	vsel vm1, v4, v2  }
0x5e: {  	v0 =	vsel vm12, v1, v0;
	v1 =	vmul.f32 $1.442695020e+00, v2  }
0x5f: {  	s25 =	simm.s32 $0x1EA10  }
0x60: {  	s14 =	simm.s32 $0x1F190;
	v41 =	vld [tilespmem:s25+$0x10];
	v0 =	vmul.f32 $1.442695020e+00, v0;
	(erf) = vpow2.f32 v1  }
0x61: {  	v44 =	vld [tilespmem:s14+$0x10];
	v4 =	vpop (erf)  }
0x62: {  	v47 =	vld [tilespmem:s14+$0xFFFFFFE0];
	(erf) = vpow2.f32 v0;
	v11 =	vbroadcast v4, $0x0  }
0x63: {  	v50 =	vld [tilespmem:s25+$0xFFFFFFF0];
	v14 =	vbroadcast v4, $0x1;
	v15 =	vbroadcast v4, $0x2  }
0x64: {  	s13 =	simm.s32 $0x1AEB0;
	v52 =	vld [tilespmem:s14+$0xFFFFFFF0];
	[tilespmem:s15+$0x10] =	vst v4;
	v1 =	vbroadcast v4, $0x3;
	v0 =	vbroadcast v4, $0x4  }
0x65: {  	v8 =	vpop (erf);
	v3 =	vbroadcast v4, $0x5;
	v2 =	vbroadcast v4, $0x6;
	v5 =	vld [tilespmem:s13+$0xF0]  }
0x66: {  	v4 =	vbroadcast v4, $0x7;
	v6 =	vld [tilespmem:s13+$0x80];
	v19 =	vbroadcast v8, $0x0  }
0x67: {  	v7 =	vld [tilespmem:s13+$0x90];
	v21 =	vbroadcast v8, $0x1;
	v22 =	vbroadcast v8, $0x2  }
0x68: {  	[tilespmem:s15+$0xFFFFFFF0] =	vst v8;
	v9 =	vld [tilespmem:s13+$0xA0];
	v35 =	vbroadcast v8, $0x3;
	v37 =	vbroadcast v8, $0x4  }
0x69: {  	v38 =	vbroadcast v8, $0x5;
	v40 =	vbroadcast v8, $0x6;
	v12 =	vld [tilespmem:s13+$0xFFFFFF80];
	v10 =	vpop (erf)  }
0x6a: {  	v8 =	vbroadcast v8, $0x7;
	v16 =	vld [tilespmem:s13+$0xFFFFFF90];
	v42 =	vbroadcast v10, $0x0  }
0x6b: {  	v36 =	vld [tilespmem:s13+$0xFFFFFFA0];
	v13 =	vpop (erf);
	v43 =	vbroadcast v10, $0x1;
	v45 =	vbroadcast v10, $0x2  }
0x6c: {  	v39 =	vld [tilespmem:s13+$0xFFFFFFB0];
	v46 =	vbroadcast v10, $0x3;
	v48 =	vbroadcast v10, $0x4;
	[tilespmem:s15+$0xFFFFFFE0] =	vst v13  }
0x6d: {  	v49 =	vbroadcast v10, $0x5;
	v51 =	vbroadcast v10, $0x6;
	v17 =	vld [tilespmem:s13+$0xFFFFFF00]  }
0x6e: {  	v24 =	vbroadcast v13, $0x0;
	v26 =	vbroadcast v13, $0x1;
	v18 =	vld [tilespmem:s13+$0xFFFFFF10]  }
0x6f: {  	v27 =	vbroadcast v13, $0x2;
	v29 =	vbroadcast v13, $0x3;
	v20 =	vld [tilespmem:s13+$0xFFFFFF20]  }
0x70: {  	v30 =	vbroadcast v13, $0x4;
	v32 =	vbroadcast v13, $0x5;
	v23 =	vld [tilespmem:s13+$0xFFFFFF30]  }
0x71: {  	v33 =	vbroadcast v13, $0x6;
	v13 =	vbroadcast v13, $0x7;
	v34 =	vld [tilespmem:s13+$0xFFFFFF70]  }
0x72: {  	v5 =	vmul.f32 v5, v4;
	v28 =	vld [tilespmem:s13+$0xFFFFFF50];
	v4 =	vbroadcast v10, $0x7  }
0x73: {  	v25 =	vld [tilespmem:s13+$0xFFFFFF40];
	v7 =	vmul.f32 v14, v7;
	v9 =	vmul.f32 v15, v9  }
0x74: {  	v31 =	vld [tilespmem:s13+$0xFFFFFF60];
	v12 =	vmul.f32 v19, v12;
	[tilespmem:s13+$0xF0] =	vst v5;
	v5 =	vmul.f32 v11, v6  }
0x75: {  	v15 =	vld [tilespmem:s13+$0xFFFFFFF0];
	v17 =	vmul.f32 v24, v17;
	v18 =	vmul.f32 v26, v18  }
0x76: {  	[tilespmem:s15+$0x0] =	vst v10;
	v19 =	vadd.f32 v44, v41;
	v24 =	vld [tilespmem:s25+$0x0];
	v10 =	vmul.f32 v34, v13;
	v13 =	vmul.f32 v21, v16  }
0x77: {  	[tilespmem:s13+$0xFFFFFF80] =	vst v12;
	v20 =	vmul.f32 v27, v20;
	v26 =	vld [tilespmem:s14+$0x0];
	v27 =	vmul.f32 v28, v32  }
0x78: {  	v28 =	vld [tilespmem:s25+$0xFFFFFFE0];
	v21 =	vmul.f32 v22, v36;
	v22 =	vmul.f32 $2.000000030e-01, v19;
	[tilespmem:s13+$0xFFFFFF90] =	vst v13  }
0x79: {  	v6 =	vld [tilespmem:s13+$0xFFFFFFE0];
	v11 =	vadd.f32 v52, v50;
	v12 =	vmul.f32 v39, v35;
	vm13 =	vge.f32 v19, $0.0e+00;
	[tilespmem:s13+$0xFFFFFF00] =	vst v17  }
0x7a: {  	v23 =	vmul.f32 v23, v29;
	v25 =	vmul.f32 v25, v30;
	v30 =	vld [tilespmem:s13+$0xFFFFFFC0];
	v14 =	vsel vm13, v19, v22;
	[tilespmem:s13+$0xFFFFFF10] =	vst v18  }
0x7b: {  	vm14 =	vge.f32 v11, $0.0e+00;
	v16 =	vld [tilespmem:s13+$0xFFFFFFD0];
	v17 =	vmul.f32 $2.000000030e-01, v11;
	[tilespmem:s13+$0xFFFFFF20] =	vst v20;
	v14 =	vmul.f32 $1.442695020e+00, v14  }
0x7c: {  	v29 =	vmul.f32 v31, v33;
	v19 =	vld [tilespmem:s13+$0x0];
	[tilespmem:s13+$0xFFFFFF50] =	vst v27;
	v27 =	vmul.f32 v15, v8;
	v13 =	vadd.f32 v26, v24  }
0x7d: {  	[tilespmem:s13+$0xFFFFFF30] =	vst v23;
	v23 =	vld [tilespmem:s13+$0x30];
	v11 =	vsel vm14, v11, v17;
	v18 =	vadd.f32 v47, v28;
	(erf) = vpow2.f32 v14  }
0x7e: {  	[tilespmem:s13+$0xFFFFFF40] =	vst v25;
	v25 =	vld [tilespmem:s13+$0x60];
	v11 =	vmul.f32 $1.442695020e+00, v11;
	v20 =	vmul.f32 $2.000000030e-01, v13  }
0x7f: {  	v17 =	vld [tilespmem:s13+$0x20];
	v24 =	vmul.f32 v6, v40;
	vm15 =	vge.f32 v13, $0.0e+00;
	v22 =	vmul.f32 $2.000000030e-01, v18  }
0x80: {  	[tilespmem:s13+$0x90] =	vst v7;
	v14 =	vld [tilespmem:s13+$0x10];
	vm2 =	vge.f32 v18, $0.0e+00;
	(erf) = vpow2.f32 v11;
	v13 =	vsel vm15, v13, v20  }
0x81: {  	[tilespmem:s13+$0xA0] =	vst v9;
	v11 =	vld [tilespmem:s13+$0x50];
	v28 =	vmul.f32 v42, v19;
	v18 =	vsel vm2, v18, v22;
	v13 =	vmul.f32 $1.442695020e+00, v13  }
0x82: {  	[tilespmem:s13+$0x80] =	vst v5;
	v22 =	vmul.f32 v16, v38;
	v16 =	vld [tilespmem:s13+$0x40];
	v5 =	vmul.f32 $1.442695020e+00, v18  }
0x83: {  	v7 =	vld [tilespmem:s13+$0xD0];
	[tilespmem:s13+$0xFFFFFFB0] =	vst v12;
	v23 =	vmul.f32 v23, v46;
	(erf) = vpow2.f32 v13  }
0x84: {  	[tilespmem:s13+$0xFFFFFF60] =	vst v29;
	v8 =	vld [tilespmem:s13+$0xE0];
	v55 =	vmul.f32 v25, v51;
	(erf) = vpow2.f32 v5  }
0x85: {  	[tilespmem:s13+$0xFFFFFF70] =	vst v10;
	v6 =	vld [tilespmem:s13+$0xB0];
	v20 =	vmul.f32 v30, v37;
	v17 =	vmul.f32 v45, v17  }
0x86: {  	[tilespmem:s13+$0xFFFFFFA0] =	vst v21;
	v29 =	vmul.f32 v43, v14;
	v13 =	vld [tilespmem:s13+$0x70];
	v63 =	vmul.f32 v11, v49;
	v21 =	vpop (erf)  }
0x87: {  	s15 =	simm.s32 $0x1B0B0;
	v5 =	vld [tilespmem:s13+$0xC0];
	v62 =	vmul.f32 v16, v48;
	[tilespmem:s25+$0x10] =	vst v21;
	v16 =	vbroadcast v21, $0x0  }
0x88: {  	[tilespmem:s13+$0xFFFFFFF0] =	vst v27;
	v15 =	vbroadcast v21, $0x1;
	v14 =	vbroadcast v21, $0x2;
	v30 =	vld [tilespmem:s15+$0xF0]  }
0x89: {  	[tilespmem:s13+$0x0] =	vst v28;
	v11 =	vbroadcast v21, $0x3;
	v12 =	vbroadcast v21, $0x4;
	v18 =	vld [tilespmem:s15+$0x80]  }
0x8a: {  	[tilespmem:s13+$0xFFFFFFC0] =	vst v20;
	v9 =	vbroadcast v21, $0x5;
	v10 =	vbroadcast v21, $0x6;
	v19 =	vld [tilespmem:s15+$0x90];
	v20 =	vpop (erf)  }
0x8b: {  	v21 =	vbroadcast v21, $0x7;
	v26 =	vld [tilespmem:s15+$0xA0];
	[tilespmem:s25+$0xFFFFFFF0] =	vst v20;
	v32 =	vbroadcast v20, $0x0  }
0x8c: {  	[tilespmem:s13+$0xFFFFFFD0] =	vst v22;
	v33 =	vbroadcast v20, $0x1;
	v31 =	vbroadcast v20, $0x2;
	v34 =	vld [tilespmem:s15+$0xFFFFFF80];
	v56 =	vpop (erf)  }
0x8d: {  	[tilespmem:s13+$0x10] =	vst v29;
	v40 =	vbroadcast v20, $0x3;
	v29 =	vbroadcast v20, $0x5;
	v39 =	vld [tilespmem:s15+$0xFFFFFF90];
	v22 =	vpop (erf)  }
0x8e: {  	v28 =	vbroadcast v20, $0x6;
	v27 =	vbroadcast v20, $0x7;
	v38 =	vld [tilespmem:s15+$0xFFFFFFA0];
	[tilespmem:s25+$0xFFFFFFE0] =	vst v22  }
0x8f: {  	v21 =	vmul.f32 v30, v21;
	v30 =	vbroadcast v20, $0x4;
	v47 =	vld [tilespmem:s15+$0xFFFFFF00]  }
0x90: {  	[tilespmem:s13+$0x30] =	vst v23;
	v20 =	vbroadcast v56, $0x1;
	v23 =	vbroadcast v56, $0x2;
	v50 =	vld [tilespmem:s15+$0xFFFFFF10]  }
0x91: {  	[tilespmem:s13+$0xFFFFFFE0] =	vst v24;
	v25 =	vbroadcast v56, $0x4;
	v24 =	vbroadcast v56, $0x5;
	v51 =	vld [tilespmem:s15+$0xFFFFFF20]  }
0x92: {  	[tilespmem:s13+$0x20] =	vst v17;
	v17 =	vbroadcast v56, $0x6;
	v35 =	vbroadcast v56, $0x7;
	v52 =	vld [tilespmem:s15+$0xFFFFFF30]  }
0x93: {  	[tilespmem:s13+$0x60] =	vst v55;
	v41 =	vbroadcast v22, $0x0;
	v48 =	vbroadcast v22, $0x1;
	v53 =	vld [tilespmem:s15+$0xFFFFFF40]  }
0x94: {  	[tilespmem:s13+$0x50] =	vst v63;
	v45 =	vbroadcast v22, $0x2;
	v49 =	vbroadcast v22, $0x3;
	v36 =	vld [tilespmem:s15+$0xFFFFFF50]  }
0x95: {  	[tilespmem:s13+$0x40] =	vst v62;
	v44 =	vbroadcast v22, $0x4;
	v46 =	vbroadcast v22, $0x5;
	v37 =	vld [tilespmem:s15+$0xFFFFFF60]  }
0x96: {  	[tilespmem:s25+$0x0] =	vst v56;
	v42 =	vbroadcast v22, $0x6;
	v43 =	vbroadcast v22, $0x7;
	v54 =	vld [tilespmem:s15+$0xFFFFFF70]  }
0x97: {  	s16 =	simm.s32 $0x1B0B0;
	s18 =	simm.s32 $0x4;
	s19 =	simm.s32 $0x1EA50;
	v55 =	vld [tilespmem:s15+$0xFFFFFFB0];
	v22 =	vbroadcast v56, $0x0;
	[tilespmem:s15+$0xF0] =	vst v21;
	v21 =	vbroadcast v56, $0x3  }
.LBB2_3:
0x98: {  	v56 =	vld [tilespmem:s19+$0x10];
	v41 =	vmul.f32 v41, v47;
	v47 =	vmul.f32 v48, v50;
	s14 =	sadd.s32 $0x40, s14  }
0x99: {  	s18 =	sadd.s32 $0x4, s18;
	v45 =	vmul.f32 v45, v51;
	v49 =	vmul.f32 v52, v49;
	v48 =	vld [tilespmem:s14+$0x10]  }
0x9a: {  	v36 =	vmul.f32 v36, v46;
	p0 =	slt.u32 s18, $0x24;
	v50 =	vld [tilespmem:s14+$0xFFFFFFE0];
	[tilespmem:s15+$0xFFFFFF00] =	vst v41;
	v41 =	vmul.f32 v53, v44  }
0x9b: {  	v37 =	vmul.f32 v37, v42;
	v42 =	vmul.f32 v54, v43;
	v44 =	vld [tilespmem:s19+$0xFFFFFFF0];
	[tilespmem:s15+$0xFFFFFF10] =	vst v47  }
0x9c: {  	v32 =	vmul.f32 v32, v34;
	v33 =	vmul.f32 v33, v39;
	v43 =	vld [tilespmem:s14+$0xFFFFFFF0];
	[tilespmem:s15+$0xFFFFFF20] =	vst v45  }
0x9d: {  	v31 =	vmul.f32 v31, v38;
	v39 =	vmul.f32 v55, v40;
	v34 =	vld [tilespmem:s19+$0x0];
	[tilespmem:s15+$0xFFFFFF30] =	vst v49  }
0x9e: {  	v16 =	vmul.f32 v16, v18;
	v13 =	vmul.f32 v13, v4;
	v40 =	vld [tilespmem:s14+$0x0];
	v38 =	vadd.f32 v48, v56;
	[tilespmem:s15+$0xFFFFFF40] =	vst v41  }
0x9f: {  	v15 =	vmul.f32 v15, v19;
	v14 =	vmul.f32 v14, v26;
	v4 =	vmov v35;
	v18 =	vld [tilespmem:s19+$0xFFFFFFE0];
	[tilespmem:s15+$0xFFFFFF50] =	vst v36  }
0xa0: {  	v36 =	vmul.f32 v6, v1;
	v1 =	vmov v11;
	v19 =	vmul.f32 $2.000000030e-01, v38;
	[tilespmem:s15+$0xFFFFFF60] =	vst v37;
	v26 =	vld [tilespmem:s15+$0xFFFFFFC0]  }
0xa1: {  	vm0 =	vge.f32 v38, $0.0e+00;
	v37 =	vmul.f32 v5, v0;
	v0 =	vmovc v12;
	v6 =	vadd.f32 v43, v44;
	[tilespmem:s15+$0xFFFFFF70] =	vst v42;
	v11 =	vld [tilespmem:s15+$0xFFFFFFD0]  }
0xa2: {  	v35 =	vmul.f32 v8, v2;
	v5 =	vsel vm0, v38, v19;
	[tilespmem:s15+$0xFFFFFF80] =	vst v32;
	v12 =	vld [tilespmem:s15+$0xFFFFFFE0];
	v38 =	vmul.f32 v7, v3  }
0xa3: {  	v2 =	vmovc v10;
	v3 =	vmovc v9;
	v7 =	vmul.f32 $2.000000030e-01, v6;
	v8 =	vadd.f32 v40, v34;
	v5 =	vmul.f32 $1.442695020e+00, v5;
	[tilespmem:s15+$0xFFFFFF90] =	vst v33;
	v19 =	vld [tilespmem:s15+$0xFFFFFFF0]  }
0xa4: {  	vm0 =	vge.f32 v6, $0.0e+00;
	v9 =	vadd.f32 v50, v18;
	[tilespmem:s15+$0xFFFFFFA0] =	vst v31;
	v10 =	vld [tilespmem:s15+$0x0]  }
0xa5: {  	vm1 =	vge.f32 v8, $0.0e+00;
	v18 =	vmul.f32 $2.000000030e-01, v8;
	(erf) = vpow2.f32 v5;
	[tilespmem:s15+$0xFFFFFFB0] =	vst v39;
	v5 =	vld [tilespmem:s15+$0x10]  }
0xa6: {  	v6 =	vsel vm0, v6, v7;
	vm2 =	vge.f32 v9, $0.0e+00;
	v31 =	vmul.f32 $2.000000030e-01, v9;
	v7 =	vld [tilespmem:s15+$0x20];
	[tilespmem:s13+$0x70] =	vst v13  }
0xa7: {  	v6 =	vmul.f32 $1.442695020e+00, v6;
	v13 =	vmul.f32 v26, v30;
	v8 =	vsel vm1, v8, v18;
	v18 =	vld [tilespmem:s15+$0x30];
	[tilespmem:s15+$0x80] =	vst v16  }
0xa8: {  	v11 =	vmul.f32 v11, v29;
	v9 =	vsel vm2, v9, v31;
	v8 =	vmul.f32 $1.442695020e+00, v8;
	v16 =	vld [tilespmem:s15+$0x40];
	[tilespmem:s15+$0x90] =	vst v15  }
0xa9: {  	v9 =	vmul.f32 $1.442695020e+00, v9;
	(erf) = vpow2.f32 v6;
	[tilespmem:s15+$0xFFFFFFC0] =	vst v13;
	v15 =	vld [tilespmem:s15+$0x50]  }
0xaa: {  	v6 =	vmul.f32 v12, v28;
	(erf) = vpow2.f32 v8;
	[tilespmem:s15+$0xFFFFFFD0] =	vst v11;
	v26 =	vld [tilespmem:s15+$0x60]  }
0xab: {  	v8 =	vmul.f32 v19, v27;
	(erf) = vpow2.f32 v9;
	v13 =	vld [tilespmem:s15+$0x70];
	[tilespmem:s15+$0xA0] =	vst v14  }
0xac: {  	v9 =	vmul.f32 v22, v10;
	v10 =	vmul.f32 v20, v5;
	[tilespmem:s15+$0xFFFFFFE0] =	vst v6;
	v6 =	vld [tilespmem:s15+$0xB0]  }
0xad: {  	v19 =	vmul.f32 v23, v7;
	v20 =	vmul.f32 v18, v21;
	[tilespmem:s15+$0xFFFFFFF0] =	vst v8;
	v5 =	vld [tilespmem:s15+$0xC0]  }
0xae: {  	v22 =	vmul.f32 v16, v25;
	v21 =	vpop (erf);
	[tilespmem:s15+$0x0] =	vst v9;
	v23 =	vmul.f32 v15, v24;
	v7 =	vld [tilespmem:s15+$0xD0]  }
0xaf: {  	s15 =	sadd.s32 $0x200, s15;
	[tilespmem:s19+$0x10] =	vst v21;
	v16 =	vbroadcast v21, $0x0;
	v15 =	vbroadcast v21, $0x1;
	v8 =	vld [tilespmem:s16+$0xE0]  }
0xb0: {  	v14 =	vbroadcast v21, $0x2;
	v11 =	vbroadcast v21, $0x3;
	v24 =	vld [tilespmem:s15+$0xF0];
	[tilespmem:s16+$0x10] =	vst v10  }
0xb1: {  	v12 =	vbroadcast v21, $0x4;
	v9 =	vbroadcast v21, $0x5;
	v18 =	vld [tilespmem:s15+$0x80];
	[tilespmem:s16+$0x20] =	vst v19  }
0xb2: {  	v17 =	vmul.f32 v26, v17;
	v10 =	vbroadcast v21, $0x6;
	v19 =	vld [tilespmem:s15+$0x90];
	v25 =	vpop (erf);
	[tilespmem:s16+$0x30] =	vst v20  }
0xb3: {  	v20 =	vbroadcast v21, $0x7;
	[tilespmem:s19+$0xFFFFFFF0] =	vst v25;
	v32 =	vbroadcast v25, $0x0;
	v26 =	vld [tilespmem:s15+$0xA0];
	v56 =	vpop (erf)  }
0xb4: {  	v33 =	vbroadcast v25, $0x1;
	v31 =	vbroadcast v25, $0x2;
	v34 =	vld [tilespmem:s15+$0xFFFFFF80];
	[tilespmem:s19+$0x0] =	vst v56;
	v21 =	vpop (erf)  }
0xb5: {  	[tilespmem:s19+$0xFFFFFFE0] =	vst v21;
	v41 =	vbroadcast v21, $0x0;
	v39 =	vld [tilespmem:s15+$0xFFFFFF90];
	v20 =	vmul.f32 v24, v20  }
0xb6: {  	v48 =	vbroadcast v21, $0x1;
	v45 =	vbroadcast v21, $0x2;
	v47 =	vld [tilespmem:s15+$0xFFFFFF00];
	[tilespmem:s16+$0x40] =	vst v22  }
0xb7: {  	v49 =	vbroadcast v21, $0x3;
	v44 =	vbroadcast v21, $0x4;
	v50 =	vld [tilespmem:s15+$0xFFFFFF10];
	[tilespmem:s15+$0xF0] =	vst v20  }
0xb8: {  	v46 =	vbroadcast v21, $0x5;
	v42 =	vbroadcast v21, $0x6;
	v51 =	vld [tilespmem:s15+$0xFFFFFF20];
	[tilespmem:s16+$0x50] =	vst v23  }
0xb9: {  	v40 =	vbroadcast v25, $0x3;
	v43 =	vbroadcast v21, $0x7;
	v52 =	vld [tilespmem:s15+$0xFFFFFF30];
	[tilespmem:s16+$0x60] =	vst v17  }
0xba: {  	v30 =	vbroadcast v25, $0x4;
	v29 =	vbroadcast v25, $0x5;
	v53 =	vld [tilespmem:s15+$0xFFFFFF40];
	[tilespmem:s13+$0xB0] =	vst v36  }
.Ltmp0:
0xbb: {  	v28 =	vbroadcast v25, $0x6;
	v27 =	vbroadcast v25, $0x7;
	v36 =	vld [tilespmem:s15+$0xFFFFFF50];
	[tilespmem:s13+$0xC0] =	vst v37;
	(pc) =	sbr.rel @p0 .LBB2_3-.Ltmp0, $4  }
0xbc: {  	v22 =	vbroadcast v56, $0x0;
	v20 =	vbroadcast v56, $0x1;
	v37 =	vld [tilespmem:s15+$0xFFFFFF60];
	[tilespmem:s13+$0xD0] =	vst v38  }
0xbd: {  	v21 =	vbroadcast v56, $0x3;
	v23 =	vbroadcast v56, $0x2;
	v54 =	vld [tilespmem:s15+$0xFFFFFF70];
	[tilespmem:s13+$0xE0] =	vst v35;
	s13 =	smov.u32 s16;
	s16 =	smov.u32 s15  }
0xbe: {  	v25 =	vbroadcast v56, $0x4;
	v24 =	vbroadcast v56, $0x5;
	v38 =	vld [tilespmem:s15+$0xFFFFFFA0]  }
0xbf: {  	s19 =	sadd.s32 $0x40, s19;
	v17 =	vbroadcast v56, $0x6;
	v35 =	vbroadcast v56, $0x7;
	v55 =	vld [tilespmem:s15+$0xFFFFFFB0]  }
0xc0: {  	v41 =	vmul.f32 v41, v47  }
0xc1: {  	v50 =	vmul.f32 v48, v50  }
0xc2: {  	v45 =	vmul.f32 v45, v51;
	[tilespmem:s15+$0xFFFFFF00] =	vst v41  }
0xc3: {  	v52 =	vmul.f32 v52, v49;
	[tilespmem:s15+$0xFFFFFF10] =	vst v50  }
0xc4: {  	v44 =	vmul.f32 v53, v44;
	[tilespmem:s15+$0xFFFFFF20] =	vst v45  }
0xc5: {  	v36 =	vmul.f32 v36, v46;
	[tilespmem:s15+$0xFFFFFF30] =	vst v52  }
0xc6: {  	v32 =	vmul.f32 v32, v34;
	[tilespmem:s15+$0xFFFFFF40] =	vst v44  }
0xc7: {  	v33 =	vmul.f32 v33, v39;
	[tilespmem:s15+$0xFFFFFF50] =	vst v36  }
0xc8: {  	v4 =	vmul.f32 v13, v4;
	[tilespmem:s15+$0xFFFFFF80] =	vst v32  }
0xc9: {  	v13 =	vmul.f32 v16, v18;
	[tilespmem:s15+$0xFFFFFF90] =	vst v33  }
0xca: {  	v15 =	vmul.f32 v15, v19;
	[tilespmem:s13+$0x70] =	vst v4  }
0xcb: {  	v14 =	vmul.f32 v14, v26;
	[tilespmem:s15+$0x80] =	vst v13  }
0xcc: {  	v1 =	vmul.f32 v6, v1;
	[tilespmem:s15+$0x90] =	vst v15  }
0xcd: {  	v0 =	vmul.f32 v5, v0;
	[tilespmem:s15+$0xA0] =	vst v14  }
0xce: {  	v53 =	vld [tilespmem:s15+$0xFFFFFFC0];
	v3 =	vmul.f32 v7, v3;
	[tilespmem:s13+$0xB0] =	vst v1  }
0xcf: {  	v56 =	vld [tilespmem:s15+$0xFFFFFFD0];
	v37 =	vmul.f32 v37, v42;
	[tilespmem:s13+$0xC0] =	vst v0  }
0xd0: {  	v58 =	vld [tilespmem:s15+$0xFFFFFFE0];
	v57 =	vmul.f32 v54, v43;
	[tilespmem:s13+$0xD0] =	vst v3  }
0xd1: {  	v16 =	vld [tilespmem:s15+$0x0];
	v1 =	vmul.f32 v8, v2;
	[tilespmem:s15+$0xFFFFFF60] =	vst v37  }
0xd2: {  	v60 =	vld [tilespmem:s15+$0xFFFFFFF0];
	v31 =	vmul.f32 v31, v38;
	[tilespmem:s15+$0xFFFFFF70] =	vst v57  }
0xd3: {  	v4 =	vld [tilespmem:s15+$0x10];
	[tilespmem:s13+$0xE0] =	vst v1;
	v18 =	vmul.f32 v53, v30  }
0xd4: {  	v26 =	vld [tilespmem:s15+$0x50];
	v59 =	vmul.f32 v55, v40;
	[tilespmem:s15+$0xFFFFFFA0] =	vst v31  }
0xd5: {  	v19 =	vmul.f32 v56, v29;
	[tilespmem:s15+$0xFFFFFFC0] =	vst v18;
	v18 =	vld [tilespmem:s15+$0x40]  }
0xd6: {  	v13 =	vld [tilespmem:s15+$0x20];
	v16 =	vmul.f32 v22, v16;
	[tilespmem:s15+$0xFFFFFFB0] =	vst v59  }
0xd7: {  	v15 =	vld [tilespmem:s15+$0x30];
	[tilespmem:s15+$0xFFFFFFD0] =	vst v19;
	v19 =	vmul.f32 v58, v28  }
0xd8: {  	v14 =	vld [tilespmem:s15+$0x60];
	v4 =	vmul.f32 v20, v4;
	[tilespmem:s15+$0x0] =	vst v16  }
0xd9: {  	v5 =	vld [tilespmem:s15+$0xC0];
	v27 =	vmul.f32 v60, v27;
	[tilespmem:s15+$0xFFFFFFE0] =	vst v19  }
0xda: {  	v19 =	vld [tilespmem:s15+$0x70];
	[tilespmem:s16+$0x10] =	vst v4;
	v4 =	vmul.f32 v18, v25  }
0xdb: {  	[tilespmem:s15+$0xFFFFFFF0] =	vst v27;
	v13 =	vmul.f32 v23, v13  }
0xdc: {  	v15 =	vmul.f32 v15, v21;
	[tilespmem:s16+$0x40] =	vst v4;
	v4 =	vld [tilespmem:s15+$0xB0]  }
0xdd: {  	v6 =	vld [tilespmem:s15+$0xD0];
	v14 =	vmul.f32 v14, v17;
	[tilespmem:s16+$0x20] =	vst v13  }
0xde: {  	v2 =	vld [tilespmem:s16+$0xE0];
	v13 =	vmul.f32 v26, v24;
	[tilespmem:s16+$0x30] =	vst v15  }
0xdf: {  	v3 =	vmul.f32 v5, v12;
	[tilespmem:s16+$0x60] =	vst v14  }
0xe0: {  	[tilespmem:s16+$0x50] =	vst v13;
	v0 =	vmul.f32 v19, v35  }
0xe1: {  	[tilespmem:s16+$0xC0] =	vst v3;
	v1 =	vmul.f32 v4, v11  }
0xe2: {  	s8 =	smul.u32 $0x1E0, s11;
	[tilespmem:s16+$0x70] =	vst v0;
	v0 =	vmul.f32 v6, v9  }
0xe3: {  	[tilespmem:s16+$0xB0] =	vst v1;
	v1 =	vmul.f32 v2, v10  }
0xe4: {  	s14 =	sshra.s32 s8, $0x2;
	[tilespmem:s16+$0xD0] =	vst v0  }
0xe5: {  	s8 =	sadd.s32 $0x186A0, s14;
	[tilespmem:s16+$0xE0] =	vst v1  }
0xe6: {  	[spmem:s3] =	stream.indirect.scatter.add.f32 [tilespmem:s22], [sflag:$0x4], $0x80, s8, s21, $0xb8;
	[tilespmem:$0x1F8B0] =	vst v63  }
0xe7: {  	_ = 	snop  }
0xe8: {  	[spmem:s4] =	stream.indirect.scatter.add.f32 [tilespmem:s23], [sflag:$0x4], $0x10, s8, s21, $0xb8;
	[tilespmem:$0x1F8B0] =	vst v63  }
0xe9: {  	_ =	swait.ge [sflag:s30], $0x1400  }
0xea: {  	[sflag:s30] =	ssyncset.done $0x0  }
0xeb: {  	[sflag:s30] =	ssyncadd.s32 $0xFFFFEC00  }
0xec: {  	s13 =	smul.u32 $0x78, s11;
	_ =	swait.ge [sflag:s30], $0x280  }
0xed: {  	[sflag:s30] =	ssyncset.done $0x0  }
0xee: {  	s15 =	sadd.s32 $0x16008, s13;
	[sflag:s30] =	ssyncadd.s32 $0xFFFFFD80  }
0xef: {  	[tilespmem:s22], [sflag:$0x1] =	stream.indirect.gather [hbm4b:s1+s21], $0x80, s15, s21, $0xb8;
	[tilespmem:$0x1F8B0] =	vst v63  }
0xf0: {  	_ = 	snop  }
0xf1: {  	[tilespmem:s23], [sflag:$0x1] =	stream.indirect.gather [hbm4b:s6+s21], $0x10, s15, s21, $0xb8;
	[tilespmem:$0x1F8B0] =	vst v63  }
0xf2: {  	s16 =	sadd.s32 $0x18718, s13  }
0xf3: {  	[tilespmem:s24], [sflag:$0x1] =	stream.indirect.gather [hbm4b:s7+s21], $0x10, s16, s21, $0xb8;
	[tilespmem:$0x1F8B0] =	vst v63  }
0xf4: {  	_ =	swait.ge [sflag:s20], $0x1400  }
0xf5: {  	[sflag:s20] =	ssyncset.done $0x0  }
0xf6: {  	[sflag:s20] =	ssyncadd.s32 $0xFFFFEC00  }
0xf7: {  	_ =	swait.ge [sflag:s20], $0x280  }
0xf8: {  	[sflag:s20] =	ssyncset.done $0x0  }
0xf9: {  	[sflag:s20] =	ssyncadd.s32 $0xFFFFFD80  }
0xfa: {  	_ =	swait.ge [sflag:s20], $0x280  }
0xfb: {  	[sflag:s20] =	ssyncset.done $0x0  }
0xfc: {  	s18 =	simm.s32 $0x1EC60;
	[sflag:s20] =	ssyncadd.s32 $0xFFFFFD80  }
0xfd: {  	s19 =	simm.s32 $0x1F3E0;
	v0 =	vld [tilespmem:s18+$0x0]  }
0xfe: {  	v1 =	vld [tilespmem:s19+$0x0];
	_ =	sdelay $0x2  }
0xff: {  	v3 =	vld [tilespmem:s18+$0xFFFFFFE0]  }
0x100: {  	v4 =	vld [tilespmem:s19+$0xFFFFFFE0]  }
0x101: {  	v5 =	vld [tilespmem:s18+$0xFFFFFFF0];
	v0 =	vadd.f32 v1, v0  }
0x102: {  	v6 =	vld [tilespmem:s19+$0xFFFFFFF0]  }
0x103: {  	v7 =	vmul.f32 $2.000000030e-01, v0  }
0x104: {  	v2 =	vld [tilespmem:s19+$0xFFFFFFD0];
	vm0 =	vge.f32 v0, $0.0e+00  }
0x105: {  	v1 =	vld [tilespmem:s18+$0xFFFFFFD0];
	v3 =	vadd.f32 v4, v3;
	v0 =	vsel vm0, v0, v7  }
0x106: {  	v0 =	vmul.f32 $1.442695020e+00, v0  }
0x107: {  	v4 =	vadd.f32 v6, v5;
	v5 =	vmul.f32 $2.000000030e-01, v3  }
0x108: {  	vm11 =	vge.f32 v3, $0.0e+00;
	(erf) = vpow2.f32 v0  }
0x109: {  	v3 =	vsel vm11, v3, v5  }
0x10a: {  	v1 =	vadd.f32 v2, v1;
	v3 =	vmul.f32 $1.442695020e+00, v3  }
0x10b: {  	v2 =	vmul.f32 $2.000000030e-01, v4  }
0x10c: {  	vm1 =	vge.f32 v4, $0.0e+00;
	v0 =	vmul.f32 $2.000000030e-01, v1;
	(erf) = vpow2.f32 v3  }
0x10d: {  	vm12 =	vge.f32 v1, $0.0e+00;
	v2 =	vsel vm1, v4, v2  }
0x10e: {  	v0 =	vsel vm12, v1, v0;
	v1 =	vmul.f32 $1.442695020e+00, v2  }
0x10f: {  	s25 =	simm.s32 $0x1ECA0  }
0x110: {  	v41 =	vld [tilespmem:s25+$0x0];
	v0 =	vmul.f32 $1.442695020e+00, v0;
	(erf) = vpow2.f32 v1  }
0x111: {  	s19 =	simm.s32 $0x1F420;
	v58 =	vld [tilespmem:s25+$0xFFFFFFE0];
	v4 =	vpop (erf)  }
0x112: {  	v44 =	vld [tilespmem:s19+$0x0];
	(erf) = vpow2.f32 v0;
	v11 =	vbroadcast v4, $0x0  }
0x113: {  	v63 =	vld [tilespmem:s19+$0xFFFFFFD0];
	v14 =	vbroadcast v4, $0x1;
	v15 =	vbroadcast v4, $0x2  }
0x114: {  	s15 =	simm.s32 $0x1C3A0;
	v60 =	vld [tilespmem:s19+$0xFFFFFFE0];
	[tilespmem:s18+$0x0] =	vst v4;
	v1 =	vbroadcast v4, $0x3;
	v0 =	vbroadcast v4, $0x4  }
0x115: {  	v8 =	vpop (erf);
	v3 =	vbroadcast v4, $0x5;
	v2 =	vbroadcast v4, $0x6;
	v5 =	vld [tilespmem:s15+$0x0]  }
0x116: {  	v4 =	vbroadcast v4, $0x7;
	v6 =	vld [tilespmem:s15+$0xFFFFFF90];
	v19 =	vbroadcast v8, $0x0  }
0x117: {  	v7 =	vld [tilespmem:s15+$0xFFFFFFA0];
	v21 =	vbroadcast v8, $0x1;
	v22 =	vbroadcast v8, $0x2  }
0x118: {  	[tilespmem:s18+$0xFFFFFFE0] =	vst v8;
	v9 =	vld [tilespmem:s15+$0xFFFFFFB0];
	v35 =	vbroadcast v8, $0x3;
	v37 =	vbroadcast v8, $0x4  }
0x119: {  	v38 =	vbroadcast v8, $0x5;
	v40 =	vbroadcast v8, $0x6;
	v12 =	vld [tilespmem:s15+$0xFFFFFE90];
	v10 =	vpop (erf)  }
0x11a: {  	v8 =	vbroadcast v8, $0x7;
	v16 =	vld [tilespmem:s15+$0xFFFFFEA0];
	v42 =	vbroadcast v10, $0x0  }
0x11b: {  	v36 =	vld [tilespmem:s15+$0xFFFFFEB0];
	v13 =	vpop (erf);
	v43 =	vbroadcast v10, $0x1;
	v61 =	vbroadcast v10, $0x2  }
0x11c: {  	v39 =	vld [tilespmem:s15+$0xFFFFFEC0];
	v62 =	vbroadcast v10, $0x3;
	v56 =	vbroadcast v10, $0x4;
	[tilespmem:s18+$0xFFFFFFD0] =	vst v13  }
0x11d: {  	v57 =	vbroadcast v10, $0x5;
	v59 =	vbroadcast v10, $0x6;
	v17 =	vld [tilespmem:s15+$0xFFFFFE10]  }
0x11e: {  	v24 =	vbroadcast v13, $0x0;
	v26 =	vbroadcast v13, $0x1;
	v18 =	vld [tilespmem:s15+$0xFFFFFE20]  }
0x11f: {  	v27 =	vbroadcast v13, $0x2;
	v29 =	vbroadcast v13, $0x3;
	v20 =	vld [tilespmem:s15+$0xFFFFFE30]  }
0x120: {  	v30 =	vbroadcast v13, $0x4;
	v32 =	vbroadcast v13, $0x5;
	v23 =	vld [tilespmem:s15+$0xFFFFFE40]  }
0x121: {  	v33 =	vbroadcast v13, $0x6;
	v13 =	vbroadcast v13, $0x7;
	v34 =	vld [tilespmem:s15+$0xFFFFFE80]  }
0x122: {  	v5 =	vmul.f32 v5, v4;
	v28 =	vld [tilespmem:s15+$0xFFFFFE60];
	v4 =	vbroadcast v10, $0x7  }
0x123: {  	v25 =	vld [tilespmem:s15+$0xFFFFFE50];
	v7 =	vmul.f32 v14, v7;
	v9 =	vmul.f32 v15, v9  }
0x124: {  	v31 =	vld [tilespmem:s15+$0xFFFFFE70];
	v12 =	vmul.f32 v19, v12;
	[tilespmem:s15+$0x0] =	vst v5;
	v5 =	vmul.f32 v11, v6  }
0x125: {  	v15 =	vld [tilespmem:s15+$0xFFFFFF00];
	v17 =	vmul.f32 v24, v17;
	v18 =	vmul.f32 v26, v18  }
0x126: {  	[tilespmem:s18+$0xFFFFFFF0] =	vst v10;
	v19 =	vadd.f32 v44, v41;
	v24 =	vld [tilespmem:s25+$0xFFFFFFF0];
	v10 =	vmul.f32 v34, v13;
	v13 =	vmul.f32 v21, v16  }
0x127: {  	[tilespmem:s15+$0xFFFFFE90] =	vst v12;
	v20 =	vmul.f32 v27, v20;
	v26 =	vld [tilespmem:s19+$0xFFFFFFF0];
	v27 =	vmul.f32 v28, v32  }
0x128: {  	v28 =	vld [tilespmem:s25+$0xFFFFFFD0];
	v21 =	vmul.f32 v22, v36;
	v22 =	vmul.f32 $2.000000030e-01, v19;
	[tilespmem:s15+$0xFFFFFEA0] =	vst v13  }
0x129: {  	v6 =	vld [tilespmem:s15+$0xFFFFFEF0];
	v11 =	vadd.f32 v60, v58;
	v12 =	vmul.f32 v39, v35;
	vm13 =	vge.f32 v19, $0.0e+00;
	[tilespmem:s15+$0xFFFFFE10] =	vst v17  }
0x12a: {  	v23 =	vmul.f32 v23, v29;
	v25 =	vmul.f32 v25, v30;
	v30 =	vld [tilespmem:s15+$0xFFFFFED0];
	v14 =	vsel vm13, v19, v22;
	[tilespmem:s15+$0xFFFFFE20] =	vst v18  }
0x12b: {  	vm14 =	vge.f32 v11, $0.0e+00;
	v16 =	vld [tilespmem:s15+$0xFFFFFEE0];
	v17 =	vmul.f32 $2.000000030e-01, v11;
	[tilespmem:s15+$0xFFFFFE30] =	vst v20;
	v14 =	vmul.f32 $1.442695020e+00, v14  }
0x12c: {  	v29 =	vmul.f32 v31, v33;
	v19 =	vld [tilespmem:s15+$0xFFFFFF10];
	[tilespmem:s15+$0xFFFFFE60] =	vst v27;
	v27 =	vmul.f32 v15, v8;
	v13 =	vadd.f32 v26, v24  }
0x12d: {  	[tilespmem:s15+$0xFFFFFE40] =	vst v23;
	v23 =	vld [tilespmem:s15+$0xFFFFFF40];
	v11 =	vsel vm14, v11, v17;
	v18 =	vadd.f32 v63, v28;
	(erf) = vpow2.f32 v14  }
0x12e: {  	[tilespmem:s15+$0xFFFFFE50] =	vst v25;
	v25 =	vld [tilespmem:s15+$0xFFFFFF70];
	v11 =	vmul.f32 $1.442695020e+00, v11;
	v20 =	vmul.f32 $2.000000030e-01, v13  }
0x12f: {  	v17 =	vld [tilespmem:s15+$0xFFFFFF30];
	v24 =	vmul.f32 v6, v40;
	vm15 =	vge.f32 v13, $0.0e+00;
	v22 =	vmul.f32 $2.000000030e-01, v18  }
0x130: {  	[tilespmem:s15+$0xFFFFFFA0] =	vst v7;
	v14 =	vld [tilespmem:s15+$0xFFFFFF20];
	vm2 =	vge.f32 v18, $0.0e+00;
	(erf) = vpow2.f32 v11;
	v13 =	vsel vm15, v13, v20  }
0x131: {  	[tilespmem:s15+$0xFFFFFFB0] =	vst v9;
	v11 =	vld [tilespmem:s15+$0xFFFFFF60];
	v28 =	vmul.f32 v42, v19;
	v18 =	vsel vm2, v18, v22;
	v13 =	vmul.f32 $1.442695020e+00, v13  }
0x132: {  	[tilespmem:s15+$0xFFFFFF90] =	vst v5;
	v22 =	vmul.f32 v16, v38;
	v16 =	vld [tilespmem:s15+$0xFFFFFF50];
	v5 =	vmul.f32 $1.442695020e+00, v18  }
0x133: {  	v7 =	vld [tilespmem:s15+$0xFFFFFFE0];
	[tilespmem:s15+$0xFFFFFEC0] =	vst v12;
	v23 =	vmul.f32 v23, v62;
	(erf) = vpow2.f32 v13  }
0x134: {  	[tilespmem:s15+$0xFFFFFE70] =	vst v29;
	v8 =	vld [tilespmem:s15+$0xFFFFFFF0];
	v63 =	vmul.f32 v25, v59;
	(erf) = vpow2.f32 v5  }
0x135: {  	[tilespmem:s15+$0xFFFFFE80] =	vst v10;
	v6 =	vld [tilespmem:s15+$0xFFFFFFC0];
	v20 =	vmul.f32 v30, v37;
	v17 =	vmul.f32 v61, v17  }
0x136: {  	[tilespmem:s15+$0xFFFFFEB0] =	vst v21;
	v29 =	vmul.f32 v43, v14;
	v13 =	vld [tilespmem:s15+$0xFFFFFF80];
	v62 =	vmul.f32 v11, v57;
	v21 =	vpop (erf)  }
0x137: {  	s16 =	simm.s32 $0x1C5A0;
	v5 =	vld [tilespmem:s15+$0xFFFFFFD0];
	v61 =	vmul.f32 v16, v56;
	[tilespmem:s25+$0x0] =	vst v21;
	v16 =	vbroadcast v21, $0x0  }
0x138: {  	[tilespmem:s15+$0xFFFFFF00] =	vst v27;
	v15 =	vbroadcast v21, $0x1;
	v14 =	vbroadcast v21, $0x2;
	v30 =	vld [tilespmem:s16+$0x0]  }
0x139: {  	[tilespmem:s15+$0xFFFFFF10] =	vst v28;
	v11 =	vbroadcast v21, $0x3;
	v12 =	vbroadcast v21, $0x4;
	v18 =	vld [tilespmem:s16+$0xFFFFFF90]  }
0x13a: {  	[tilespmem:s15+$0xFFFFFED0] =	vst v20;
	v9 =	vbroadcast v21, $0x5;
	v10 =	vbroadcast v21, $0x6;
	v19 =	vld [tilespmem:s16+$0xFFFFFFA0];
	v20 =	vpop (erf)  }
0x13b: {  	v21 =	vbroadcast v21, $0x7;
	v26 =	vld [tilespmem:s16+$0xFFFFFFB0];
	[tilespmem:s25+$0xFFFFFFE0] =	vst v20;
	v32 =	vbroadcast v20, $0x0  }
0x13c: {  	[tilespmem:s15+$0xFFFFFEE0] =	vst v22;
	v33 =	vbroadcast v20, $0x1;
	v31 =	vbroadcast v20, $0x2;
	v34 =	vld [tilespmem:s16+$0xFFFFFE90];
	v56 =	vpop (erf)  }
0x13d: {  	[tilespmem:s15+$0xFFFFFF20] =	vst v29;
	v40 =	vbroadcast v20, $0x3;
	v29 =	vbroadcast v20, $0x5;
	v39 =	vld [tilespmem:s16+$0xFFFFFEA0];
	v22 =	vpop (erf)  }
0x13e: {  	v28 =	vbroadcast v20, $0x6;
	v27 =	vbroadcast v20, $0x7;
	v38 =	vld [tilespmem:s16+$0xFFFFFEB0];
	[tilespmem:s25+$0xFFFFFFD0] =	vst v22  }
0x13f: {  	v21 =	vmul.f32 v30, v21;
	v30 =	vbroadcast v20, $0x4;
	v47 =	vld [tilespmem:s16+$0xFFFFFE10]  }
0x140: {  	[tilespmem:s15+$0xFFFFFF40] =	vst v23;
	v20 =	vbroadcast v56, $0x1;
	v23 =	vbroadcast v56, $0x2;
	v50 =	vld [tilespmem:s16+$0xFFFFFE20]  }
0x141: {  	[tilespmem:s15+$0xFFFFFEF0] =	vst v24;
	v25 =	vbroadcast v56, $0x4;
	v24 =	vbroadcast v56, $0x5;
	v51 =	vld [tilespmem:s16+$0xFFFFFE30]  }
0x142: {  	[tilespmem:s15+$0xFFFFFF30] =	vst v17;
	v17 =	vbroadcast v56, $0x6;
	v35 =	vbroadcast v56, $0x7;
	v52 =	vld [tilespmem:s16+$0xFFFFFE40]  }
0x143: {  	[tilespmem:s15+$0xFFFFFF70] =	vst v63;
	v41 =	vbroadcast v22, $0x0;
	v48 =	vbroadcast v22, $0x1;
	v53 =	vld [tilespmem:s16+$0xFFFFFE50]  }
0x144: {  	[tilespmem:s15+$0xFFFFFF60] =	vst v62;
	v45 =	vbroadcast v22, $0x2;
	v49 =	vbroadcast v22, $0x3;
	v36 =	vld [tilespmem:s16+$0xFFFFFE60]  }
0x145: {  	[tilespmem:s15+$0xFFFFFF50] =	vst v61;
	v44 =	vbroadcast v22, $0x4;
	v46 =	vbroadcast v22, $0x5;
	v37 =	vld [tilespmem:s16+$0xFFFFFE70]  }
0x146: {  	[tilespmem:s25+$0xFFFFFFF0] =	vst v56;
	v42 =	vbroadcast v22, $0x6;
	v43 =	vbroadcast v22, $0x7;
	v54 =	vld [tilespmem:s16+$0xFFFFFE80]  }
0x147: {  	s8 =	simm.s32 $0x1ECE0;
	s18 =	simm.s32 $0x1C5A0;
	v55 =	vld [tilespmem:s16+$0xFFFFFEC0];
	v22 =	vbroadcast v56, $0x0;
	[tilespmem:s16+$0x0] =	vst v21;
	v21 =	vbroadcast v56, $0x3;
	s25 =	simm.s32 $0x4  }
.LBB2_5:
0x148: {  	v56 =	vld [tilespmem:s8+$0x0];
	v41 =	vmul.f32 v41, v47;
	v47 =	vmul.f32 v48, v50;
	s19 =	sadd.s32 $0x40, s19  }
0x149: {  	s25 =	sadd.s32 $0x4, s25;
	v45 =	vmul.f32 v45, v51;
	v49 =	vmul.f32 v52, v49;
	v48 =	vld [tilespmem:s19+$0x0]  }
0x14a: {  	v36 =	vmul.f32 v36, v46;
	p0 =	slt.u32 s25, $0x24;
	v50 =	vld [tilespmem:s19+$0xFFFFFFD0];
	[tilespmem:s16+$0xFFFFFE10] =	vst v41;
	v41 =	vmul.f32 v53, v44  }
0x14b: {  	v37 =	vmul.f32 v37, v42;
	v42 =	vmul.f32 v54, v43;
	v44 =	vld [tilespmem:s8+$0xFFFFFFE0];
	[tilespmem:s16+$0xFFFFFE20] =	vst v47  }
0x14c: {  	v32 =	vmul.f32 v32, v34;
	v33 =	vmul.f32 v33, v39;
	v43 =	vld [tilespmem:s19+$0xFFFFFFE0];
	[tilespmem:s16+$0xFFFFFE30] =	vst v45  }
0x14d: {  	v31 =	vmul.f32 v31, v38;
	v39 =	vmul.f32 v55, v40;
	v34 =	vld [tilespmem:s8+$0xFFFFFFF0];
	[tilespmem:s16+$0xFFFFFE40] =	vst v49  }
0x14e: {  	v16 =	vmul.f32 v16, v18;
	v13 =	vmul.f32 v13, v4;
	v40 =	vld [tilespmem:s19+$0xFFFFFFF0];
	v38 =	vadd.f32 v48, v56;
	[tilespmem:s16+$0xFFFFFE50] =	vst v41  }
0x14f: {  	v15 =	vmul.f32 v15, v19;
	v14 =	vmul.f32 v14, v26;
	v4 =	vmov v35;
	v18 =	vld [tilespmem:s8+$0xFFFFFFD0];
	[tilespmem:s16+$0xFFFFFE60] =	vst v36  }
0x150: {  	v36 =	vmul.f32 v6, v1;
	v1 =	vmov v11;
	v19 =	vmul.f32 $2.000000030e-01, v38;
	[tilespmem:s16+$0xFFFFFE70] =	vst v37;
	v26 =	vld [tilespmem:s16+$0xFFFFFED0]  }
0x151: {  	vm0 =	vge.f32 v38, $0.0e+00;
	v37 =	vmul.f32 v5, v0;
	v0 =	vmovc v12;
	v6 =	vadd.f32 v43, v44;
	[tilespmem:s16+$0xFFFFFE80] =	vst v42;
	v11 =	vld [tilespmem:s16+$0xFFFFFEE0]  }
0x152: {  	v35 =	vmul.f32 v8, v2;
	v5 =	vsel vm0, v38, v19;
	[tilespmem:s16+$0xFFFFFE90] =	vst v32;
	v12 =	vld [tilespmem:s16+$0xFFFFFEF0];
	v38 =	vmul.f32 v7, v3  }
0x153: {  	v2 =	vmovc v10;
	v3 =	vmovc v9;
	v7 =	vmul.f32 $2.000000030e-01, v6;
	v8 =	vadd.f32 v40, v34;
	v5 =	vmul.f32 $1.442695020e+00, v5;
	[tilespmem:s16+$0xFFFFFEA0] =	vst v33;
	v19 =	vld [tilespmem:s16+$0xFFFFFF00]  }
0x154: {  	vm0 =	vge.f32 v6, $0.0e+00;
	v9 =	vadd.f32 v50, v18;
	[tilespmem:s16+$0xFFFFFEB0] =	vst v31;
	v10 =	vld [tilespmem:s16+$0xFFFFFF10]  }
0x155: {  	vm1 =	vge.f32 v8, $0.0e+00;
	v18 =	vmul.f32 $2.000000030e-01, v8;
	(erf) = vpow2.f32 v5;
	[tilespmem:s16+$0xFFFFFEC0] =	vst v39;
	v5 =	vld [tilespmem:s16+$0xFFFFFF20]  }
0x156: {  	v6 =	vsel vm0, v6, v7;
	vm2 =	vge.f32 v9, $0.0e+00;
	v31 =	vmul.f32 $2.000000030e-01, v9;
	v7 =	vld [tilespmem:s16+$0xFFFFFF30];
	[tilespmem:s15+$0xFFFFFF80] =	vst v13  }
0x157: {  	v6 =	vmul.f32 $1.442695020e+00, v6;
	v13 =	vmul.f32 v26, v30;
	v8 =	vsel vm1, v8, v18;
	v18 =	vld [tilespmem:s16+$0xFFFFFF40];
	[tilespmem:s16+$0xFFFFFF90] =	vst v16  }
0x158: {  	v11 =	vmul.f32 v11, v29;
	v9 =	vsel vm2, v9, v31;
	v8 =	vmul.f32 $1.442695020e+00, v8;
	v16 =	vld [tilespmem:s16+$0xFFFFFF50];
	[tilespmem:s16+$0xFFFFFFA0] =	vst v15  }
0x159: {  	v9 =	vmul.f32 $1.442695020e+00, v9;
	(erf) = vpow2.f32 v6;
	[tilespmem:s16+$0xFFFFFED0] =	vst v13;
	v15 =	vld [tilespmem:s16+$0xFFFFFF60]  }
0x15a: {  	v6 =	vmul.f32 v12, v28;
	(erf) = vpow2.f32 v8;
	[tilespmem:s16+$0xFFFFFEE0] =	vst v11;
	v26 =	vld [tilespmem:s16+$0xFFFFFF70]  }
0x15b: {  	v8 =	vmul.f32 v19, v27;
	(erf) = vpow2.f32 v9;
	v13 =	vld [tilespmem:s16+$0xFFFFFF80];
	[tilespmem:s16+$0xFFFFFFB0] =	vst v14  }
0x15c: {  	v9 =	vmul.f32 v22, v10;
	v10 =	vmul.f32 v20, v5;
	[tilespmem:s16+$0xFFFFFEF0] =	vst v6;
	v6 =	vld [tilespmem:s16+$0xFFFFFFC0]  }
0x15d: {  	v19 =	vmul.f32 v23, v7;
	v20 =	vmul.f32 v18, v21;
	[tilespmem:s16+$0xFFFFFF00] =	vst v8;
	v5 =	vld [tilespmem:s16+$0xFFFFFFD0]  }
0x15e: {  	v22 =	vmul.f32 v16, v25;
	v21 =	vpop (erf);
	[tilespmem:s16+$0xFFFFFF10] =	vst v9;
	v23 =	vmul.f32 v15, v24;
	v7 =	vld [tilespmem:s16+$0xFFFFFFE0]  }
0x15f: {  	s16 =	sadd.s32 $0x200, s16;
	[tilespmem:s8+$0x0] =	vst v21;
	v16 =	vbroadcast v21, $0x0;
	v15 =	vbroadcast v21, $0x1;
	v8 =	vld [tilespmem:s18+$0xFFFFFFF0]  }
0x160: {  	v14 =	vbroadcast v21, $0x2;
	v11 =	vbroadcast v21, $0x3;
	v24 =	vld [tilespmem:s16+$0x0];
	[tilespmem:s18+$0xFFFFFF20] =	vst v10  }
0x161: {  	v12 =	vbroadcast v21, $0x4;
	v9 =	vbroadcast v21, $0x5;
	v18 =	vld [tilespmem:s16+$0xFFFFFF90];
	[tilespmem:s18+$0xFFFFFF30] =	vst v19  }
0x162: {  	v17 =	vmul.f32 v26, v17;
	v10 =	vbroadcast v21, $0x6;
	v19 =	vld [tilespmem:s16+$0xFFFFFFA0];
	v25 =	vpop (erf);
	[tilespmem:s18+$0xFFFFFF40] =	vst v20  }
0x163: {  	v20 =	vbroadcast v21, $0x7;
	[tilespmem:s8+$0xFFFFFFE0] =	vst v25;
	v32 =	vbroadcast v25, $0x0;
	v26 =	vld [tilespmem:s16+$0xFFFFFFB0];
	v56 =	vpop (erf)  }
0x164: {  	v33 =	vbroadcast v25, $0x1;
	v31 =	vbroadcast v25, $0x2;
	v34 =	vld [tilespmem:s16+$0xFFFFFE90];
	[tilespmem:s8+$0xFFFFFFF0] =	vst v56;
	v21 =	vpop (erf)  }
0x165: {  	[tilespmem:s8+$0xFFFFFFD0] =	vst v21;
	v41 =	vbroadcast v21, $0x0;
	v39 =	vld [tilespmem:s16+$0xFFFFFEA0];
	v20 =	vmul.f32 v24, v20  }
0x166: {  	v48 =	vbroadcast v21, $0x1;
	v45 =	vbroadcast v21, $0x2;
	v47 =	vld [tilespmem:s16+$0xFFFFFE10];
	[tilespmem:s18+$0xFFFFFF50] =	vst v22  }
0x167: {  	v49 =	vbroadcast v21, $0x3;
	v44 =	vbroadcast v21, $0x4;
	v50 =	vld [tilespmem:s16+$0xFFFFFE20];
	[tilespmem:s16+$0x0] =	vst v20  }
0x168: {  	v46 =	vbroadcast v21, $0x5;
	v42 =	vbroadcast v21, $0x6;
	v51 =	vld [tilespmem:s16+$0xFFFFFE30];
	[tilespmem:s18+$0xFFFFFF60] =	vst v23  }
0x169: {  	v40 =	vbroadcast v25, $0x3;
	v43 =	vbroadcast v21, $0x7;
	v52 =	vld [tilespmem:s16+$0xFFFFFE40];
	[tilespmem:s18+$0xFFFFFF70] =	vst v17  }
0x16a: {  	v30 =	vbroadcast v25, $0x4;
	v29 =	vbroadcast v25, $0x5;
	v53 =	vld [tilespmem:s16+$0xFFFFFE50];
	[tilespmem:s15+$0xFFFFFFC0] =	vst v36  }
.Ltmp1:
0x16b: {  	v28 =	vbroadcast v25, $0x6;
	v27 =	vbroadcast v25, $0x7;
	v36 =	vld [tilespmem:s16+$0xFFFFFE60];
	[tilespmem:s15+$0xFFFFFFD0] =	vst v37;
	(pc) =	sbr.rel @p0 .LBB2_5-.Ltmp1, $4  }
0x16c: {  	v22 =	vbroadcast v56, $0x0;
	v20 =	vbroadcast v56, $0x1;
	v37 =	vld [tilespmem:s16+$0xFFFFFE70];
	[tilespmem:s15+$0xFFFFFFE0] =	vst v38  }
0x16d: {  	v21 =	vbroadcast v56, $0x3;
	v23 =	vbroadcast v56, $0x2;
	v54 =	vld [tilespmem:s16+$0xFFFFFE80];
	[tilespmem:s15+$0xFFFFFFF0] =	vst v35;
	s15 =	smov.u32 s18;
	s18 =	smov.u32 s16  }
0x16e: {  	v25 =	vbroadcast v56, $0x4;
	v24 =	vbroadcast v56, $0x5;
	v38 =	vld [tilespmem:s16+$0xFFFFFEB0]  }
0x16f: {  	s8 =	sadd.s32 $0x40, s8;
	v17 =	vbroadcast v56, $0x6;
	v35 =	vbroadcast v56, $0x7;
	v55 =	vld [tilespmem:s16+$0xFFFFFEC0]  }
0x170: {  	v41 =	vmul.f32 v41, v47  }
0x171: {  	v50 =	vmul.f32 v48, v50  }
0x172: {  	v45 =	vmul.f32 v45, v51;
	[tilespmem:s16+$0xFFFFFE10] =	vst v41  }
0x173: {  	v52 =	vmul.f32 v52, v49;
	[tilespmem:s16+$0xFFFFFE20] =	vst v50  }
0x174: {  	v44 =	vmul.f32 v53, v44;
	[tilespmem:s16+$0xFFFFFE30] =	vst v45  }
0x175: {  	v36 =	vmul.f32 v36, v46;
	[tilespmem:s16+$0xFFFFFE40] =	vst v52  }
0x176: {  	v32 =	vmul.f32 v32, v34;
	[tilespmem:s16+$0xFFFFFE50] =	vst v44  }
0x177: {  	v33 =	vmul.f32 v33, v39;
	[tilespmem:s16+$0xFFFFFE60] =	vst v36  }
0x178: {  	v4 =	vmul.f32 v13, v4;
	[tilespmem:s16+$0xFFFFFE90] =	vst v32  }
0x179: {  	v13 =	vmul.f32 v16, v18;
	[tilespmem:s16+$0xFFFFFEA0] =	vst v33  }
0x17a: {  	v15 =	vmul.f32 v15, v19;
	[tilespmem:s15+$0xFFFFFF80] =	vst v4  }
0x17b: {  	v14 =	vmul.f32 v14, v26;
	[tilespmem:s16+$0xFFFFFF90] =	vst v13  }
0x17c: {  	v1 =	vmul.f32 v6, v1;
	[tilespmem:s16+$0xFFFFFFA0] =	vst v15  }
0x17d: {  	v0 =	vmul.f32 v5, v0;
	[tilespmem:s16+$0xFFFFFFB0] =	vst v14  }
0x17e: {  	v53 =	vld [tilespmem:s16+$0xFFFFFED0];
	v3 =	vmul.f32 v7, v3;
	[tilespmem:s15+$0xFFFFFFC0] =	vst v1  }
0x17f: {  	v56 =	vld [tilespmem:s16+$0xFFFFFEE0];
	v37 =	vmul.f32 v37, v42;
	[tilespmem:s15+$0xFFFFFFD0] =	vst v0  }
0x180: {  	v58 =	vld [tilespmem:s16+$0xFFFFFEF0];
	v57 =	vmul.f32 v54, v43;
	[tilespmem:s15+$0xFFFFFFE0] =	vst v3  }
0x181: {  	v16 =	vld [tilespmem:s16+$0xFFFFFF10];
	v1 =	vmul.f32 v8, v2;
	[tilespmem:s16+$0xFFFFFE70] =	vst v37  }
0x182: {  	v60 =	vld [tilespmem:s16+$0xFFFFFF00];
	v31 =	vmul.f32 v31, v38;
	[tilespmem:s16+$0xFFFFFE80] =	vst v57  }
0x183: {  	v4 =	vld [tilespmem:s16+$0xFFFFFF20];
	[tilespmem:s15+$0xFFFFFFF0] =	vst v1;
	v18 =	vmul.f32 v53, v30  }
0x184: {  	v26 =	vld [tilespmem:s16+$0xFFFFFF60];
	v59 =	vmul.f32 v55, v40;
	[tilespmem:s16+$0xFFFFFEB0] =	vst v31  }
0x185: {  	v19 =	vmul.f32 v56, v29;
	[tilespmem:s16+$0xFFFFFED0] =	vst v18;
	v18 =	vld [tilespmem:s16+$0xFFFFFF50]  }
0x186: {  	v13 =	vld [tilespmem:s16+$0xFFFFFF30];
	v16 =	vmul.f32 v22, v16;
	[tilespmem:s16+$0xFFFFFEC0] =	vst v59  }
0x187: {  	v15 =	vld [tilespmem:s16+$0xFFFFFF40];
	[tilespmem:s16+$0xFFFFFEE0] =	vst v19;
	v19 =	vmul.f32 v58, v28  }
0x188: {  	v14 =	vld [tilespmem:s16+$0xFFFFFF70];
	v4 =	vmul.f32 v20, v4;
	[tilespmem:s16+$0xFFFFFF10] =	vst v16  }
0x189: {  	v5 =	vld [tilespmem:s16+$0xFFFFFFD0];
	v27 =	vmul.f32 v60, v27;
	[tilespmem:s16+$0xFFFFFEF0] =	vst v19  }
0x18a: {  	v19 =	vld [tilespmem:s16+$0xFFFFFF80];
	[tilespmem:s18+$0xFFFFFF20] =	vst v4;
	v4 =	vmul.f32 v18, v25  }
0x18b: {  	[tilespmem:s16+$0xFFFFFF00] =	vst v27;
	v13 =	vmul.f32 v23, v13  }
0x18c: {  	v15 =	vmul.f32 v15, v21;
	[tilespmem:s18+$0xFFFFFF50] =	vst v4;
	v4 =	vld [tilespmem:s16+$0xFFFFFFC0]  }
0x18d: {  	v6 =	vld [tilespmem:s16+$0xFFFFFFE0];
	v14 =	vmul.f32 v14, v17;
	[tilespmem:s18+$0xFFFFFF30] =	vst v13  }
0x18e: {  	v2 =	vld [tilespmem:s18+$0xFFFFFFF0];
	v13 =	vmul.f32 v26, v24;
	[tilespmem:s18+$0xFFFFFF40] =	vst v15  }
0x18f: {  	v3 =	vmul.f32 v5, v12;
	[tilespmem:s18+$0xFFFFFF70] =	vst v14  }
0x190: {  	[tilespmem:s18+$0xFFFFFF60] =	vst v13;
	v0 =	vmul.f32 v19, v35  }
0x191: {  	[tilespmem:s18+$0xFFFFFFD0] =	vst v3;
	v1 =	vmul.f32 v4, v11  }
0x192: {  	[tilespmem:s18+$0xFFFFFF80] =	vst v0;
	v0 =	vmul.f32 v6, v9  }
0x193: {  	[tilespmem:s18+$0xFFFFFFC0] =	vst v1;
	v1 =	vmul.f32 v2, v10  }
0x194: {  	[tilespmem:s18+$0xFFFFFFE0] =	vst v0  }
0x195: {  	s8 =	sadd.s32 $0x186C8, s14;
	[tilespmem:s18+$0xFFFFFFF0] =	vst v1  }
0x196: {  	[spmem:s3] =	stream.indirect.scatter.add.f32 [tilespmem:s26], [sflag:$0x5], $0x80, s8, s21, $0xb8;
	[tilespmem:$0x1F8B0] =	vst v63  }
0x197: {  	p0 =	seq.s32 s11, $0x52  }
0x198: {  	[spmem:s4] =	stream.indirect.scatter.add.f32 [tilespmem:s28], [sflag:$0x5], $0x10, s8, s21, $0xb8;
	[tilespmem:$0x1F8B0] =	vst v63  }
0x199: {  	s8 =	simm.s32 @!p0 $0x5  }
0x19a: {  	_ =	swait.ge @!p0 [sflag:s8], $0x1400  }
0x19b: {  	[sflag:s8] =	ssyncset.done @!p0 $0x0  }
0x19c: {  	[sflag:s8] =	ssyncadd.s32 @!p0 $0xFFFFEC00  }
0x19d: {  	_ =	swait.ge @!p0 [sflag:s8], $0x280  }
0x19e: {  	s14 =	simm.s32 @!p0 $0x28;
	[sflag:s8] =	ssyncset.done @!p0 $0x0  }
0x19f: {  	s15 =	simm.s32 @!p0 $0x1C1B0;
	[sflag:s8] =	ssyncadd.s32 @!p0 $0xFFFFFD80;
	s8 =	sadd.s32 @!p0 $0x16030, s13  }
0x1a0: {  	[tilespmem:s15], [sflag:$0x2] =	stream.indirect.gather @!p0 [hbm4b:s1+s14], $0x80, s8, s14, $0xb8;
	[tilespmem:$0x1F8B0] =	vst v63  }
0x1a1: {  	s15 =	simm.s32 @!p0 $0x1EC30  }
0x1a2: {  	[tilespmem:s15], [sflag:$0x2] =	stream.indirect.gather @!p0 [hbm4b:s6+s14], $0x10, s8, s14, $0xb8;
	[tilespmem:$0x1F8B0] =	vst v63  }
0x1a3: {  	s8 =	sadd.s32 @!p0 $0x18740, s13;
	s13 =	simm.s32 @!p0 $0x1F3B0  }
0x1a4: {  	[tilespmem:s13], [sflag:$0x2] =	stream.indirect.gather @!p0 [hbm4b:s7+s14], $0x10, s8, s14, $0xb8;
	[tilespmem:$0x1F8B0] =	vst v63  }
0x1a5: {  	_ =	swait.ge [sflag:s5], $0x1400  }
0x1a6: {  	[sflag:s5] =	ssyncset.done $0x0  }
0x1a7: {  	[sflag:s5] =	ssyncadd.s32 $0xFFFFEC00  }
0x1a8: {  	_ =	swait.ge [sflag:s5], $0x280  }
0x1a9: {  	[sflag:s5] =	ssyncset.done $0x0  }
0x1aa: {  	[sflag:s5] =	ssyncadd.s32 $0xFFFFFD80  }
0x1ab: {  	_ =	swait.ge [sflag:s5], $0x280  }
0x1ac: {  	[sflag:s5] =	ssyncset.done $0x0  }
0x1ad: {  	s18 =	simm.s32 $0x1EEE0;
	[sflag:s5] =	ssyncadd.s32 $0xFFFFFD80  }
0x1ae: {  	s19 =	simm.s32 $0x1F660;
	v0 =	vld [tilespmem:s18+$0x0]  }
0x1af: {  	v1 =	vld [tilespmem:s19+$0x0];
	_ =	sdelay $0x2  }
0x1b0: {  	v3 =	vld [tilespmem:s18+$0xFFFFFFE0]  }
0x1b1: {  	v4 =	vld [tilespmem:s19+$0xFFFFFFE0]  }
0x1b2: {  	v5 =	vld [tilespmem:s18+$0xFFFFFFF0];
	v0 =	vadd.f32 v1, v0  }
0x1b3: {  	v6 =	vld [tilespmem:s19+$0xFFFFFFF0]  }
0x1b4: {  	v7 =	vmul.f32 $2.000000030e-01, v0  }
0x1b5: {  	v2 =	vld [tilespmem:s19+$0xFFFFFFD0];
	vm0 =	vge.f32 v0, $0.0e+00  }
0x1b6: {  	v1 =	vld [tilespmem:s18+$0xFFFFFFD0];
	v3 =	vadd.f32 v4, v3;
	v0 =	vsel vm0, v0, v7  }
0x1b7: {  	v0 =	vmul.f32 $1.442695020e+00, v0  }
0x1b8: {  	v4 =	vadd.f32 v6, v5;
	v5 =	vmul.f32 $2.000000030e-01, v3  }
0x1b9: {  	vm11 =	vge.f32 v3, $0.0e+00;
	(erf) = vpow2.f32 v0  }
0x1ba: {  	v3 =	vsel vm11, v3, v5  }
0x1bb: {  	v1 =	vadd.f32 v2, v1;
	v3 =	vmul.f32 $1.442695020e+00, v3  }
0x1bc: {  	v2 =	vmul.f32 $2.000000030e-01, v4  }
0x1bd: {  	vm1 =	vge.f32 v4, $0.0e+00;
	v0 =	vmul.f32 $2.000000030e-01, v1;
	(erf) = vpow2.f32 v3  }
0x1be: {  	vm12 =	vge.f32 v1, $0.0e+00;
	v2 =	vsel vm1, v4, v2  }
0x1bf: {  	v0 =	vsel vm12, v1, v0;
	v1 =	vmul.f32 $1.442695020e+00, v2  }
0x1c0: {  	s25 =	simm.s32 $0x1EF20  }
0x1c1: {  	s14 =	simm.s32 $0x1F6A0;
	v41 =	vld [tilespmem:s25+$0x0];
	v0 =	vmul.f32 $1.442695020e+00, v0;
	(erf) = vpow2.f32 v1  }
0x1c2: {  	v44 =	vld [tilespmem:s14+$0x0];
	v4 =	vpop (erf)  }
0x1c3: {  	v63 =	vld [tilespmem:s14+$0xFFFFFFD0];
	(erf) = vpow2.f32 v0;
	v11 =	vbroadcast v4, $0x0  }
0x1c4: {  	v58 =	vld [tilespmem:s25+$0xFFFFFFE0];
	v14 =	vbroadcast v4, $0x1;
	v15 =	vbroadcast v4, $0x2  }
0x1c5: {  	s13 =	simm.s32 $0x1D7A0;
	v60 =	vld [tilespmem:s14+$0xFFFFFFE0];
	[tilespmem:s18+$0x0] =	vst v4;
	v1 =	vbroadcast v4, $0x3;
	v0 =	vbroadcast v4, $0x4  }
0x1c6: {  	v8 =	vpop (erf);
	v3 =	vbroadcast v4, $0x5;
	v2 =	vbroadcast v4, $0x6;
	v5 =	vld [tilespmem:s13+$0x0]  }
0x1c7: {  	v4 =	vbroadcast v4, $0x7;
	v6 =	vld [tilespmem:s13+$0xFFFFFF90];
	v19 =	vbroadcast v8, $0x0  }
0x1c8: {  	v7 =	vld [tilespmem:s13+$0xFFFFFFA0];
	v21 =	vbroadcast v8, $0x1;
	v22 =	vbroadcast v8, $0x2  }
0x1c9: {  	[tilespmem:s18+$0xFFFFFFE0] =	vst v8;
	v9 =	vld [tilespmem:s13+$0xFFFFFFB0];
	v35 =	vbroadcast v8, $0x3;
	v37 =	vbroadcast v8, $0x4  }
0x1ca: {  	v38 =	vbroadcast v8, $0x5;
	v40 =	vbroadcast v8, $0x6;
	v12 =	vld [tilespmem:s13+$0xFFFFFE90];
	v10 =	vpop (erf)  }
0x1cb: {  	v8 =	vbroadcast v8, $0x7;
	v16 =	vld [tilespmem:s13+$0xFFFFFEA0];
	v42 =	vbroadcast v10, $0x0  }
0x1cc: {  	v36 =	vld [tilespmem:s13+$0xFFFFFEB0];
	v13 =	vpop (erf);
	v43 =	vbroadcast v10, $0x1;
	v61 =	vbroadcast v10, $0x2  }
0x1cd: {  	v39 =	vld [tilespmem:s13+$0xFFFFFEC0];
	v62 =	vbroadcast v10, $0x3;
	v56 =	vbroadcast v10, $0x4;
	[tilespmem:s18+$0xFFFFFFD0] =	vst v13  }
0x1ce: {  	v57 =	vbroadcast v10, $0x5;
	v59 =	vbroadcast v10, $0x6;
	v17 =	vld [tilespmem:s13+$0xFFFFFE10]  }
0x1cf: {  	v24 =	vbroadcast v13, $0x0;
	v26 =	vbroadcast v13, $0x1;
	v18 =	vld [tilespmem:s13+$0xFFFFFE20]  }
0x1d0: {  	v27 =	vbroadcast v13, $0x2;
	v29 =	vbroadcast v13, $0x3;
	v20 =	vld [tilespmem:s13+$0xFFFFFE30]  }
0x1d1: {  	v30 =	vbroadcast v13, $0x4;
	v32 =	vbroadcast v13, $0x5;
	v23 =	vld [tilespmem:s13+$0xFFFFFE40]  }
0x1d2: {  	v33 =	vbroadcast v13, $0x6;
	v13 =	vbroadcast v13, $0x7;
	v34 =	vld [tilespmem:s13+$0xFFFFFE80]  }
0x1d3: {  	v5 =	vmul.f32 v5, v4;
	v28 =	vld [tilespmem:s13+$0xFFFFFE60];
	v4 =	vbroadcast v10, $0x7  }
0x1d4: {  	v25 =	vld [tilespmem:s13+$0xFFFFFE50];
	v7 =	vmul.f32 v14, v7;
	v9 =	vmul.f32 v15, v9  }
0x1d5: {  	v31 =	vld [tilespmem:s13+$0xFFFFFE70];
	v12 =	vmul.f32 v19, v12;
	[tilespmem:s13+$0x0] =	vst v5;
	v5 =	vmul.f32 v11, v6  }
0x1d6: {  	v15 =	vld [tilespmem:s13+$0xFFFFFF00];
	v17 =	vmul.f32 v24, v17;
	v18 =	vmul.f32 v26, v18  }
0x1d7: {  	[tilespmem:s18+$0xFFFFFFF0] =	vst v10;
	v19 =	vadd.f32 v44, v41;
	v24 =	vld [tilespmem:s25+$0xFFFFFFF0];
	v10 =	vmul.f32 v34, v13;
	v13 =	vmul.f32 v21, v16  }
0x1d8: {  	[tilespmem:s13+$0xFFFFFE90] =	vst v12;
	v20 =	vmul.f32 v27, v20;
	v26 =	vld [tilespmem:s14+$0xFFFFFFF0];
	v27 =	vmul.f32 v28, v32  }
0x1d9: {  	v28 =	vld [tilespmem:s25+$0xFFFFFFD0];
	v21 =	vmul.f32 v22, v36;
	v22 =	vmul.f32 $2.000000030e-01, v19;
	[tilespmem:s13+$0xFFFFFEA0] =	vst v13  }
0x1da: {  	v6 =	vld [tilespmem:s13+$0xFFFFFEF0];
	v11 =	vadd.f32 v60, v58;
	v12 =	vmul.f32 v39, v35;
	vm13 =	vge.f32 v19, $0.0e+00;
	[tilespmem:s13+$0xFFFFFE10] =	vst v17  }
0x1db: {  	v23 =	vmul.f32 v23, v29;
	v25 =	vmul.f32 v25, v30;
	v30 =	vld [tilespmem:s13+$0xFFFFFED0];
	v14 =	vsel vm13, v19, v22;
	[tilespmem:s13+$0xFFFFFE20] =	vst v18  }
0x1dc: {  	vm14 =	vge.f32 v11, $0.0e+00;
	v16 =	vld [tilespmem:s13+$0xFFFFFEE0];
	v17 =	vmul.f32 $2.000000030e-01, v11;
	[tilespmem:s13+$0xFFFFFE30] =	vst v20;
	v14 =	vmul.f32 $1.442695020e+00, v14  }
0x1dd: {  	v29 =	vmul.f32 v31, v33;
	v19 =	vld [tilespmem:s13+$0xFFFFFF10];
	[tilespmem:s13+$0xFFFFFE60] =	vst v27;
	v27 =	vmul.f32 v15, v8;
	v13 =	vadd.f32 v26, v24  }
0x1de: {  	[tilespmem:s13+$0xFFFFFE40] =	vst v23;
	v23 =	vld [tilespmem:s13+$0xFFFFFF40];
	v11 =	vsel vm14, v11, v17;
	v18 =	vadd.f32 v63, v28;
	(erf) = vpow2.f32 v14  }
0x1df: {  	[tilespmem:s13+$0xFFFFFE50] =	vst v25;
	v25 =	vld [tilespmem:s13+$0xFFFFFF70];
	v11 =	vmul.f32 $1.442695020e+00, v11;
	v20 =	vmul.f32 $2.000000030e-01, v13  }
0x1e0: {  	v17 =	vld [tilespmem:s13+$0xFFFFFF30];
	v24 =	vmul.f32 v6, v40;
	vm15 =	vge.f32 v13, $0.0e+00;
	v22 =	vmul.f32 $2.000000030e-01, v18  }
0x1e1: {  	[tilespmem:s13+$0xFFFFFFA0] =	vst v7;
	v14 =	vld [tilespmem:s13+$0xFFFFFF20];
	vm2 =	vge.f32 v18, $0.0e+00;
	(erf) = vpow2.f32 v11;
	v13 =	vsel vm15, v13, v20  }
0x1e2: {  	[tilespmem:s13+$0xFFFFFFB0] =	vst v9;
	v11 =	vld [tilespmem:s13+$0xFFFFFF60];
	v28 =	vmul.f32 v42, v19;
	v18 =	vsel vm2, v18, v22;
	v13 =	vmul.f32 $1.442695020e+00, v13  }
0x1e3: {  	[tilespmem:s13+$0xFFFFFF90] =	vst v5;
	v22 =	vmul.f32 v16, v38;
	v16 =	vld [tilespmem:s13+$0xFFFFFF50];
	v5 =	vmul.f32 $1.442695020e+00, v18  }
0x1e4: {  	v7 =	vld [tilespmem:s13+$0xFFFFFFE0];
	[tilespmem:s13+$0xFFFFFEC0] =	vst v12;
	v23 =	vmul.f32 v23, v62;
	(erf) = vpow2.f32 v13  }
0x1e5: {  	[tilespmem:s13+$0xFFFFFE70] =	vst v29;
	v8 =	vld [tilespmem:s13+$0xFFFFFFF0];
	v63 =	vmul.f32 v25, v59;
	(erf) = vpow2.f32 v5  }
0x1e6: {  	[tilespmem:s13+$0xFFFFFE80] =	vst v10;
	v6 =	vld [tilespmem:s13+$0xFFFFFFC0];
	v20 =	vmul.f32 v30, v37;
	v17 =	vmul.f32 v61, v17  }
0x1e7: {  	[tilespmem:s13+$0xFFFFFEB0] =	vst v21;
	v29 =	vmul.f32 v43, v14;
	v13 =	vld [tilespmem:s13+$0xFFFFFF80];
	v62 =	vmul.f32 v11, v57;
	v21 =	vpop (erf)  }
0x1e8: {  	s15 =	simm.s32 $0x1D9A0;
	v5 =	vld [tilespmem:s13+$0xFFFFFFD0];
	v61 =	vmul.f32 v16, v56;
	[tilespmem:s25+$0x0] =	vst v21;
	v16 =	vbroadcast v21, $0x0  }
0x1e9: {  	[tilespmem:s13+$0xFFFFFF00] =	vst v27;
	v15 =	vbroadcast v21, $0x1;
	v14 =	vbroadcast v21, $0x2;
	v30 =	vld [tilespmem:s15+$0x0]  }
0x1ea: {  	[tilespmem:s13+$0xFFFFFF10] =	vst v28;
	v11 =	vbroadcast v21, $0x3;
	v12 =	vbroadcast v21, $0x4;
	v18 =	vld [tilespmem:s15+$0xFFFFFF90]  }
0x1eb: {  	[tilespmem:s13+$0xFFFFFED0] =	vst v20;
	v9 =	vbroadcast v21, $0x5;
	v10 =	vbroadcast v21, $0x6;
	v19 =	vld [tilespmem:s15+$0xFFFFFFA0];
	v20 =	vpop (erf)  }
0x1ec: {  	v21 =	vbroadcast v21, $0x7;
	v26 =	vld [tilespmem:s15+$0xFFFFFFB0];
	[tilespmem:s25+$0xFFFFFFE0] =	vst v20;
	v32 =	vbroadcast v20, $0x0  }
0x1ed: {  	[tilespmem:s13+$0xFFFFFEE0] =	vst v22;
	v33 =	vbroadcast v20, $0x1;
	v31 =	vbroadcast v20, $0x2;
	v34 =	vld [tilespmem:s15+$0xFFFFFE90];
	v56 =	vpop (erf)  }
0x1ee: {  	[tilespmem:s13+$0xFFFFFF20] =	vst v29;
	v40 =	vbroadcast v20, $0x3;
	v29 =	vbroadcast v20, $0x5;
	v39 =	vld [tilespmem:s15+$0xFFFFFEA0];
	v22 =	vpop (erf)  }
0x1ef: {  	v28 =	vbroadcast v20, $0x6;
	v27 =	vbroadcast v20, $0x7;
	v38 =	vld [tilespmem:s15+$0xFFFFFEB0];
	[tilespmem:s25+$0xFFFFFFD0] =	vst v22  }
0x1f0: {  	v21 =	vmul.f32 v30, v21;
	v30 =	vbroadcast v20, $0x4;
	v47 =	vld [tilespmem:s15+$0xFFFFFE10]  }
0x1f1: {  	[tilespmem:s13+$0xFFFFFF40] =	vst v23;
	v20 =	vbroadcast v56, $0x1;
	v23 =	vbroadcast v56, $0x2;
	v50 =	vld [tilespmem:s15+$0xFFFFFE20]  }
0x1f2: {  	[tilespmem:s13+$0xFFFFFEF0] =	vst v24;
	v25 =	vbroadcast v56, $0x4;
	v24 =	vbroadcast v56, $0x5;
	v51 =	vld [tilespmem:s15+$0xFFFFFE30]  }
0x1f3: {  	[tilespmem:s13+$0xFFFFFF30] =	vst v17;
	v17 =	vbroadcast v56, $0x6;
	v35 =	vbroadcast v56, $0x7;
	v52 =	vld [tilespmem:s15+$0xFFFFFE40]  }
0x1f4: {  	[tilespmem:s13+$0xFFFFFF70] =	vst v63;
	v41 =	vbroadcast v22, $0x0;
	v48 =	vbroadcast v22, $0x1;
	v53 =	vld [tilespmem:s15+$0xFFFFFE50]  }
0x1f5: {  	[tilespmem:s13+$0xFFFFFF60] =	vst v62;
	v45 =	vbroadcast v22, $0x2;
	v49 =	vbroadcast v22, $0x3;
	v36 =	vld [tilespmem:s15+$0xFFFFFE60]  }
0x1f6: {  	[tilespmem:s13+$0xFFFFFF50] =	vst v61;
	v44 =	vbroadcast v22, $0x4;
	v46 =	vbroadcast v22, $0x5;
	v37 =	vld [tilespmem:s15+$0xFFFFFE70]  }
0x1f7: {  	[tilespmem:s25+$0xFFFFFFF0] =	vst v56;
	v42 =	vbroadcast v22, $0x6;
	v43 =	vbroadcast v22, $0x7;
	v54 =	vld [tilespmem:s15+$0xFFFFFE80]  }
0x1f8: {  	s16 =	simm.s32 $0x1D9A0;
	s8 =	simm.s32 $0x1EF60;
	s18 =	simm.s32 $0x4;
	v55 =	vld [tilespmem:s15+$0xFFFFFEC0];
	v22 =	vbroadcast v56, $0x0;
	[tilespmem:s15+$0x0] =	vst v21;
	v21 =	vbroadcast v56, $0x3  }
.LBB2_7:
0x1f9: {  	v56 =	vld [tilespmem:s8+$0x0];
	v41 =	vmul.f32 v41, v47;
	v47 =	vmul.f32 v48, v50;
	s14 =	sadd.s32 $0x40, s14  }
0x1fa: {  	s18 =	sadd.s32 $0x4, s18;
	v45 =	vmul.f32 v45, v51;
	v49 =	vmul.f32 v52, v49;
	v48 =	vld [tilespmem:s14+$0x0]  }
0x1fb: {  	v36 =	vmul.f32 v36, v46;
	p0 =	slt.u32 s18, $0x24;
	v50 =	vld [tilespmem:s14+$0xFFFFFFD0];
	[tilespmem:s15+$0xFFFFFE10] =	vst v41;
	v41 =	vmul.f32 v53, v44  }
0x1fc: {  	v37 =	vmul.f32 v37, v42;
	v42 =	vmul.f32 v54, v43;
	v44 =	vld [tilespmem:s8+$0xFFFFFFE0];
	[tilespmem:s15+$0xFFFFFE20] =	vst v47  }
0x1fd: {  	v32 =	vmul.f32 v32, v34;
	v33 =	vmul.f32 v33, v39;
	v43 =	vld [tilespmem:s14+$0xFFFFFFE0];
	[tilespmem:s15+$0xFFFFFE30] =	vst v45  }
0x1fe: {  	v31 =	vmul.f32 v31, v38;
	v39 =	vmul.f32 v55, v40;
	v34 =	vld [tilespmem:s8+$0xFFFFFFF0];
	[tilespmem:s15+$0xFFFFFE40] =	vst v49  }
0x1ff: {  	v16 =	vmul.f32 v16, v18;
	v13 =	vmul.f32 v13, v4;
	v40 =	vld [tilespmem:s14+$0xFFFFFFF0];
	v38 =	vadd.f32 v48, v56;
	[tilespmem:s15+$0xFFFFFE50] =	vst v41  }
0x200: {  	v15 =	vmul.f32 v15, v19;
	v14 =	vmul.f32 v14, v26;
	v4 =	vmov v35;
	v18 =	vld [tilespmem:s8+$0xFFFFFFD0];
	[tilespmem:s15+$0xFFFFFE60] =	vst v36  }
0x201: {  	v36 =	vmul.f32 v6, v1;
	v1 =	vmov v11;
	v19 =	vmul.f32 $2.000000030e-01, v38;
	[tilespmem:s15+$0xFFFFFE70] =	vst v37;
	v26 =	vld [tilespmem:s15+$0xFFFFFED0]  }
0x202: {  	vm0 =	vge.f32 v38, $0.0e+00;
	v37 =	vmul.f32 v5, v0;
	v0 =	vmovc v12;
	v6 =	vadd.f32 v43, v44;
	[tilespmem:s15+$0xFFFFFE80] =	vst v42;
	v11 =	vld [tilespmem:s15+$0xFFFFFEE0]  }
0x203: {  	v35 =	vmul.f32 v8, v2;
	v5 =	vsel vm0, v38, v19;
	[tilespmem:s15+$0xFFFFFE90] =	vst v32;
	v12 =	vld [tilespmem:s15+$0xFFFFFEF0];
	v38 =	vmul.f32 v7, v3  }
0x204: {  	v2 =	vmovc v10;
	v3 =	vmovc v9;
	v7 =	vmul.f32 $2.000000030e-01, v6;
	v8 =	vadd.f32 v40, v34;
	v5 =	vmul.f32 $1.442695020e+00, v5;
	[tilespmem:s15+$0xFFFFFEA0] =	vst v33;
	v19 =	vld [tilespmem:s15+$0xFFFFFF00]  }
0x205: {  	vm0 =	vge.f32 v6, $0.0e+00;
	v9 =	vadd.f32 v50, v18;
	[tilespmem:s15+$0xFFFFFEB0] =	vst v31;
	v10 =	vld [tilespmem:s15+$0xFFFFFF10]  }
0x206: {  	vm1 =	vge.f32 v8, $0.0e+00;
	v18 =	vmul.f32 $2.000000030e-01, v8;
	(erf) = vpow2.f32 v5;
	[tilespmem:s15+$0xFFFFFEC0] =	vst v39;
	v5 =	vld [tilespmem:s15+$0xFFFFFF20]  }
0x207: {  	v6 =	vsel vm0, v6, v7;
	vm2 =	vge.f32 v9, $0.0e+00;
	v31 =	vmul.f32 $2.000000030e-01, v9;
	v7 =	vld [tilespmem:s15+$0xFFFFFF30];
	[tilespmem:s13+$0xFFFFFF80] =	vst v13  }
0x208: {  	v6 =	vmul.f32 $1.442695020e+00, v6;
	v13 =	vmul.f32 v26, v30;
	v8 =	vsel vm1, v8, v18;
	v18 =	vld [tilespmem:s15+$0xFFFFFF40];
	[tilespmem:s15+$0xFFFFFF90] =	vst v16  }
0x209: {  	v11 =	vmul.f32 v11, v29;
	v9 =	vsel vm2, v9, v31;
	v8 =	vmul.f32 $1.442695020e+00, v8;
	v16 =	vld [tilespmem:s15+$0xFFFFFF50];
	[tilespmem:s15+$0xFFFFFFA0] =	vst v15  }
0x20a: {  	v9 =	vmul.f32 $1.442695020e+00, v9;
	(erf) = vpow2.f32 v6;
	[tilespmem:s15+$0xFFFFFED0] =	vst v13;
	v15 =	vld [tilespmem:s15+$0xFFFFFF60]  }
0x20b: {  	v6 =	vmul.f32 v12, v28;
	(erf) = vpow2.f32 v8;
	[tilespmem:s15+$0xFFFFFEE0] =	vst v11;
	v26 =	vld [tilespmem:s15+$0xFFFFFF70]  }
0x20c: {  	v8 =	vmul.f32 v19, v27;
	(erf) = vpow2.f32 v9;
	v13 =	vld [tilespmem:s15+$0xFFFFFF80];
	[tilespmem:s15+$0xFFFFFFB0] =	vst v14  }
0x20d: {  	v9 =	vmul.f32 v22, v10;
	v10 =	vmul.f32 v20, v5;
	[tilespmem:s15+$0xFFFFFEF0] =	vst v6;
	v6 =	vld [tilespmem:s15+$0xFFFFFFC0]  }
0x20e: {  	v19 =	vmul.f32 v23, v7;
	v20 =	vmul.f32 v18, v21;
	[tilespmem:s15+$0xFFFFFF00] =	vst v8;
	v5 =	vld [tilespmem:s15+$0xFFFFFFD0]  }
0x20f: {  	v22 =	vmul.f32 v16, v25;
	v21 =	vpop (erf);
	[tilespmem:s15+$0xFFFFFF10] =	vst v9;
	v23 =	vmul.f32 v15, v24;
	v7 =	vld [tilespmem:s15+$0xFFFFFFE0]  }
0x210: {  	s15 =	sadd.s32 $0x200, s15;
	[tilespmem:s8+$0x0] =	vst v21;
	v16 =	vbroadcast v21, $0x0;
	v15 =	vbroadcast v21, $0x1;
	v8 =	vld [tilespmem:s16+$0xFFFFFFF0]  }
0x211: {  	v14 =	vbroadcast v21, $0x2;
	v11 =	vbroadcast v21, $0x3;
	v24 =	vld [tilespmem:s15+$0x0];
	[tilespmem:s16+$0xFFFFFF20] =	vst v10  }
0x212: {  	v12 =	vbroadcast v21, $0x4;
	v9 =	vbroadcast v21, $0x5;
	v18 =	vld [tilespmem:s15+$0xFFFFFF90];
	[tilespmem:s16+$0xFFFFFF30] =	vst v19  }
0x213: {  	v17 =	vmul.f32 v26, v17;
	v10 =	vbroadcast v21, $0x6;
	v19 =	vld [tilespmem:s15+$0xFFFFFFA0];
	v25 =	vpop (erf);
	[tilespmem:s16+$0xFFFFFF40] =	vst v20  }
0x214: {  	v20 =	vbroadcast v21, $0x7;
	[tilespmem:s8+$0xFFFFFFE0] =	vst v25;
	v32 =	vbroadcast v25, $0x0;
	v26 =	vld [tilespmem:s15+$0xFFFFFFB0];
	v56 =	vpop (erf)  }
0x215: {  	v33 =	vbroadcast v25, $0x1;
	v31 =	vbroadcast v25, $0x2;
	v34 =	vld [tilespmem:s15+$0xFFFFFE90];
	[tilespmem:s8+$0xFFFFFFF0] =	vst v56;
	v21 =	vpop (erf)  }
0x216: {  	[tilespmem:s8+$0xFFFFFFD0] =	vst v21;
	v41 =	vbroadcast v21, $0x0;
	v39 =	vld [tilespmem:s15+$0xFFFFFEA0];
	v20 =	vmul.f32 v24, v20  }
0x217: {  	v48 =	vbroadcast v21, $0x1;
	v45 =	vbroadcast v21, $0x2;
	v47 =	vld [tilespmem:s15+$0xFFFFFE10];
	[tilespmem:s16+$0xFFFFFF50] =	vst v22  }
0x218: {  	v49 =	vbroadcast v21, $0x3;
	v44 =	vbroadcast v21, $0x4;
	v50 =	vld [tilespmem:s15+$0xFFFFFE20];
	[tilespmem:s15+$0x0] =	vst v20  }
0x219: {  	v46 =	vbroadcast v21, $0x5;
	v42 =	vbroadcast v21, $0x6;
	v51 =	vld [tilespmem:s15+$0xFFFFFE30];
	[tilespmem:s16+$0xFFFFFF60] =	vst v23  }
0x21a: {  	v40 =	vbroadcast v25, $0x3;
	v43 =	vbroadcast v21, $0x7;
	v52 =	vld [tilespmem:s15+$0xFFFFFE40];
	[tilespmem:s16+$0xFFFFFF70] =	vst v17  }
0x21b: {  	v30 =	vbroadcast v25, $0x4;
	v29 =	vbroadcast v25, $0x5;
	v53 =	vld [tilespmem:s15+$0xFFFFFE50];
	[tilespmem:s13+$0xFFFFFFC0] =	vst v36  }
.Ltmp2:
0x21c: {  	v28 =	vbroadcast v25, $0x6;
	v27 =	vbroadcast v25, $0x7;
	v36 =	vld [tilespmem:s15+$0xFFFFFE60];
	[tilespmem:s13+$0xFFFFFFD0] =	vst v37;
	(pc) =	sbr.rel @p0 .LBB2_7-.Ltmp2, $4  }
0x21d: {  	v22 =	vbroadcast v56, $0x0;
	v20 =	vbroadcast v56, $0x1;
	v37 =	vld [tilespmem:s15+$0xFFFFFE70];
	[tilespmem:s13+$0xFFFFFFE0] =	vst v38  }
0x21e: {  	v21 =	vbroadcast v56, $0x3;
	v23 =	vbroadcast v56, $0x2;
	v54 =	vld [tilespmem:s15+$0xFFFFFE80];
	[tilespmem:s13+$0xFFFFFFF0] =	vst v35;
	s13 =	smov.u32 s16;
	s16 =	smov.u32 s15  }
0x21f: {  	v25 =	vbroadcast v56, $0x4;
	v24 =	vbroadcast v56, $0x5;
	v38 =	vld [tilespmem:s15+$0xFFFFFEB0]  }
0x220: {  	s8 =	sadd.s32 $0x40, s8;
	v17 =	vbroadcast v56, $0x6;
	v35 =	vbroadcast v56, $0x7;
	v55 =	vld [tilespmem:s15+$0xFFFFFEC0]  }
0x221: {  	v41 =	vmul.f32 v41, v47  }
0x222: {  	v58 =	vmul.f32 v48, v50  }
0x223: {  	v45 =	vmul.f32 v45, v51;
	[tilespmem:s15+$0xFFFFFE10] =	vst v41  }
0x224: {  	v59 =	vmul.f32 v52, v49;
	[tilespmem:s15+$0xFFFFFE20] =	vst v58  }
0x225: {  	v44 =	vmul.f32 v53, v44;
	[tilespmem:s15+$0xFFFFFE30] =	vst v45  }
0x226: {  	v36 =	vmul.f32 v36, v46;
	[tilespmem:s15+$0xFFFFFE40] =	vst v59  }
0x227: {  	v32 =	vmul.f32 v32, v34;
	[tilespmem:s15+$0xFFFFFE50] =	vst v44  }
0x228: {  	v33 =	vmul.f32 v33, v39;
	[tilespmem:s15+$0xFFFFFE60] =	vst v36  }
0x229: {  	v4 =	vmul.f32 v13, v4;
	[tilespmem:s15+$0xFFFFFE90] =	vst v32  }
0x22a: {  	v15 =	vmul.f32 v15, v19;
	[tilespmem:s15+$0xFFFFFEA0] =	vst v33  }
0x22b: {  	v14 =	vmul.f32 v14, v26;
	[tilespmem:s13+$0xFFFFFF80] =	vst v4  }
0x22c: {  	v1 =	vmul.f32 v6, v1;
	[tilespmem:s15+$0xFFFFFFA0] =	vst v15  }
0x22d: {  	v0 =	vmul.f32 v5, v0;
	[tilespmem:s15+$0xFFFFFFB0] =	vst v14  }
0x22e: {  	v3 =	vmul.f32 v7, v3;
	[tilespmem:s13+$0xFFFFFFC0] =	vst v1  }
0x22f: {  	v60 =	vld [tilespmem:s15+$0xFFFFFED0];
	v57 =	vmul.f32 v8, v2;
	[tilespmem:s13+$0xFFFFFFD0] =	vst v0  }
0x230: {  	v61 =	vld [tilespmem:s15+$0xFFFFFEE0];
	v37 =	vmul.f32 v37, v42;
	[tilespmem:s13+$0xFFFFFFE0] =	vst v3  }
0x231: {  	v63 =	vld [tilespmem:s15+$0xFFFFFEF0];
	v62 =	vmul.f32 v54, v43;
	[tilespmem:s13+$0xFFFFFFF0] =	vst v57  }
0x232: {  	v39 =	vld [tilespmem:s15+$0xFFFFFF00];
	[tilespmem:s15+$0xFFFFFE70] =	vst v37;
	v31 =	vmul.f32 v31, v38  }
0x233: {  	v46 =	vld [tilespmem:s15+$0xFFFFFF40];
	v38 =	vmul.f32 v55, v40;
	[tilespmem:s15+$0xFFFFFE80] =	vst v62  }
0x234: {  	v56 =	vld [tilespmem:s15+$0xFFFFFFE0];
	v40 =	vmul.f32 v16, v18;
	[tilespmem:s15+$0xFFFFFEB0] =	vst v31  }
0x235: {  	v41 =	vld [tilespmem:s15+$0xFFFFFF10];
	v43 =	vmul.f32 v60, v30;
	[tilespmem:s15+$0xFFFFFEC0] =	vst v38  }
0x236: {  	v54 =	vld [tilespmem:s15+$0xFFFFFFC0];
	v45 =	vmul.f32 v61, v29;
	[tilespmem:s15+$0xFFFFFF90] =	vst v40  }
0x237: {  	v42 =	vld [tilespmem:s15+$0xFFFFFF20];
	v48 =	vmul.f32 v63, v28;
	[tilespmem:s15+$0xFFFFFED0] =	vst v43  }
0x238: {  	v44 =	vld [tilespmem:s15+$0xFFFFFF30];
	v27 =	vmul.f32 v39, v27;
	[tilespmem:s15+$0xFFFFFEE0] =	vst v45  }
0x239: {  	v47 =	vld [tilespmem:s15+$0xFFFFFF50];
	v62 =	vmul.f32 v56, v9;
	[tilespmem:s15+$0xFFFFFEF0] =	vst v48  }
0x23a: {  	v49 =	vld [tilespmem:s15+$0xFFFFFF60];
	v16 =	vmul.f32 v22, v41;
	[tilespmem:s15+$0xFFFFFF00] =	vst v27  }
0x23b: {  	v55 =	vld [tilespmem:s15+$0xFFFFFFD0];
	v60 =	vmul.f32 v54, v11;
	[tilespmem:s16+$0xFFFFFFE0] =	vst v62  }
0x23c: {  	v50 =	vld [tilespmem:s15+$0xFFFFFF70];
	v4 =	vmul.f32 v20, v42;
	[tilespmem:s15+$0xFFFFFF10] =	vst v16  }
0x23d: {  	v51 =	vld [tilespmem:s15+$0xFFFFFF80];
	v13 =	vmul.f32 v23, v44;
	[tilespmem:s16+$0xFFFFFFC0] =	vst v60  }
0x23e: {  	v15 =	vmul.f32 v46, v21;
	[tilespmem:s16+$0xFFFFFF20] =	vst v4  }
0x23f: {  	v52 =	vmul.f32 v47, v25;
	v58 =	vld [tilespmem:s16+$0xFFFFFFF0];
	[tilespmem:s16+$0xFFFFFF30] =	vst v13  }
0x240: {  	v53 =	vmul.f32 v49, v24;
	[tilespmem:s16+$0xFFFFFF40] =	vst v15  }
0x241: {  	v14 =	vmul.f32 v50, v17;
	[tilespmem:s16+$0xFFFFFF50] =	vst v52  }
0x242: {  	v59 =	vmul.f32 v51, v35;
	[tilespmem:s16+$0xFFFFFF60] =	vst v53  }
0x243: {  	s8 =	smul.u32 $0xA0, s12;
	s11 =	sadd.s32 $0x1, s11;
	v61 =	vmul.f32 v55, v12;
	[tilespmem:s16+$0xFFFFFF70] =	vst v14  }
0x244: {  	p0 =	sne.s32 s11, $0x53;
	[tilespmem:s16+$0xFFFFFF80] =	vst v59;
	v63 =	vmul.f32 v58, v10  }
.Ltmp3:
0x245: {  	s8 =	sshra.s32 s8, $0x2;
	[tilespmem:s16+$0xFFFFFFD0] =	vst v61;
	(pc) =	sbr.rel @p0 .LBB2_2-.Ltmp3, $4  }
0x246: {  	s8 =	sadd.s32 $0x186A0, s8;
	[tilespmem:s16+$0xFFFFFFF0] =	vst v63  }
0x247: {  	[spmem:s3] =	stream.indirect.scatter.add.f32 [tilespmem:s31], [sflag:$0x6], $0x80, s8, s21, $0xb8;
	[tilespmem:$0x1F8B0] =	vst v63  }
0x248: {  	_ = 	snop  }
0x249: {  	[spmem:s4] =	stream.indirect.scatter.add.f32 [tilespmem:s2], [sflag:$0x6], $0x10, s8, s21, $0xb8;
	[tilespmem:$0x1F8B0] =	vst v63  }
0x24a: {  	_ =	swait.ge [sflag:s29], $0x1400  }
0x24b: {  	[sflag:s29] =	ssyncset.done $0x0  }
0x24c: {  	[sflag:s29] =	ssyncadd.s32 $0xFFFFEC00  }
0x24d: {  	_ =	swait.ge [sflag:s29], $0x280  }
0x24e: {  	[sflag:s29] =	ssyncset.done $0x0  }
0x24f: {  	[sflag:s29] =	ssyncadd.s32 $0xFFFFFD80  }
0x250: {  	_ =	swait.ge [sflag:s29], $0x280  }
0x251: {  	[sflag:s29] =	ssyncset.done $0x0  }
0x252: {  	s13 =	simm.s32 $0x1E9D0;
	[sflag:s29] =	ssyncadd.s32 $0xFFFFFD80  }
0x253: {  	s8 =	simm.s32 $0x1F150;
	v0 =	vld [tilespmem:s13+$0x10]  }
0x254: {  	v1 =	vld [tilespmem:s8+$0x10];
	_ =	sdelay $0x2  }
0x255: {  	v3 =	vld [tilespmem:s13+$0xFFFFFFF0]  }
0x256: {  	v4 =	vld [tilespmem:s8+$0xFFFFFFF0]  }
0x257: {  	v5 =	vld [tilespmem:s13+$0x0];
	v0 =	vadd.f32 v1, v0  }
0x258: {  	v6 =	vld [tilespmem:s8+$0x0]  }
0x259: {  	v7 =	vmul.f32 $2.000000030e-01, v0  }
0x25a: {  	v2 =	vld [tilespmem:s8+$0xFFFFFFE0];
	vm0 =	vge.f32 v0, $0.0e+00  }
0x25b: {  	v1 =	vld [tilespmem:s13+$0xFFFFFFE0];
	v3 =	vadd.f32 v4, v3;
	v0 =	vsel vm0, v0, v7  }
0x25c: {  	v0 =	vmul.f32 $1.442695020e+00, v0  }
0x25d: {  	v4 =	vadd.f32 v6, v5;
	v5 =	vmul.f32 $2.000000030e-01, v3  }
0x25e: {  	vm11 =	vge.f32 v3, $0.0e+00;
	(erf) = vpow2.f32 v0  }
0x25f: {  	v3 =	vsel vm11, v3, v5  }
0x260: {  	v1 =	vadd.f32 v2, v1;
	v3 =	vmul.f32 $1.442695020e+00, v3  }
0x261: {  	v2 =	vmul.f32 $2.000000030e-01, v4  }
0x262: {  	vm1 =	vge.f32 v4, $0.0e+00;
	v0 =	vmul.f32 $2.000000030e-01, v1;
	(erf) = vpow2.f32 v3  }
0x263: {  	vm12 =	vge.f32 v1, $0.0e+00;
	v2 =	vsel vm1, v4, v2  }
0x264: {  	v0 =	vsel vm12, v1, v0;
	v1 =	vmul.f32 $1.442695020e+00, v2  }
0x265: {  	s25 =	simm.s32 $0x1EA10  }
0x266: {  	s12 =	simm.s32 $0x1F190;
	v41 =	vld [tilespmem:s25+$0x10];
	v0 =	vmul.f32 $1.442695020e+00, v0;
	(erf) = vpow2.f32 v1  }
0x267: {  	v44 =	vld [tilespmem:s12+$0x10];
	v4 =	vpop (erf)  }
0x268: {  	v47 =	vld [tilespmem:s12+$0xFFFFFFE0];
	(erf) = vpow2.f32 v0;
	v11 =	vbroadcast v4, $0x0  }
0x269: {  	v50 =	vld [tilespmem:s25+$0xFFFFFFF0];
	v14 =	vbroadcast v4, $0x1;
	v15 =	vbroadcast v4, $0x2  }
0x26a: {  	s11 =	simm.s32 $0x1AEB0;
	v52 =	vld [tilespmem:s12+$0xFFFFFFF0];
	[tilespmem:s13+$0x10] =	vst v4;
	v1 =	vbroadcast v4, $0x3;
	v0 =	vbroadcast v4, $0x4  }
0x26b: {  	v8 =	vpop (erf);
	v3 =	vbroadcast v4, $0x5;
	v2 =	vbroadcast v4, $0x6;
	v5 =	vld [tilespmem:s11+$0xF0]  }
0x26c: {  	v4 =	vbroadcast v4, $0x7;
	v6 =	vld [tilespmem:s11+$0x80];
	v19 =	vbroadcast v8, $0x0  }
0x26d: {  	v7 =	vld [tilespmem:s11+$0x90];
	v21 =	vbroadcast v8, $0x1;
	v22 =	vbroadcast v8, $0x2  }
0x26e: {  	[tilespmem:s13+$0xFFFFFFF0] =	vst v8;
	v9 =	vld [tilespmem:s11+$0xA0];
	v35 =	vbroadcast v8, $0x3;
	v37 =	vbroadcast v8, $0x4  }
0x26f: {  	v38 =	vbroadcast v8, $0x5;
	v40 =	vbroadcast v8, $0x6;
	v12 =	vld [tilespmem:s11+$0xFFFFFF80];
	v10 =	vpop (erf)  }
0x270: {  	v8 =	vbroadcast v8, $0x7;
	v16 =	vld [tilespmem:s11+$0xFFFFFF90];
	v42 =	vbroadcast v10, $0x0  }
0x271: {  	v36 =	vld [tilespmem:s11+$0xFFFFFFA0];
	v13 =	vpop (erf);
	v43 =	vbroadcast v10, $0x1;
	v45 =	vbroadcast v10, $0x2  }
0x272: {  	v39 =	vld [tilespmem:s11+$0xFFFFFFB0];
	v46 =	vbroadcast v10, $0x3;
	v48 =	vbroadcast v10, $0x4;
	[tilespmem:s13+$0xFFFFFFE0] =	vst v13  }
0x273: {  	v49 =	vbroadcast v10, $0x5;
	v51 =	vbroadcast v10, $0x6;
	v17 =	vld [tilespmem:s11+$0xFFFFFF00]  }
0x274: {  	v24 =	vbroadcast v13, $0x0;
	v26 =	vbroadcast v13, $0x1;
	v18 =	vld [tilespmem:s11+$0xFFFFFF10]  }
0x275: {  	v27 =	vbroadcast v13, $0x2;
	v29 =	vbroadcast v13, $0x3;
	v20 =	vld [tilespmem:s11+$0xFFFFFF20]  }
0x276: {  	v30 =	vbroadcast v13, $0x4;
	v32 =	vbroadcast v13, $0x5;
	v23 =	vld [tilespmem:s11+$0xFFFFFF30]  }
0x277: {  	v33 =	vbroadcast v13, $0x6;
	v13 =	vbroadcast v13, $0x7;
	v34 =	vld [tilespmem:s11+$0xFFFFFF70]  }
0x278: {  	v5 =	vmul.f32 v5, v4;
	v28 =	vld [tilespmem:s11+$0xFFFFFF50];
	v4 =	vbroadcast v10, $0x7  }
0x279: {  	v25 =	vld [tilespmem:s11+$0xFFFFFF40];
	v7 =	vmul.f32 v14, v7;
	v9 =	vmul.f32 v15, v9  }
0x27a: {  	v31 =	vld [tilespmem:s11+$0xFFFFFF60];
	v12 =	vmul.f32 v19, v12;
	[tilespmem:s11+$0xF0] =	vst v5;
	v5 =	vmul.f32 v11, v6  }
0x27b: {  	v15 =	vld [tilespmem:s11+$0xFFFFFFF0];
	v17 =	vmul.f32 v24, v17;
	v18 =	vmul.f32 v26, v18  }
0x27c: {  	[tilespmem:s13+$0x0] =	vst v10;
	v19 =	vadd.f32 v44, v41;
	v24 =	vld [tilespmem:s25+$0x0];
	v10 =	vmul.f32 v34, v13;
	v13 =	vmul.f32 v21, v16  }
0x27d: {  	[tilespmem:s11+$0xFFFFFF80] =	vst v12;
	v20 =	vmul.f32 v27, v20;
	v26 =	vld [tilespmem:s12+$0x0];
	v27 =	vmul.f32 v28, v32  }
0x27e: {  	v28 =	vld [tilespmem:s25+$0xFFFFFFE0];
	v21 =	vmul.f32 v22, v36;
	v22 =	vmul.f32 $2.000000030e-01, v19;
	[tilespmem:s11+$0xFFFFFF90] =	vst v13  }
0x27f: {  	v6 =	vld [tilespmem:s11+$0xFFFFFFE0];
	v11 =	vadd.f32 v52, v50;
	v12 =	vmul.f32 v39, v35;
	vm13 =	vge.f32 v19, $0.0e+00;
	[tilespmem:s11+$0xFFFFFF00] =	vst v17  }
0x280: {  	v23 =	vmul.f32 v23, v29;
	v25 =	vmul.f32 v25, v30;
	v30 =	vld [tilespmem:s11+$0xFFFFFFC0];
	v14 =	vsel vm13, v19, v22;
	[tilespmem:s11+$0xFFFFFF10] =	vst v18  }
0x281: {  	vm14 =	vge.f32 v11, $0.0e+00;
	v16 =	vld [tilespmem:s11+$0xFFFFFFD0];
	v17 =	vmul.f32 $2.000000030e-01, v11;
	[tilespmem:s11+$0xFFFFFF20] =	vst v20;
	v14 =	vmul.f32 $1.442695020e+00, v14  }
0x282: {  	v29 =	vmul.f32 v31, v33;
	v19 =	vld [tilespmem:s11+$0x0];
	[tilespmem:s11+$0xFFFFFF50] =	vst v27;
	v27 =	vmul.f32 v15, v8;
	v13 =	vadd.f32 v26, v24  }
0x283: {  	[tilespmem:s11+$0xFFFFFF30] =	vst v23;
	v23 =	vld [tilespmem:s11+$0x30];
	v11 =	vsel vm14, v11, v17;
	v18 =	vadd.f32 v47, v28;
	(erf) = vpow2.f32 v14  }
0x284: {  	[tilespmem:s11+$0xFFFFFF40] =	vst v25;
	v25 =	vld [tilespmem:s11+$0x60];
	v11 =	vmul.f32 $1.442695020e+00, v11;
	v20 =	vmul.f32 $2.000000030e-01, v13  }
0x285: {  	v17 =	vld [tilespmem:s11+$0x20];
	v24 =	vmul.f32 v6, v40;
	vm15 =	vge.f32 v13, $0.0e+00;
	v22 =	vmul.f32 $2.000000030e-01, v18  }
0x286: {  	[tilespmem:s11+$0x90] =	vst v7;
	v14 =	vld [tilespmem:s11+$0x10];
	vm2 =	vge.f32 v18, $0.0e+00;
	(erf) = vpow2.f32 v11;
	v13 =	vsel vm15, v13, v20  }
0x287: {  	[tilespmem:s11+$0xA0] =	vst v9;
	v11 =	vld [tilespmem:s11+$0x50];
	v28 =	vmul.f32 v42, v19;
	v18 =	vsel vm2, v18, v22;
	v13 =	vmul.f32 $1.442695020e+00, v13  }
0x288: {  	[tilespmem:s11+$0x80] =	vst v5;
	v22 =	vmul.f32 v16, v38;
	v16 =	vld [tilespmem:s11+$0x40];
	v5 =	vmul.f32 $1.442695020e+00, v18  }
0x289: {  	v7 =	vld [tilespmem:s11+$0xD0];
	[tilespmem:s11+$0xFFFFFFB0] =	vst v12;
	v23 =	vmul.f32 v23, v46;
	(erf) = vpow2.f32 v13  }
0x28a: {  	[tilespmem:s11+$0xFFFFFF60] =	vst v29;
	v8 =	vld [tilespmem:s11+$0xE0];
	v55 =	vmul.f32 v25, v51;
	(erf) = vpow2.f32 v5  }
0x28b: {  	[tilespmem:s11+$0xFFFFFF70] =	vst v10;
	v6 =	vld [tilespmem:s11+$0xB0];
	v20 =	vmul.f32 v30, v37;
	v17 =	vmul.f32 v45, v17  }
0x28c: {  	[tilespmem:s11+$0xFFFFFFA0] =	vst v21;
	v29 =	vmul.f32 v43, v14;
	v13 =	vld [tilespmem:s11+$0x70];
	v63 =	vmul.f32 v11, v49;
	v21 =	vpop (erf)  }
0x28d: {  	s13 =	simm.s32 $0x1B0B0;
	v5 =	vld [tilespmem:s11+$0xC0];
	v62 =	vmul.f32 v16, v48;
	[tilespmem:s25+$0x10] =	vst v21;
	v16 =	vbroadcast v21, $0x0  }
0x28e: {  	[tilespmem:s11+$0xFFFFFFF0] =	vst v27;
	v15 =	vbroadcast v21, $0x1;
	v14 =	vbroadcast v21, $0x2;
	v30 =	vld [tilespmem:s13+$0xF0]  }
0x28f: {  	[tilespmem:s11+$0x0] =	vst v28;
	v11 =	vbroadcast v21, $0x3;
	v12 =	vbroadcast v21, $0x4;
	v18 =	vld [tilespmem:s13+$0x80]  }
0x290: {  	[tilespmem:s11+$0xFFFFFFC0] =	vst v20;
	v9 =	vbroadcast v21, $0x5;
	v10 =	vbroadcast v21, $0x6;
	v19 =	vld [tilespmem:s13+$0x90];
	v20 =	vpop (erf)  }
0x291: {  	v21 =	vbroadcast v21, $0x7;
	v26 =	vld [tilespmem:s13+$0xA0];
	[tilespmem:s25+$0xFFFFFFF0] =	vst v20;
	v32 =	vbroadcast v20, $0x0  }
0x292: {  	[tilespmem:s11+$0xFFFFFFD0] =	vst v22;
	v33 =	vbroadcast v20, $0x1;
	v31 =	vbroadcast v20, $0x2;
	v34 =	vld [tilespmem:s13+$0xFFFFFF80];
	v56 =	vpop (erf)  }
0x293: {  	[tilespmem:s11+$0x10] =	vst v29;
	v40 =	vbroadcast v20, $0x3;
	v29 =	vbroadcast v20, $0x5;
	v39 =	vld [tilespmem:s13+$0xFFFFFF90];
	v22 =	vpop (erf)  }
0x294: {  	v28 =	vbroadcast v20, $0x6;
	v27 =	vbroadcast v20, $0x7;
	v38 =	vld [tilespmem:s13+$0xFFFFFFA0];
	[tilespmem:s25+$0xFFFFFFE0] =	vst v22  }
0x295: {  	v21 =	vmul.f32 v30, v21;
	v30 =	vbroadcast v20, $0x4;
	v47 =	vld [tilespmem:s13+$0xFFFFFF00]  }
0x296: {  	[tilespmem:s11+$0x30] =	vst v23;
	v20 =	vbroadcast v56, $0x1;
	v23 =	vbroadcast v56, $0x2;
	v50 =	vld [tilespmem:s13+$0xFFFFFF10]  }
0x297: {  	[tilespmem:s11+$0xFFFFFFE0] =	vst v24;
	v25 =	vbroadcast v56, $0x4;
	v24 =	vbroadcast v56, $0x5;
	v51 =	vld [tilespmem:s13+$0xFFFFFF20]  }
0x298: {  	[tilespmem:s11+$0x20] =	vst v17;
	v17 =	vbroadcast v56, $0x6;
	v35 =	vbroadcast v56, $0x7;
	v52 =	vld [tilespmem:s13+$0xFFFFFF30]  }
0x299: {  	[tilespmem:s11+$0x60] =	vst v55;
	v41 =	vbroadcast v22, $0x0;
	v48 =	vbroadcast v22, $0x1;
	v53 =	vld [tilespmem:s13+$0xFFFFFF40]  }
0x29a: {  	[tilespmem:s11+$0x50] =	vst v63;
	v45 =	vbroadcast v22, $0x2;
	v49 =	vbroadcast v22, $0x3;
	v36 =	vld [tilespmem:s13+$0xFFFFFF50]  }
0x29b: {  	[tilespmem:s11+$0x40] =	vst v62;
	v44 =	vbroadcast v22, $0x4;
	v46 =	vbroadcast v22, $0x5;
	v37 =	vld [tilespmem:s13+$0xFFFFFF60]  }
0x29c: {  	[tilespmem:s25+$0x0] =	vst v56;
	v42 =	vbroadcast v22, $0x6;
	v43 =	vbroadcast v22, $0x7;
	v54 =	vld [tilespmem:s13+$0xFFFFFF70]  }
0x29d: {  	s15 =	simm.s32 $0x4;
	s14 =	simm.s32 $0x1B0B0;
	s8 =	simm.s32 $0x1EA50;
	v55 =	vld [tilespmem:s13+$0xFFFFFFB0];
	v22 =	vbroadcast v56, $0x0;
	[tilespmem:s13+$0xF0] =	vst v21;
	v21 =	vbroadcast v56, $0x3  }
.LBB2_10:
0x29e: {  	v56 =	vld [tilespmem:s8+$0x10];
	v41 =	vmul.f32 v41, v47;
	v47 =	vmul.f32 v48, v50;
	s12 =	sadd.s32 $0x40, s12  }
0x29f: {  	s15 =	sadd.s32 $0x4, s15;
	v45 =	vmul.f32 v45, v51;
	v49 =	vmul.f32 v52, v49;
	v48 =	vld [tilespmem:s12+$0x10]  }
0x2a0: {  	v36 =	vmul.f32 v36, v46;
	p0 =	slt.u32 s15, $0x24;
	v50 =	vld [tilespmem:s12+$0xFFFFFFE0];
	[tilespmem:s13+$0xFFFFFF00] =	vst v41;
	v41 =	vmul.f32 v53, v44  }
0x2a1: {  	v37 =	vmul.f32 v37, v42;
	v42 =	vmul.f32 v54, v43;
	v44 =	vld [tilespmem:s8+$0xFFFFFFF0];
	[tilespmem:s13+$0xFFFFFF10] =	vst v47  }
0x2a2: {  	v32 =	vmul.f32 v32, v34;
	v33 =	vmul.f32 v33, v39;
	v43 =	vld [tilespmem:s12+$0xFFFFFFF0];
	[tilespmem:s13+$0xFFFFFF20] =	vst v45  }
0x2a3: {  	v31 =	vmul.f32 v31, v38;
	v39 =	vmul.f32 v55, v40;
	v34 =	vld [tilespmem:s8+$0x0];
	[tilespmem:s13+$0xFFFFFF30] =	vst v49  }
0x2a4: {  	v16 =	vmul.f32 v16, v18;
	v13 =	vmul.f32 v13, v4;
	v40 =	vld [tilespmem:s12+$0x0];
	v38 =	vadd.f32 v48, v56;
	[tilespmem:s13+$0xFFFFFF40] =	vst v41  }
0x2a5: {  	v15 =	vmul.f32 v15, v19;
	v14 =	vmul.f32 v14, v26;
	v4 =	vmov v35;
	v18 =	vld [tilespmem:s8+$0xFFFFFFE0];
	[tilespmem:s13+$0xFFFFFF50] =	vst v36  }
0x2a6: {  	v36 =	vmul.f32 v6, v1;
	v1 =	vmov v11;
	v19 =	vmul.f32 $2.000000030e-01, v38;
	[tilespmem:s13+$0xFFFFFF60] =	vst v37;
	v26 =	vld [tilespmem:s13+$0xFFFFFFC0]  }
0x2a7: {  	vm0 =	vge.f32 v38, $0.0e+00;
	v37 =	vmul.f32 v5, v0;
	v0 =	vmovc v12;
	v6 =	vadd.f32 v43, v44;
	[tilespmem:s13+$0xFFFFFF70] =	vst v42;
	v11 =	vld [tilespmem:s13+$0xFFFFFFD0]  }
0x2a8: {  	v35 =	vmul.f32 v8, v2;
	v5 =	vsel vm0, v38, v19;
	[tilespmem:s13+$0xFFFFFF80] =	vst v32;
	v12 =	vld [tilespmem:s13+$0xFFFFFFE0];
	v38 =	vmul.f32 v7, v3  }
0x2a9: {  	v2 =	vmovc v10;
	v3 =	vmovc v9;
	v7 =	vmul.f32 $2.000000030e-01, v6;
	v8 =	vadd.f32 v40, v34;
	v5 =	vmul.f32 $1.442695020e+00, v5;
	[tilespmem:s13+$0xFFFFFF90] =	vst v33;
	v19 =	vld [tilespmem:s13+$0xFFFFFFF0]  }
0x2aa: {  	vm0 =	vge.f32 v6, $0.0e+00;
	v9 =	vadd.f32 v50, v18;
	[tilespmem:s13+$0xFFFFFFA0] =	vst v31;
	v10 =	vld [tilespmem:s13+$0x0]  }
0x2ab: {  	vm1 =	vge.f32 v8, $0.0e+00;
	v18 =	vmul.f32 $2.000000030e-01, v8;
	(erf) = vpow2.f32 v5;
	[tilespmem:s13+$0xFFFFFFB0] =	vst v39;
	v5 =	vld [tilespmem:s13+$0x10]  }
0x2ac: {  	v6 =	vsel vm0, v6, v7;
	vm2 =	vge.f32 v9, $0.0e+00;
	v31 =	vmul.f32 $2.000000030e-01, v9;
	v7 =	vld [tilespmem:s13+$0x20];
	[tilespmem:s11+$0x70] =	vst v13  }
0x2ad: {  	v6 =	vmul.f32 $1.442695020e+00, v6;
	v13 =	vmul.f32 v26, v30;
	v8 =	vsel vm1, v8, v18;
	v18 =	vld [tilespmem:s13+$0x30];
	[tilespmem:s13+$0x80] =	vst v16  }
0x2ae: {  	v11 =	vmul.f32 v11, v29;
	v9 =	vsel vm2, v9, v31;
	v8 =	vmul.f32 $1.442695020e+00, v8;
	v16 =	vld [tilespmem:s13+$0x40];
	[tilespmem:s13+$0x90] =	vst v15  }
0x2af: {  	v9 =	vmul.f32 $1.442695020e+00, v9;
	(erf) = vpow2.f32 v6;
	[tilespmem:s13+$0xFFFFFFC0] =	vst v13;
	v15 =	vld [tilespmem:s13+$0x50]  }
0x2b0: {  	v6 =	vmul.f32 v12, v28;
	(erf) = vpow2.f32 v8;
	[tilespmem:s13+$0xFFFFFFD0] =	vst v11;
	v26 =	vld [tilespmem:s13+$0x60]  }
0x2b1: {  	v8 =	vmul.f32 v19, v27;
	(erf) = vpow2.f32 v9;
	v13 =	vld [tilespmem:s13+$0x70];
	[tilespmem:s13+$0xA0] =	vst v14  }
0x2b2: {  	v9 =	vmul.f32 v22, v10;
	v10 =	vmul.f32 v20, v5;
	[tilespmem:s13+$0xFFFFFFE0] =	vst v6;
	v6 =	vld [tilespmem:s13+$0xB0]  }
0x2b3: {  	v19 =	vmul.f32 v23, v7;
	v20 =	vmul.f32 v18, v21;
	[tilespmem:s13+$0xFFFFFFF0] =	vst v8;
	v5 =	vld [tilespmem:s13+$0xC0]  }
0x2b4: {  	v22 =	vmul.f32 v16, v25;
	v21 =	vpop (erf);
	[tilespmem:s13+$0x0] =	vst v9;
	v23 =	vmul.f32 v15, v24;
	v7 =	vld [tilespmem:s13+$0xD0]  }
0x2b5: {  	s13 =	sadd.s32 $0x200, s13;
	[tilespmem:s8+$0x10] =	vst v21;
	v16 =	vbroadcast v21, $0x0;
	v15 =	vbroadcast v21, $0x1;
	v8 =	vld [tilespmem:s14+$0xE0]  }
0x2b6: {  	v14 =	vbroadcast v21, $0x2;
	v11 =	vbroadcast v21, $0x3;
	v24 =	vld [tilespmem:s13+$0xF0];
	[tilespmem:s14+$0x10] =	vst v10  }
0x2b7: {  	v12 =	vbroadcast v21, $0x4;
	v9 =	vbroadcast v21, $0x5;
	v18 =	vld [tilespmem:s13+$0x80];
	[tilespmem:s14+$0x20] =	vst v19  }
0x2b8: {  	v17 =	vmul.f32 v26, v17;
	v10 =	vbroadcast v21, $0x6;
	v19 =	vld [tilespmem:s13+$0x90];
	v25 =	vpop (erf);
	[tilespmem:s14+$0x30] =	vst v20  }
0x2b9: {  	v20 =	vbroadcast v21, $0x7;
	[tilespmem:s8+$0xFFFFFFF0] =	vst v25;
	v32 =	vbroadcast v25, $0x0;
	v26 =	vld [tilespmem:s13+$0xA0];
	v56 =	vpop (erf)  }
0x2ba: {  	v33 =	vbroadcast v25, $0x1;
	v31 =	vbroadcast v25, $0x2;
	v34 =	vld [tilespmem:s13+$0xFFFFFF80];
	[tilespmem:s8+$0x0] =	vst v56;
	v21 =	vpop (erf)  }
0x2bb: {  	[tilespmem:s8+$0xFFFFFFE0] =	vst v21;
	v41 =	vbroadcast v21, $0x0;
	v39 =	vld [tilespmem:s13+$0xFFFFFF90];
	v20 =	vmul.f32 v24, v20  }
0x2bc: {  	v48 =	vbroadcast v21, $0x1;
	v45 =	vbroadcast v21, $0x2;
	v47 =	vld [tilespmem:s13+$0xFFFFFF00];
	[tilespmem:s14+$0x40] =	vst v22  }
0x2bd: {  	v49 =	vbroadcast v21, $0x3;
	v44 =	vbroadcast v21, $0x4;
	v50 =	vld [tilespmem:s13+$0xFFFFFF10];
	[tilespmem:s13+$0xF0] =	vst v20  }
0x2be: {  	v46 =	vbroadcast v21, $0x5;
	v42 =	vbroadcast v21, $0x6;
	v51 =	vld [tilespmem:s13+$0xFFFFFF20];
	[tilespmem:s14+$0x50] =	vst v23  }
0x2bf: {  	v40 =	vbroadcast v25, $0x3;
	v43 =	vbroadcast v21, $0x7;
	v52 =	vld [tilespmem:s13+$0xFFFFFF30];
	[tilespmem:s14+$0x60] =	vst v17  }
0x2c0: {  	v30 =	vbroadcast v25, $0x4;
	v29 =	vbroadcast v25, $0x5;
	v53 =	vld [tilespmem:s13+$0xFFFFFF40];
	[tilespmem:s11+$0xB0] =	vst v36  }
.Ltmp4:
0x2c1: {  	v28 =	vbroadcast v25, $0x6;
	v27 =	vbroadcast v25, $0x7;
	v36 =	vld [tilespmem:s13+$0xFFFFFF50];
	[tilespmem:s11+$0xC0] =	vst v37;
	(pc) =	sbr.rel @p0 .LBB2_10-.Ltmp4, $4  }
0x2c2: {  	v22 =	vbroadcast v56, $0x0;
	v20 =	vbroadcast v56, $0x1;
	v37 =	vld [tilespmem:s13+$0xFFFFFF60];
	[tilespmem:s11+$0xD0] =	vst v38  }
0x2c3: {  	v21 =	vbroadcast v56, $0x3;
	v23 =	vbroadcast v56, $0x2;
	v54 =	vld [tilespmem:s13+$0xFFFFFF70];
	[tilespmem:s11+$0xE0] =	vst v35;
	s11 =	smov.u32 s14;
	s14 =	smov.u32 s13  }
0x2c4: {  	v25 =	vbroadcast v56, $0x4;
	v24 =	vbroadcast v56, $0x5;
	v38 =	vld [tilespmem:s13+$0xFFFFFFA0]  }
0x2c5: {  	s8 =	sadd.s32 $0x40, s8;
	v17 =	vbroadcast v56, $0x6;
	v35 =	vbroadcast v56, $0x7;
	v55 =	vld [tilespmem:s13+$0xFFFFFFB0]  }
0x2c6: {  	v41 =	vmul.f32 v41, v47  }
0x2c7: {  	v58 =	vmul.f32 v48, v50  }
0x2c8: {  	v45 =	vmul.f32 v45, v51;
	[tilespmem:s13+$0xFFFFFF00] =	vst v41  }
0x2c9: {  	v59 =	vmul.f32 v52, v49;
	[tilespmem:s13+$0xFFFFFF10] =	vst v58  }
0x2ca: {  	v44 =	vmul.f32 v53, v44;
	[tilespmem:s13+$0xFFFFFF20] =	vst v45  }
0x2cb: {  	v36 =	vmul.f32 v36, v46;
	[tilespmem:s13+$0xFFFFFF30] =	vst v59  }
0x2cc: {  	v32 =	vmul.f32 v32, v34;
	[tilespmem:s13+$0xFFFFFF40] =	vst v44  }
0x2cd: {  	v33 =	vmul.f32 v33, v39;
	[tilespmem:s13+$0xFFFFFF50] =	vst v36  }
0x2ce: {  	v4 =	vmul.f32 v13, v4;
	[tilespmem:s13+$0xFFFFFF80] =	vst v32  }
0x2cf: {  	v15 =	vmul.f32 v15, v19;
	[tilespmem:s13+$0xFFFFFF90] =	vst v33  }
0x2d0: {  	v14 =	vmul.f32 v14, v26;
	[tilespmem:s11+$0x70] =	vst v4  }
0x2d1: {  	v1 =	vmul.f32 v6, v1;
	[tilespmem:s13+$0x90] =	vst v15  }
0x2d2: {  	v0 =	vmul.f32 v5, v0;
	[tilespmem:s13+$0xA0] =	vst v14  }
0x2d3: {  	v3 =	vmul.f32 v7, v3;
	[tilespmem:s11+$0xB0] =	vst v1  }
0x2d4: {  	v60 =	vld [tilespmem:s13+$0xFFFFFFC0];
	v57 =	vmul.f32 v8, v2;
	[tilespmem:s11+$0xC0] =	vst v0  }
0x2d5: {  	v61 =	vld [tilespmem:s13+$0xFFFFFFD0];
	v37 =	vmul.f32 v37, v42;
	[tilespmem:s11+$0xD0] =	vst v3  }
0x2d6: {  	v63 =	vld [tilespmem:s13+$0xFFFFFFE0];
	v62 =	vmul.f32 v54, v43;
	[tilespmem:s11+$0xE0] =	vst v57  }
0x2d7: {  	v39 =	vld [tilespmem:s13+$0xFFFFFFF0];
	[tilespmem:s13+$0xFFFFFF60] =	vst v37;
	v31 =	vmul.f32 v31, v38  }
0x2d8: {  	v46 =	vld [tilespmem:s13+$0x30];
	v38 =	vmul.f32 v55, v40;
	[tilespmem:s13+$0xFFFFFF70] =	vst v62  }
0x2d9: {  	v56 =	vld [tilespmem:s13+$0xD0];
	v40 =	vmul.f32 v16, v18;
	[tilespmem:s13+$0xFFFFFFA0] =	vst v31  }
0x2da: {  	v41 =	vld [tilespmem:s13+$0x0];
	v43 =	vmul.f32 v60, v30;
	[tilespmem:s13+$0xFFFFFFB0] =	vst v38  }
0x2db: {  	v54 =	vld [tilespmem:s13+$0xB0];
	v45 =	vmul.f32 v61, v29;
	[tilespmem:s13+$0x80] =	vst v40  }
0x2dc: {  	v42 =	vld [tilespmem:s13+$0x10];
	v48 =	vmul.f32 v63, v28;
	[tilespmem:s13+$0xFFFFFFC0] =	vst v43  }
0x2dd: {  	v44 =	vld [tilespmem:s13+$0x20];
	v27 =	vmul.f32 v39, v27;
	[tilespmem:s13+$0xFFFFFFD0] =	vst v45  }
0x2de: {  	v47 =	vld [tilespmem:s13+$0x40];
	v62 =	vmul.f32 v56, v9;
	[tilespmem:s13+$0xFFFFFFE0] =	vst v48  }
0x2df: {  	v49 =	vld [tilespmem:s13+$0x50];
	v16 =	vmul.f32 v22, v41;
	[tilespmem:s13+$0xFFFFFFF0] =	vst v27  }
0x2e0: {  	v55 =	vld [tilespmem:s13+$0xC0];
	v60 =	vmul.f32 v54, v11;
	[tilespmem:s14+$0xD0] =	vst v62  }
0x2e1: {  	v50 =	vld [tilespmem:s13+$0x60];
	v4 =	vmul.f32 v20, v42;
	[tilespmem:s13+$0x0] =	vst v16  }
0x2e2: {  	v51 =	vld [tilespmem:s13+$0x70];
	v13 =	vmul.f32 v23, v44;
	[tilespmem:s14+$0xB0] =	vst v60  }
0x2e3: {  	v15 =	vmul.f32 v46, v21;
	[tilespmem:s14+$0x10] =	vst v4  }
0x2e4: {  	v52 =	vmul.f32 v47, v25;
	v58 =	vld [tilespmem:s14+$0xE0];
	[tilespmem:s14+$0x20] =	vst v13  }
0x2e5: {  	v53 =	vmul.f32 v49, v24;
	[tilespmem:s14+$0x30] =	vst v15  }
0x2e6: {  	v14 =	vmul.f32 v50, v17;
	[tilespmem:s14+$0x40] =	vst v52  }
0x2e7: {  	v59 =	vmul.f32 v51, v35;
	[tilespmem:s14+$0x50] =	vst v53  }
0x2e8: {  	v61 =	vmul.f32 v55, v12;
	[tilespmem:s14+$0x60] =	vst v14  }
0x2e9: {  	[tilespmem:s14+$0x70] =	vst v59;
	v63 =	vmul.f32 v58, v10  }
0x2ea: {  	[tilespmem:s14+$0xC0] =	vst v61  }
0x2eb: {  	s8 =	simm.s32 $0x1AD88;
	[tilespmem:s14+$0xE0] =	vst v63  }
0x2ec: {  	[spmem:s3] =	stream.indirect.scatter.add.f32 [tilespmem:s22], [sflag:$0x4], $0x80, s8, s21, $0xb8;
	[tilespmem:$0x1F8B0] =	vst v63  }
0x2ed: {  	s15 =	simm.s32 $0x5  }
0x2ee: {  	[spmem:s4] =	stream.indirect.scatter.add.f32 [tilespmem:s23], [sflag:$0x4], $0x10, s8, s21, $0xb8;
	[tilespmem:$0x1F8B0] =	vst v63  }
0x2ef: {  	_ =	swait.ge [sflag:s15], $0x1400  }
0x2f0: {  	[sflag:s15] =	ssyncset.done $0x0  }
0x2f1: {  	[sflag:s15] =	ssyncadd.s32 $0xFFFFEC00  }
0x2f2: {  	_ =	swait.ge [sflag:s15], $0x280  }
0x2f3: {  	[sflag:s15] =	ssyncset.done $0x0  }
0x2f4: {  	s16 =	simm.s32 $0x6;
	[sflag:s15] =	ssyncadd.s32 $0xFFFFFD80  }
0x2f5: {  	_ =	swait.ge [sflag:s16], $0x1400  }
0x2f6: {  	[sflag:s16] =	ssyncset.done $0x0  }
0x2f7: {  	[sflag:s16] =	ssyncadd.s32 $0xFFFFEC00  }
0x2f8: {  	_ =	swait.ge [sflag:s16], $0x280  }
0x2f9: {  	[sflag:s16] =	ssyncset.done $0x0  }
0x2fa: {  	[sflag:s16] =	ssyncadd.s32 $0xFFFFFD80  }
0x2fb: {  	_ =	swait.ge [sflag:s30], $0x1400  }
0x2fc: {  	[sflag:s30] =	ssyncset.done $0x0  }
0x2fd: {  	[sflag:s30] =	ssyncadd.s32 $0xFFFFEC00  }
0x2fe: {  	_ =	swait.ge [sflag:s30], $0x280  }
0x2ff: {  	[sflag:s30] =	ssyncset.done $0x0  }
0x300: {  	[sflag:s30] =	ssyncadd.s32 $0xFFFFFD80  }
0x301: {  	[bflag:$0x0] =	sbarrier.arrive $0xFFFF  }
0x302: {  	s18 =	rddreg [dreg:$0xa]  }
0x303: {  	s11 =	rddreg [dreg:$0xd]  }
0x304: {  	[hbm:s18], [sflag:s9] =	dma.local [spmem:s11], $0x2710  }
0x305: {  	_ =	swait.ge [sflag:s17], $0x2710  }
0x306: {  	[sflag:s17] =	ssyncset.done $0x0;
	s19 =	rddreg [dreg:$0xb]  }
0x307: {  	s12 =	rddreg [dreg:$0xe];
	[sflag:s17] =	ssyncadd.s32 $0xFFFFD8F0  }
0x308: {  	[hbm:s19], [sflag:s9] =	dma.local [spmem:s12], $0x4E2  }
0x309: {  	_ =	swait.ge [sflag:s17], $0x4E2  }
0x30a: {  	s10 =	sadd.s32 $0x1, s10;
	s25 =	rddreg [dreg:$0xc]  }
0x30b: {  	p0 =	sne.s32 s10, s25  }
.Ltmp5:
0x30c: {  	_ = 	snop;
	(pc) =	sbr.rel @p0 .LBB2_1-.Ltmp5, $3  }
0x30d: {  	_ =	sdelay $0x1  }
0x30e: {  	[sflag:s17] =	ssyncset.done $0x0  }
0x30f: {  	[sflag:s17] =	ssyncadd.s32 $0xFFFFFB1E  }
0x310: {  	_ =	sfence.sel $0x180000  }
0x311: {  	[bflag:$0x0] =	sbarrier.arrive $0xFFFF  }
0x312: {  	_ =	strace $0x90000047  }
0x313: {  	s0 =	stileid.u32;
	[bflag:$0x2] =	sbarrier.arrive $0xFFFF  }
0x314: {  	p0 =	sne.s32 s0, $0x0;
	s0 =	rddreg [dreg:$0x5]  }
0x315: {  	s0 =	sadd.s32 @!p0 $0x100000, s0  }
0x316: {  	[sflag:s0] =	ssyncadd.tile.s32 @!p0 $0x1;
	_ =	shalt  }
.Lfunc_end2:
_tile_overlayer_lowered:
.L_overlay_start_2:
0x317: {  	(tag) =	ssettag $0x2  }
0x318: {  	s0 =	rddreg [dreg:$0x0];
	s2 =	stileid.u32  }
0x319: {  	s1 =	rddreg [dreg:$0x1];
	p0 =	sne.s32 s2, $0x0  }
0x31a: {  	s3 =	rddreg [dreg:$0x2];
	[bflag:$0x3] =	sbarrier.arrive $0xFFFF;
	s2 =	simm.s32 @!p0 $0x1C07  }
0x31b: {  	[timem:s3], [sflag:s2] =	dma.local @!p0 [hbm:s0], s1  }
0x31c: {  	s0 =	simm.s32 @!p0 $0x7  }
0x31d: {  	_ =	swait.ge @!p0 [sflag:s0], s1  }
0x31e: {  	s1 =	ssub.s32 @!p0 $0x0, s1;
	[sflag:s0] =	ssyncset.done @!p0 $0x0  }
0x31f: {  	[sflag:s0] =	ssyncadd.s32 @!p0 s1  }
0x320: {  	[bflag:$0x3] =	sbarrier.arrive $0xFFFF  }
0x321: {  	_ =	shalt  }

</sc_bundles>
